<compile_context>
chip_gen: v7x
topology: tpu7x:2x2x1
jax: 0.10.2.dev20260603
libtpu: 0.0.44.dev20260713+nightly
codegen_flags: <defaults>
</compile_context>

<pallas_src>
import jax
import jax.numpy as jnp
from jax import lax
from jax.experimental import pallas as pl
from jax.experimental.pallas import tpu as pltpu
from jax.experimental.pallas import tpu_sc as plsc

NC = 2
NS = 16
L = 16
NW = NC * NS

B = 16384
D = 64
D2 = 2 * D
H = 256
BPW = B // NW

CH = 256
NCHUNK = BPW // CH

BLK = 2048
GRID = B // BLK


def _mix_body(uidx_hbm, iidx_hbm, utab_hbm, itab_hbm, out_hbm,
              uidx_c, iidx_c, half_c, upair_v, ipair_v, mix_v, usem, isem):
    wid = lax.axis_index("s") * NC + lax.axis_index("c")
    base = wid * BPW

    def chunk(c, carry0):
        cbase = base + c * CH
        pltpu.sync_copy(uidx_hbm.at[pl.ds(cbase, CH)], uidx_c)
        pltpu.sync_copy(iidx_hbm.at[pl.ds(cbase, CH)], iidx_c)

        def halve(k, carry):
            sl = pl.ds(k * L, L)
            u = uidx_c[sl]
            i = iidx_c[sl]
            half_c[sl] = (u & 1) | ((i & 1) << 1)
            uidx_c[sl] = u >> 1
            iidx_c[sl] = i >> 1
            return carry

        lax.fori_loop(0, CH // L, halve, 0)

        cu = pltpu.async_copy(utab_hbm.at[uidx_c], upair_v, usem)
        ci = pltpu.async_copy(itab_hbm.at[iidx_c], ipair_v, isem)
        cu.wait()
        ci.wait()

        def group(k, carry):
            hvec = half_c[pl.ds(k * L, L)]
            for j in range(L):
                h = hvec[j]
                uh = h & 1
                ih = h >> 1
                row = k * L + j
                for t in range(D // L):
                    ulo = upair_v[row, pl.ds(t * L, L)]
                    uhi = upair_v[row, pl.ds(D + t * L, L)]
                    ilo = ipair_v[row, pl.ds(t * L, L)]
                    ihi = ipair_v[row, pl.ds(D + t * L, L)]
                    uval = jnp.where(uh == 1, uhi, ulo)
                    ival = jnp.where(ih == 1, ihi, ilo)
                    mix_v[row, pl.ds(t * L, L)] = uval * ival
            return carry

        lax.fori_loop(0, CH // L, group, 0)

        def row_out(i, carry):
            pltpu.async_copy(mix_v.at[pl.ds(i, 1)],
                             out_hbm.at[pl.ds(cbase + i, 1)], usem)
            return carry

        lax.fori_loop(0, CH, row_out, 0)
        pltpu.make_async_copy(out_hbm.at[pl.ds(0, CH)], mix_v, usem).wait()
        return carry0

    lax.fori_loop(0, NCHUNK, chunk, 0)


_mix_call = pl.kernel(
    _mix_body,
    mesh=plsc.VectorSubcoreMesh(core_axis_name="c", subcore_axis_name="s"),
    out_type=jax.ShapeDtypeStruct((B, D), jnp.float32),
    scratch_types=[
        pltpu.VMEM((CH,), jnp.int32),
        pltpu.VMEM((CH,), jnp.int32),
        pltpu.VMEM((CH,), jnp.int32),
        pltpu.VMEM((CH, D2), jnp.float32),
        pltpu.VMEM((CH, D2), jnp.float32),
        pltpu.VMEM((CH, D), jnp.float32),
        pltpu.SemaphoreType.DMA,
        pltpu.SemaphoreType.DMA,
    ],
)


TW = 4096
TGRID = (1000000 + TW - 1) // TW


def _tr_body(in_ref, out_ref):
    t3 = in_ref[...].T.reshape(TW // 2, 2, D)
    out_ref[:, 0:D] = t3[:, 0, :]
    out_ref[:, D:D2] = t3[:, 1, :]


def _pair_table(tab_t):
    return pl.pallas_call(
        _tr_body,
        grid=(TGRID,),
        in_specs=[pl.BlockSpec((D, TW), lambda i: (0, i))],
        out_specs=pl.BlockSpec((TW // 2, D2), lambda i: (i, 0)),
        out_shape=jax.ShapeDtypeStruct((500000, D2), jnp.float32),
    )(tab_t)


def _mlp_body(mix_ref, w1_ref, b1_ref, w2_ref, b2_ref, out_ref):
    h = jnp.dot(mix_ref[...], w1_ref[...], preferred_element_type=jnp.float32)
    h = jnp.maximum(h + b1_ref[...], 0.0)
    z = jnp.dot(h, w2_ref[...], preferred_element_type=jnp.float32)
    out_ref[...] = jax.nn.sigmoid(z + b2_ref[...])


def _mlp(mix, W1, b1, W2, b2):
    return pl.pallas_call(
        _mlp_body,
        grid=(GRID,),
        in_specs=[
            pl.BlockSpec((BLK, D), lambda i: (i, 0)),
            pl.BlockSpec((D, H), lambda i: (0, 0)),
            pl.BlockSpec((1, H), lambda i: (0, 0)),
            pl.BlockSpec((H, 1), lambda i: (0, 0)),
            pl.BlockSpec((1, 1), lambda i: (0, 0)),
        ],
        out_specs=pl.BlockSpec((BLK, 1), lambda i: (i, 0)),
        out_shape=jax.ShapeDtypeStruct((B, 1), jnp.float32),
    )(mix, W1, b1.reshape(1, H), W2, b2.reshape(1, 1))


def kernel(user, item, user_table, item_table, W1, b1, W2, b2):
    user = user.astype(jnp.int32)
    item = item.astype(jnp.int32)
    ut2 = jnp.reshape(lax.optimization_barrier(user_table), (500000, D2))
    it2 = jnp.reshape(lax.optimization_barrier(item_table), (500000, D2))
    mix = _mix_call(user, item, ut2, it2)
    out = _mlp(mix, W1, b1, W2, b2)
    return out.reshape(-1)

# --- scband reference (transcript-rebuilt; emitter-appended) ---
"""Pipeline reference for scband-recommender-net-72069551227380 (READ-ONLY COPY).

The authoritative reference and input builder live on the scoring server;
editing this copy changes nothing except your own understanding.
"""

import jax, jax.numpy as jnp
import numpy as np

N_USERS = 1000000
N_ITEMS = 1000000
DIM = 64
BATCH = 16384


def setup_inputs(seed: int = 0) -> dict:
    key = jax.random.key(seed)
    ku, ki, kut, kit, kw1, kb1, kw2, kb2 = jax.random.split(key, 8)
    bound = DIM ** (-0.5)
    user = jax.random.randint(ku, (BATCH,), 0, N_USERS, dtype=jnp.int64) if jax.config.jax_enable_x64 else jax.random.randint(ku, (BATCH,), 0, N_USERS, dtype=jnp.int32)
    item = jax.random.randint(ki, (BATCH,), 0, N_ITEMS, dtype=jnp.int32)
    user_table = jax.random.uniform(kut, (N_USERS, DIM), jnp.float32, -bound, bound)
    item_table = jax.random.uniform(kit, (N_ITEMS, DIM), jnp.float32, -bound, bound)
    # Linear(dim, 4*dim): PyTorch default init uniform(-1/sqrt(fan_in), 1/sqrt(fan_in))
    b1lim = (DIM) ** (-0.5)
    W1 = jax.random.uniform(kw1, (DIM, 4 * DIM), jnp.float32, -b1lim, b1lim)
    b1 = jax.random.uniform(kb1, (4 * DIM,), jnp.float32, -b1lim, b1lim)
    b2lim = (4 * DIM) ** (-0.5)
    W2 = jax.random.uniform(kw2, (4 * DIM, 1), jnp.float32, -b2lim, b2lim)
    b2 = jax.random.uniform(kb2, (1,), jnp.float32, -b2lim, b2lim)
    return {"user": user, "item": item, "user_table": user_table, "item_table": item_table, "W1": W1, "b1": b1, "W2": W2, "b2": b2}


def reference(user, item, user_table, item_table, W1, b1, W2, b2):
    user_emb = jnp.take(user_table, user, axis=0)
    item_emb = jnp.take(item_table, item, axis=0)
    mix = user_emb * item_emb
    h = jax.nn.relu(mix @ W1 + b1)
    out = jax.nn.sigmoid(h @ W2 + b2)
    return out.reshape(-1)

if __name__ == "__main__":
    import jax
    _d = setup_inputs()
    print(jax.jit(kernel)(*tuple(_d.values())))

</pallas_src>

<mosaic_0001>
#map = affine_map<(d0, d1) -> (0)>
#map1 = affine_map<(d0, d1) -> (0, 0)>
module attributes {stable_mosaic.version = 14 : i64} {
  func.func @_mix_body(%arg0: i32, %arg1: i32, %arg2: memref<16384xi32, #tpu.memory_space<hbm>>, %arg3: memref<16384xi32, #tpu.memory_space<hbm>>, %arg4: memref<500000x128xf32, #tpu.memory_space<hbm>>, %arg5: memref<500000x128xf32, #tpu.memory_space<hbm>>, %arg6: memref<16384x64xf32, #tpu.memory_space<hbm>>, %arg7: memref<256xi32, #tpu.memory_space<vmem>>, %arg8: memref<256xi32, #tpu.memory_space<vmem>>, %arg9: memref<256xi32, #tpu.memory_space<vmem>>, %arg10: memref<256x128xf32, #tpu.memory_space<vmem>>, %arg11: memref<256x128xf32, #tpu.memory_space<vmem>>, %arg12: memref<256x64xf32, #tpu.memory_space<vmem>>, %arg13: memref<!tpu.dma_semaphore, #tpu.memory_space<semaphore_mem>>, %arg14: memref<!tpu.dma_semaphore, #tpu.memory_space<semaphore_mem>>) attributes {dimension_semantics = [#tpu.dimension_semantics<core_parallel>, #tpu.dimension_semantics<subcore_parallel>], iteration_bounds = array<i64: 2, 16>, scalar_prefetch = 0 : i64, scratch_operands = 8 : i64, tpu.core_type = #tpu.core_type<sc_vector_subcore>, window_params = [{transform_indices = #map}, {transform_indices = #map}, {transform_indices = #map1}, {transform_indices = #map1}, {transform_indices = #map1}]} {
    %mul3A = arith.constant 2 : i32
    %mul3A_0 = arith.muli %arg1, %mul3A : i32
    %add3A = arith.addi %mul3A_0, %arg0 : i32
    %mul3A_1 = arith.constant 512 : i32
    %mul3A_2 = arith.muli %add3A, %mul3A_1 : i32
    %scan3A = arith.constant 0 : i32
    %scan3A_3 = arith.constant 0 : i32
    %scan3A_4 = arith.constant 2 : i32
    %scan3A_5 = arith.addi %scan3A_3, %scan3A_4 : i32
    %scan3A_6 = arith.constant 1 : i32
    scf.for %scan3A_8 = %scan3A_3 to %scan3A_5 step %scan3A_6  : i32 {
      %mul3A_9 = arith.constant 256 : i32
      %mul3A_10 = arith.muli %scan3A_8, %mul3A_9 : i32
      %add3A_11 = arith.addi %mul3A_2, %mul3A_10 : i32
      "tpu.region"() ({
        %run_scoped3A = tpu.sem_alloc : memref<!tpu.dma_semaphore, #tpu.memory_space<semaphore_mem>>
        %dma_start3A_46 = tpu.memref_slice %arg2[%add3A_11] : memref<16384xi32, #tpu.memory_space<hbm>> -> memref<256xi32, #tpu.memory_space<hbm>>
        %dma_start3A_47 = tpu.memref_slice %arg2[%add3A_11] : memref<16384xi32, #tpu.memory_space<hbm>> -> memref<256xi32, #tpu.memory_space<hbm>>
        tpu.enqueue_dma source(%dma_start3A_47 : memref<256xi32, #tpu.memory_space<hbm>>) target(%arg7 : memref<256xi32, #tpu.memory_space<vmem>>) target_semaphore(%run_scoped3A : memref<!tpu.dma_semaphore, #tpu.memory_space<semaphore_mem>>)
        %dma_wait3A_48 = tpu.memref_slice %arg2[%add3A_11] : memref<16384xi32, #tpu.memory_space<hbm>> -> memref<256xi32, #tpu.memory_space<hbm>>
        %dma_wait3A_49 = tpu.memref_slice %arg2[%add3A_11] : memref<16384xi32, #tpu.memory_space<hbm>> -> memref<256xi32, #tpu.memory_space<hbm>>
        tpu.wait_dma2 semaphore(%run_scoped3A : memref<!tpu.dma_semaphore, #tpu.memory_space<semaphore_mem>>) src(%dma_wait3A_49 : memref<256xi32, #tpu.memory_space<hbm>>) dst(%arg7 : memref<256xi32, #tpu.memory_space<vmem>>)
        tpu.yield
      }) : () -> ()
      "tpu.region"() ({
        %run_scoped3A = tpu.sem_alloc : memref<!tpu.dma_semaphore, #tpu.memory_space<semaphore_mem>>
        %dma_start3A_46 = tpu.memref_slice %arg3[%add3A_11] : memref<16384xi32, #tpu.memory_space<hbm>> -> memref<256xi32, #tpu.memory_space<hbm>>
        %dma_start3A_47 = tpu.memref_slice %arg3[%add3A_11] : memref<16384xi32, #tpu.memory_space<hbm>> -> memref<256xi32, #tpu.memory_space<hbm>>
        tpu.enqueue_dma source(%dma_start3A_47 : memref<256xi32, #tpu.memory_space<hbm>>) target(%arg8 : memref<256xi32, #tpu.memory_space<vmem>>) target_semaphore(%run_scoped3A : memref<!tpu.dma_semaphore, #tpu.memory_space<semaphore_mem>>)
        %dma_wait3A_48 = tpu.memref_slice %arg3[%add3A_11] : memref<16384xi32, #tpu.memory_space<hbm>> -> memref<256xi32, #tpu.memory_space<hbm>>
        %dma_wait3A_49 = tpu.memref_slice %arg3[%add3A_11] : memref<16384xi32, #tpu.memory_space<hbm>> -> memref<256xi32, #tpu.memory_space<hbm>>
        tpu.wait_dma2 semaphore(%run_scoped3A : memref<!tpu.dma_semaphore, #tpu.memory_space<semaphore_mem>>) src(%dma_wait3A_49 : memref<256xi32, #tpu.memory_space<hbm>>) dst(%arg8 : memref<256xi32, #tpu.memory_space<vmem>>)
        tpu.yield
      }) : () -> ()
      %scan3A_12 = arith.constant 0 : i32
      %scan3A_13 = arith.constant 0 : i32
      %scan3A_14 = arith.constant 16 : i32
      %scan3A_15 = arith.addi %scan3A_13, %scan3A_14 : i32
      %scan3A_16 = arith.constant 1 : i32
      scf.for %scan3A_46 = %scan3A_13 to %scan3A_15 step %scan3A_16  : i32 {
        %mul3A_47 = arith.constant 16 : i32
        %mul3A_48 = arith.muli %scan3A_46, %mul3A_47 : i32
        %get3A = arith.index_cast %mul3A_48 : i32 to index
        %get3A_49 = tpu.vector_load %arg7[%get3A] {strides = array<i32>} : memref<256xi32, #tpu.memory_space<vmem>>, vector<16xi32>,
        %get3A_50 = vector.shape_cast %get3A_49 : vector<16xi32> to vector<16xi32>
        %get3A_51 = arith.index_cast %mul3A_48 : i32 to index
        %get3A_52 = tpu.vector_load %arg8[%get3A_51] {strides = array<i32>} : memref<256xi32, #tpu.memory_space<vmem>>, vector<16xi32>,
        %get3A_53 = vector.shape_cast %get3A_52 : vector<16xi32> to vector<16xi32>
        %and3A = arith.constant 1 : i32
        %and3A_54 = vector.broadcast %and3A : i32 to vector<16xi32>
        %and3A_55 = arith.andi %get3A_50, %and3A_54 : vector<16xi32>
        %and3A_56 = arith.constant 1 : i32
        %and3A_57 = vector.broadcast %and3A_56 : i32 to vector<16xi32>
        %and3A_58 = arith.andi %get3A_53, %and3A_57 : vector<16xi32>
        %shift_left3A = arith.constant 1 : i32
        %shift_left3A_59 = vector.broadcast %shift_left3A : i32 to vector<16xi32>
        %shift_left3A_60 = arith.shli %and3A_58, %shift_left3A_59 : vector<16xi32>
        %or3A = arith.ori %and3A_55, %shift_left3A_60 : vector<16xi32>
        %swap3A = arith.index_cast %mul3A_48 : i32 to index
        %swap3A_61 = tpu.vector_load %arg9[%swap3A] {strides = array<i32>} : memref<256xi32, #tpu.memory_space<vmem>>, vector<16xi32>,
        %swap3A_62 = vector.shape_cast %swap3A_61 : vector<16xi32> to vector<16xi32>
        %swap3A_63 = vector.shape_cast %or3A : vector<16xi32> to vector<16xi32>
        tpu.vector_store %arg9[%swap3A], %swap3A_63 {strides = array<i32>} : memref<256xi32, #tpu.memory_space<vmem>>, vector<16xi32>,
        %shift_right_arithmetic3A = arith.constant 1 : i32
        %shift_right_arithmetic3A_64 = vector.broadcast %shift_right_arithmetic3A : i32 to vector<16xi32>
        %shift_right_arithmetic3A_65 = arith.shrsi %get3A_50, %shift_right_arithmetic3A_64 : vector<16xi32>
        %swap3A_66 = arith.index_cast %mul3A_48 : i32 to index
        %swap3A_67 = tpu.vector_load %arg7[%swap3A_66] {strides = array<i32>} : memref<256xi32, #tpu.memory_space<vmem>>, vector<16xi32>,
        %swap3A_68 = vector.shape_cast %swap3A_67 : vector<16xi32> to vector<16xi32>
        %swap3A_69 = vector.shape_cast %shift_right_arithmetic3A_65 : vector<16xi32> to vector<16xi32>
        tpu.vector_store %arg7[%swap3A_66], %swap3A_69 {strides = array<i32>} : memref<256xi32, #tpu.memory_space<vmem>>, vector<16xi32>,
        %shift_right_arithmetic3A_70 = arith.constant 1 : i32
        %shift_right_arithmetic3A_71 = vector.broadcast %shift_right_arithmetic3A_70 : i32 to vector<16xi32>
        %shift_right_arithmetic3A_72 = arith.shrsi %get3A_53, %shift_right_arithmetic3A_71 : vector<16xi32>
        %swap3A_73 = arith.index_cast %mul3A_48 : i32 to index
        %swap3A_74 = tpu.vector_load %arg8[%swap3A_73] {strides = array<i32>} : memref<256xi32, #tpu.memory_space<vmem>>, vector<16xi32>,
        %swap3A_75 = vector.shape_cast %swap3A_74 : vector<16xi32> to vector<16xi32>
        %swap3A_76 = vector.shape_cast %shift_right_arithmetic3A_72 : vector<16xi32> to vector<16xi32>
        tpu.vector_store %arg8[%swap3A_73], %swap3A_76 {strides = array<i32>} : memref<256xi32, #tpu.memory_space<vmem>>, vector<16xi32>,
      }
      %scan3A_17 = arith.constant 16 : i32
      %dma_start3A = arith.constant 0 : i32
      %dma_start3A_18 = arith.constant 0 : i32
      %dma_start3A_19 = tpu.memref_slice %arg4[%dma_start3A, %dma_start3A_18] : memref<500000x128xf32, #tpu.memory_space<hbm>> -> memref<500000x128xf32, #tpu.memory_space<hbm>>
      tpu.enqueue_indirect_dma source(%dma_start3A_19 : memref<500000x128xf32, #tpu.memory_space<hbm>>) target(%arg10 : memref<256x128xf32, #tpu.memory_space<vmem>>) offsets(%arg7 : memref<256xi32, #tpu.memory_space<vmem>>) semaphore(%arg13 : memref<!tpu.dma_semaphore, #tpu.memory_space<semaphore_mem>>)
      %dma_start3A_20 = arith.constant 0 : i32
      %dma_start3A_21 = arith.constant 0 : i32
      %dma_start3A_22 = tpu.memref_slice %arg5[%dma_start3A_20, %dma_start3A_21] : memref<500000x128xf32, #tpu.memory_space<hbm>> -> memref<500000x128xf32, #tpu.memory_space<hbm>>
      tpu.enqueue_indirect_dma source(%dma_start3A_22 : memref<500000x128xf32, #tpu.memory_space<hbm>>) target(%arg11 : memref<256x128xf32, #tpu.memory_space<vmem>>) offsets(%arg8 : memref<256xi32, #tpu.memory_space<vmem>>) semaphore(%arg14 : memref<!tpu.dma_semaphore, #tpu.memory_space<semaphore_mem>>)
      %dma_wait3A = arith.constant 0 : i32
      %dma_wait3A_23 = arith.constant 0 : i32
      %dma_wait3A_24 = tpu.memref_slice %arg4[%dma_wait3A, %dma_wait3A_23] : memref<500000x128xf32, #tpu.memory_space<hbm>> -> memref<500000x128xf32, #tpu.memory_space<hbm>>
      tpu.wait_indirect_dma semaphore(%arg13 : memref<!tpu.dma_semaphore, #tpu.memory_space<semaphore_mem>>) src(%dma_wait3A_24 : memref<500000x128xf32, #tpu.memory_space<hbm>>) dst(%arg10 : memref<256x128xf32, #tpu.memory_space<vmem>>)
      %dma_wait3A_25 = arith.constant 0 : i32
      %dma_wait3A_26 = arith.constant 0 : i32
      %dma_wait3A_27 = tpu.memref_slice %arg5[%dma_wait3A_25, %dma_wait3A_26] : memref<500000x128xf32, #tpu.memory_space<hbm>> -> memref<500000x128xf32, #tpu.memory_space<hbm>>
      tpu.wait_indirect_dma semaphore(%arg14 : memref<!tpu.dma_semaphore, #tpu.memory_space<semaphore_mem>>) src(%dma_wait3A_27 : memref<500000x128xf32, #tpu.memory_space<hbm>>) dst(%arg11 : memref<256x128xf32, #tpu.memory_space<vmem>>)
      %scan3A_28 = arith.constant 0 : i32
      %scan3A_29 = arith.constant 0 : i32
      %scan3A_30 = arith.constant 16 : i32
      %scan3A_31 = arith.addi %scan3A_29, %scan3A_30 : i32
      %scan3A_32 = arith.constant 1 : i32
      scf.for %scan3A_46 = %scan3A_29 to %scan3A_31 step %scan3A_32  : i32 {
        %mul3A_47 = arith.constant 16 : i32
        %mul3A_48 = arith.muli %scan3A_46, %mul3A_47 : i32
        %get3A = arith.index_cast %mul3A_48 : i32 to index
        %get3A_49 = tpu.vector_load %arg9[%get3A] {strides = array<i32>} : memref<256xi32, #tpu.memory_space<vmem>>, vector<16xi32>,
        %get3A_50 = vector.shape_cast %get3A_49 : vector<16xi32> to vector<16xi32>
        %slice3A = vector.extract_strided_slice %get3A_50 {offsets = [0], sizes = [1], strides = [1]} : vector<16xi32> to vector<1xi32>
        %squeeze3A = vector.extract %slice3A[0] : i32 from vector<1xi32>
        %and3A = arith.constant 1 : i32
        %and3A_51 = arith.andi %squeeze3A, %and3A : i32
        %shift_right_arithmetic3A = arith.constant 1 : i32
        %shift_right_arithmetic3A_52 = arith.shrsi %squeeze3A, %shift_right_arithmetic3A : i32
        %mul3A_53 = arith.constant 16 : i32
        %mul3A_54 = arith.muli %scan3A_46, %mul3A_53 : i32
        %add3A_55 = arith.constant 0 : i32
        %add3A_56 = arith.addi %mul3A_54, %add3A_55 : i32
        %get3A_57 = arith.index_cast %add3A_56 : i32 to index
        %get3A_58 = arith.constant 0 : index
        %get3A_59 = tpu.vector_load %arg10[%get3A_57, %get3A_58] {strides = array<i32>} : memref<256x128xf32, #tpu.memory_space<vmem>>, vector<1x16xf32>,
        %get3A_60 = vector.shape_cast %get3A_59 : vector<1x16xf32> to vector<16xf32>
        %get3A_61 = arith.index_cast %add3A_56 : i32 to index
        %get3A_62 = arith.constant 64 : index
        %get3A_63 = tpu.vector_load %arg10[%get3A_61, %get3A_62] {strides = array<i32>} : memref<256x128xf32, #tpu.memory_space<vmem>>, vector<1x16xf32>,
        %get3A_64 = vector.shape_cast %get3A_63 : vector<1x16xf32> to vector<16xf32>
        %get3A_65 = arith.index_cast %add3A_56 : i32 to index
        %get3A_66 = arith.constant 0 : index
        %get3A_67 = tpu.vector_load %arg11[%get3A_65, %get3A_66] {strides = array<i32>} : memref<256x128xf32, #tpu.memory_space<vmem>>, vector<1x16xf32>,
        %get3A_68 = vector.shape_cast %get3A_67 : vector<1x16xf32> to vector<16xf32>
        %get3A_69 = arith.index_cast %add3A_56 : i32 to index
        %get3A_70 = arith.constant 64 : index
        %get3A_71 = tpu.vector_load %arg11[%get3A_69, %get3A_70] {strides = array<i32>} : memref<256x128xf32, #tpu.memory_space<vmem>>, vector<1x16xf32>,
        %get3A_72 = vector.shape_cast %get3A_71 : vector<1x16xf32> to vector<16xf32>
        %eq3A = arith.constant 1 : i32
        %eq3A_73 = arith.cmpi eq, %and3A_51, %eq3A : i32
        %select_n3A = arith.select %eq3A_73, %get3A_64, %get3A_60 : vector<16xf32>
        %eq3A_74 = arith.constant 1 : i32
        %eq3A_75 = arith.cmpi eq, %shift_right_arithmetic3A_52, %eq3A_74 : i32
        %select_n3A_76 = arith.select %eq3A_75, %get3A_72, %get3A_68 : vector<16xf32>
        %mul3A_77 = arith.mulf %select_n3A, %select_n3A_76 : vector<16xf32>
        %swap3A = arith.index_cast %add3A_56 : i32 to index
        %swap3A_78 = arith.constant 0 : index
        %swap3A_79 = tpu.vector_load %arg12[%swap3A, %swap3A_78] {strides = array<i32>} : memref<256x64xf32, #tpu.memory_space<vmem>>, vector<1x16xf32>,
        %swap3A_80 = vector.shape_cast %swap3A_79 : vector<1x16xf32> to vector<16xf32>
        %swap3A_81 = vector.shape_cast %mul3A_77 : vector<16xf32> to vector<1x16xf32>
        tpu.vector_store %arg12[%swap3A, %swap3A_78], %swap3A_81 {strides = array<i32>} : memref<256x64xf32, #tpu.memory_space<vmem>>, vector<1x16xf32>,
        %get3A_82 = arith.index_cast %add3A_56 : i32 to index
        %get3A_83 = arith.constant 16 : index
        %get3A_84 = tpu.vector_load %arg10[%get3A_82, %get3A_83] {strides = array<i32>} : memref<256x128xf32, #tpu.memory_space<vmem>>, vector<1x16xf32>,
        %get3A_85 = vector.shape_cast %get3A_84 : vector<1x16xf32> to vector<16xf32>
        %get3A_86 = arith.index_cast %add3A_56 : i32 to index
        %get3A_87 = arith.constant 80 : index
        %get3A_88 = tpu.vector_load %arg10[%get3A_86, %get3A_87] {strides = array<i32>} : memref<256x128xf32, #tpu.memory_space<vmem>>, vector<1x16xf32>,
        %get3A_89 = vector.shape_cast %get3A_88 : vector<1x16xf32> to vector<16xf32>
        %get3A_90 = arith.index_cast %add3A_56 : i32 to index
        %get3A_91 = arith.constant 16 : index
        %get3A_92 = tpu.vector_load %arg11[%get3A_90, %get3A_91] {strides = array<i32>} : memref<256x128xf32, #tpu.memory_space<vmem>>, vector<1x16xf32>,
        %get3A_93 = vector.shape_cast %get3A_92 : vector<1x16xf32> to vector<16xf32>
        %get3A_94 = arith.index_cast %add3A_56 : i32 to index
        %get3A_95 = arith.constant 80 : index
        %get3A_96 = tpu.vector_load %arg11[%get3A_94, %get3A_95] {strides = array<i32>} : memref<256x128xf32, #tpu.memory_space<vmem>>, vector<1x16xf32>,
        %get3A_97 = vector.shape_cast %get3A_96 : vector<1x16xf32> to vector<16xf32>
        %eq3A_98 = arith.constant 1 : i32
        %eq3A_99 = arith.cmpi eq, %and3A_51, %eq3A_98 : i32
        %select_n3A_100 = arith.select %eq3A_99, %get3A_89, %get3A_85 : vector<16xf32>
        %eq3A_101 = arith.constant 1 : i32
        %eq3A_102 = arith.cmpi eq, %shift_right_arithmetic3A_52, %eq3A_101 : i32
        %select_n3A_103 = arith.select %eq3A_102, %get3A_97, %get3A_93 : vector<16xf32>
        %mul3A_104 = arith.mulf %select_n3A_100, %select_n3A_103 : vector<16xf32>
        %swap3A_105 = arith.index_cast %add3A_56 : i32 to index
        %swap3A_106 = arith.constant 16 : index
        %swap3A_107 = tpu.vector_load %arg12[%swap3A_105, %swap3A_106] {strides = array<i32>} : memref<256x64xf32, #tpu.memory_space<vmem>>, vector<1x16xf32>,
        %swap3A_108 = vector.shape_cast %swap3A_107 : vector<1x16xf32> to vector<16xf32>
        %swap3A_109 = vector.shape_cast %mul3A_104 : vector<16xf32> to vector<1x16xf32>
        tpu.vector_store %arg12[%swap3A_105, %swap3A_106], %swap3A_109 {strides = array<i32>} : memref<256x64xf32, #tpu.memory_space<vmem>>, vector<1x16xf32>,
        %get3A_110 = arith.index_cast %add3A_56 : i32 to index
        %get3A_111 = arith.constant 32 : index
        %get3A_112 = tpu.vector_load %arg10[%get3A_110, %get3A_111] {strides = array<i32>} : memref<256x128xf32, #tpu.memory_space<vmem>>, vector<1x16xf32>,
        %get3A_113 = vector.shape_cast %get3A_112 : vector<1x16xf32> to vector<16xf32>
        %get3A_114 = arith.index_cast %add3A_56 : i32 to index
        %get3A_115 = arith.constant 96 : index
        %get3A_116 = tpu.vector_load %arg10[%get3A_114, %get3A_115] {strides = array<i32>} : memref<256x128xf32, #tpu.memory_space<vmem>>, vector<1x16xf32>,
        %get3A_117 = vector.shape_cast %get3A_116 : vector<1x16xf32> to vector<16xf32>
        %get3A_118 = arith.index_cast %add3A_56 : i32 to index
        %get3A_119 = arith.constant 32 : index
        %get3A_120 = tpu.vector_load %arg11[%get3A_118, %get3A_119] {strides = array<i32>} : memref<256x128xf32, #tpu.memory_space<vmem>>, vector<1x16xf32>,
        %get3A_121 = vector.shape_cast %get3A_120 : vector<1x16xf32> to vector<16xf32>
        %get3A_122 = arith.index_cast %add3A_56 : i32 to index
        %get3A_123 = arith.constant 96 : index
        %get3A_124 = tpu.vector_load %arg11[%get3A_122, %get3A_123] {strides = array<i32>} : memref<256x128xf32, #tpu.memory_space<vmem>>, vector<1x16xf32>,
        %get3A_125 = vector.shape_cast %get3A_124 : vector<1x16xf32> to vector<16xf32>
        %eq3A_126 = arith.constant 1 : i32
        %eq3A_127 = arith.cmpi eq, %and3A_51, %eq3A_126 : i32
        %select_n3A_128 = arith.select %eq3A_127, %get3A_117, %get3A_113 : vector<16xf32>
        %eq3A_129 = arith.constant 1 : i32
        %eq3A_130 = arith.cmpi eq, %shift_right_arithmetic3A_52, %eq3A_129 : i32
        %select_n3A_131 = arith.select %eq3A_130, %get3A_125, %get3A_121 : vector<16xf32>
        %mul3A_132 = arith.mulf %select_n3A_128, %select_n3A_131 : vector<16xf32>
        %swap3A_133 = arith.index_cast %add3A_56 : i32 to index
        %swap3A_134 = arith.constant 32 : index
        %swap3A_135 = tpu.vector_load %arg12[%swap3A_133, %swap3A_134] {strides = array<i32>} : memref<256x64xf32, #tpu.memory_space<vmem>>, vector<1x16xf32>,
        %swap3A_136 = vector.shape_cast %swap3A_135 : vector<1x16xf32> to vector<16xf32>
        %swap3A_137 = vector.shape_cast %mul3A_132 : vector<16xf32> to vector<1x16xf32>
        tpu.vector_store %arg12[%swap3A_133, %swap3A_134], %swap3A_137 {strides = array<i32>} : memref<256x64xf32, #tpu.memory_space<vmem>>, vector<1x16xf32>,
        %get3A_138 = arith.index_cast %add3A_56 : i32 to index
        %get3A_139 = arith.constant 48 : index
        %get3A_140 = tpu.vector_load %arg10[%get3A_138, %get3A_139] {strides = array<i32>} : memref<256x128xf32, #tpu.memory_space<vmem>>, vector<1x16xf32>,
        %get3A_141 = vector.shape_cast %get3A_140 : vector<1x16xf32> to vector<16xf32>
        %get3A_142 = arith.index_cast %add3A_56 : i32 to index
        %get3A_143 = arith.constant 112 : index
        %get3A_144 = tpu.vector_load %arg10[%get3A_142, %get3A_143] {strides = array<i32>} : memref<256x128xf32, #tpu.memory_space<vmem>>, vector<1x16xf32>,
        %get3A_145 = vector.shape_cast %get3A_144 : vector<1x16xf32> to vector<16xf32>
        %get3A_146 = arith.index_cast %add3A_56 : i32 to index
        %get3A_147 = arith.constant 48 : index
        %get3A_148 = tpu.vector_load %arg11[%get3A_146, %get3A_147] {strides = array<i32>} : memref<256x128xf32, #tpu.memory_space<vmem>>, vector<1x16xf32>,
        %get3A_149 = vector.shape_cast %get3A_148 : vector<1x16xf32> to vector<16xf32>
        %get3A_150 = arith.index_cast %add3A_56 : i32 to index
        %get3A_151 = arith.constant 112 : index
        %get3A_152 = tpu.vector_load %arg11[%get3A_150, %get3A_151] {strides = array<i32>} : memref<256x128xf32, #tpu.memory_space<vmem>>, vector<1x16xf32>,
        %get3A_153 = vector.shape_cast %get3A_152 : vector<1x16xf32> to vector<16xf32>
        %eq3A_154 = arith.constant 1 : i32
        %eq3A_155 = arith.cmpi eq, %and3A_51, %eq3A_154 : i32
        %select_n3A_156 = arith.select %eq3A_155, %get3A_145, %get3A_141 : vector<16xf32>
        %eq3A_157 = arith.constant 1 : i32
        %eq3A_158 = arith.cmpi eq, %shift_right_arithmetic3A_52, %eq3A_157 : i32
        %select_n3A_159 = arith.select %eq3A_158, %get3A_153, %get3A_149 : vector<16xf32>
        %mul3A_160 = arith.mulf %select_n3A_156, %select_n3A_159 : vector<16xf32>
        %swap3A_161 = arith.index_cast %add3A_56 : i32 to index
        %swap3A_162 = arith.constant 48 : index
        %swap3A_163 = tpu.vector_load %arg12[%swap3A_161, %swap3A_162] {strides = array<i32>} : memref<256x64xf32, #tpu.memory_space<vmem>>, vector<1x16xf32>,
        %swap3A_164 = vector.shape_cast %swap3A_163 : vector<1x16xf32> to vector<16xf32>
        %swap3A_165 = vector.shape_cast %mul3A_160 : vector<16xf32> to vector<1x16xf32>
        tpu.vector_store %arg12[%swap3A_161, %swap3A_162], %swap3A_165 {strides = array<i32>} : memref<256x64xf32, #tpu.memory_space<vmem>>, vector<1x16xf32>,
        %slice3A_166 = vector.extract_strided_slice %get3A_50 {offsets = [1], sizes = [1], strides = [1]} : vector<16xi32> to vector<1xi32>
        %squeeze3A_167 = vector.extract %slice3A_166[0] : i32 from vector<1xi32>
        %and3A_168 = arith.constant 1 : i32
        %and3A_169 = arith.andi %squeeze3A_167, %and3A_168 : i32
        %shift_right_arithmetic3A_170 = arith.constant 1 : i32
        %shift_right_arithmetic3A_171 = arith.shrsi %squeeze3A_167, %shift_right_arithmetic3A_170 : i32
        %mul3A_172 = arith.constant 16 : i32
        %mul3A_173 = arith.muli %scan3A_46, %mul3A_172 : i32
        %add3A_174 = arith.constant 1 : i32
        %add3A_175 = arith.addi %mul3A_173, %add3A_174 : i32
        %get3A_176 = arith.index_cast %add3A_175 : i32 to index
        %get3A_177 = arith.constant 0 : index
        %get3A_178 = tpu.vector_load %arg10[%get3A_176, %get3A_177] {strides = array<i32>} : memref<256x128xf32, #tpu.memory_space<vmem>>, vector<1x16xf32>,
        %get3A_179 = vector.shape_cast %get3A_178 : vector<1x16xf32> to vector<16xf32>
        %get3A_180 = arith.index_cast %add3A_175 : i32 to index
        %get3A_181 = arith.constant 64 : index
        %get3A_182 = tpu.vector_load %arg10[%get3A_180, %get3A_181] {strides = array<i32>} : memref<256x128xf32, #tpu.memory_space<vmem>>, vector<1x16xf32>,
        %get3A_183 = vector.shape_cast %get3A_182 : vector<1x16xf32> to vector<16xf32>
        %get3A_184 = arith.index_cast %add3A_175 : i32 to index
        %get3A_185 = arith.constant 0 : index
        %get3A_186 = tpu.vector_load %arg11[%get3A_184, %get3A_185] {strides = array<i32>} : memref<256x128xf32, #tpu.memory_space<vmem>>, vector<1x16xf32>,
        %get3A_187 = vector.shape_cast %get3A_186 : vector<1x16xf32> to vector<16xf32>
        %get3A_188 = arith.index_cast %add3A_175 : i32 to index
        %get3A_189 = arith.constant 64 : index
        %get3A_190 = tpu.vector_load %arg11[%get3A_188, %get3A_189] {strides = array<i32>} : memref<256x128xf32, #tpu.memory_space<vmem>>, vector<1x16xf32>,
        %get3A_191 = vector.shape_cast %get3A_190 : vector<1x16xf32> to vector<16xf32>
        %eq3A_192 = arith.constant 1 : i32
        %eq3A_193 = arith.cmpi eq, %and3A_169, %eq3A_192 : i32
        %select_n3A_194 = arith.select %eq3A_193, %get3A_183, %get3A_179 : vector<16xf32>
        %eq3A_195 = arith.constant 1 : i32
        %eq3A_196 = arith.cmpi eq, %shift_right_arithmetic3A_171, %eq3A_195 : i32
        %select_n3A_197 = arith.select %eq3A_196, %get3A_191, %get3A_187 : vector<16xf32>
        %mul3A_198 = arith.mulf %select_n3A_194, %select_n3A_197 : vector<16xf32>
        %swap3A_199 = arith.index_cast %add3A_175 : i32 to index
        %swap3A_200 = arith.constant 0 : index
        %swap3A_201 = tpu.vector_load %arg12[%swap3A_199, %swap3A_200] {strides = array<i32>} : memref<256x64xf32, #tpu.memory_space<vmem>>, vector<1x16xf32>,
        %swap3A_202 = vector.shape_cast %swap3A_201 : vector<1x16xf32> to vector<16xf32>
        %swap3A_203 = vector.shape_cast %mul3A_198 : vector<16xf32> to vector<1x16xf32>
        tpu.vector_store %arg12[%swap3A_199, %swap3A_200], %swap3A_203 {strides = array<i32>} : memref<256x64xf32, #tpu.memory_space<vmem>>, vector<1x16xf32>,
        %get3A_204 = arith.index_cast %add3A_175 : i32 to index
        %get3A_205 = arith.constant 16 : index
        %get3A_206 = tpu.vector_load %arg10[%get3A_204, %get3A_205] {strides = array<i32>} : memref<256x128xf32, #tpu.memory_space<vmem>>, vector<1x16xf32>,
        %get3A_207 = vector.shape_cast %get3A_206 : vector<1x16xf32> to vector<16xf32>
        %get3A_208 = arith.index_cast %add3A_175 : i32 to index
        %get3A_209 = arith.constant 80 : index
        %get3A_210 = tpu.vector_load %arg10[%get3A_208, %get3A_209] {strides = array<i32>} : memref<256x128xf32, #tpu.memory_space<vmem>>, vector<1x16xf32>,
        %get3A_211 = vector.shape_cast %get3A_210 : vector<1x16xf32> to vector<16xf32>
        %get3A_212 = arith.index_cast %add3A_175 : i32 to index
        %get3A_213 = arith.constant 16 : index
        %get3A_214 = tpu.vector_load %arg11[%get3A_212, %get3A_213] {strides = array<i32>} : memref<256x128xf32, #tpu.memory_space<vmem>>, vector<1x16xf32>,
        %get3A_215 = vector.shape_cast %get3A_214 : vector<1x16xf32> to vector<16xf32>
        %get3A_216 = arith.index_cast %add3A_175 : i32 to index
        %get3A_217 = arith.constant 80 : index
        %get3A_218 = tpu.vector_load %arg11[%get3A_216, %get3A_217] {strides = array<i32>} : memref<256x128xf32, #tpu.memory_space<vmem>>, vector<1x16xf32>,
        %get3A_219 = vector.shape_cast %get3A_218 : vector<1x16xf32> to vector<16xf32>
        %eq3A_220 = arith.constant 1 : i32
        %eq3A_221 = arith.cmpi eq, %and3A_169, %eq3A_220 : i32
        %select_n3A_222 = arith.select %eq3A_221, %get3A_211, %get3A_207 : vector<16xf32>
        %eq3A_223 = arith.constant 1 : i32
        %eq3A_224 = arith.cmpi eq, %shift_right_arithmetic3A_171, %eq3A_223 : i32
        %select_n3A_225 = arith.select %eq3A_224, %get3A_219, %get3A_215 : vector<16xf32>
        %mul3A_226 = arith.mulf %select_n3A_222, %select_n3A_225 : vector<16xf32>
        %swap3A_227 = arith.index_cast %add3A_175 : i32 to index
        %swap3A_228 = arith.constant 16 : index
        %swap3A_229 = tpu.vector_load %arg12[%swap3A_227, %swap3A_228] {strides = array<i32>} : memref<256x64xf32, #tpu.memory_space<vmem>>, vector<1x16xf32>,
        %swap3A_230 = vector.shape_cast %swap3A_229 : vector<1x16xf32> to vector<16xf32>
        %swap3A_231 = vector.shape_cast %mul3A_226 : vector<16xf32> to vector<1x16xf32>
        tpu.vector_store %arg12[%swap3A_227, %swap3A_228], %swap3A_231 {strides = array<i32>} : memref<256x64xf32, #tpu.memory_space<vmem>>, vector<1x16xf32>,
        %get3A_232 = arith.index_cast %add3A_175 : i32 to index
        %get3A_233 = arith.constant 32 : index
        %get3A_234 = tpu.vector_load %arg10[%get3A_232, %get3A_233] {strides = array<i32>} : memref<256x128xf32, #tpu.memory_space<vmem>>, vector<1x16xf32>,
        %get3A_235 = vector.shape_cast %get3A_234 : vector<1x16xf32> to vector<16xf32>
        %get3A_236 = arith.index_cast %add3A_175 : i32 to index
        %get3A_237 = arith.constant 96 : index
        %get3A_238 = tpu.vector_load %arg10[%get3A_236, %get3A_237] {strides = array<i32>} : memref<256x128xf32, #tpu.memory_space<vmem>>, vector<1x16xf32>,
        %get3A_239 = vector.shape_cast %get3A_238 : vector<1x16xf32> to vector<16xf32>
        %get3A_240 = arith.index_cast %add3A_175 : i32 to index
        %get3A_241 = arith.constant 32 : index
        %get3A_242 = tpu.vector_load %arg11[%get3A_240, %get3A_241] {strides = array<i32>} : memref<256x128xf32, #tpu.memory_space<vmem>>, vector<1x16xf32>,
        %get3A_243 = vector.shape_cast %get3A_242 : vector<1x16xf32> to vector<16xf32>
        %get3A_244 = arith.index_cast %add3A_175 : i32 to index
        %get3A_245 = arith.constant 96 : index
        %get3A_246 = tpu.vector_load %arg11[%get3A_244, %get3A_245] {strides = array<i32>} : memref<256x128xf32, #tpu.memory_space<vmem>>, vector<1x16xf32>,
        %get3A_247 = vector.shape_cast %get3A_246 : vector<1x16xf32> to vector<16xf32>
        %eq3A_248 = arith.constant 1 : i32
        %eq3A_249 = arith.cmpi eq, %and3A_169, %eq3A_248 : i32
        %select_n3A_250 = arith.select %eq3A_249, %get3A_239, %get3A_235 : vector<16xf32>
        %eq3A_251 = arith.constant 1 : i32
        %eq3A_252 = arith.cmpi eq, %shift_right_arithmetic3A_171, %eq3A_251 : i32
        %select_n3A_253 = arith.select %eq3A_252, %get3A_247, %get3A_243 : vector<16xf32>
        %mul3A_254 = arith.mulf %select_n3A_250, %select_n3A_253 : vector<16xf32>
        %swap3A_255 = arith.index_cast %add3A_175 : i32 to index
        %swap3A_256 = arith.constant 32 : index
        %swap3A_257 = tpu.vector_load %arg12[%swap3A_255, %swap3A_256] {strides = array<i32>} : memref<256x64xf32, #tpu.memory_space<vmem>>, vector<1x16xf32>,
        %swap3A_258 = vector.shape_cast %swap3A_257 : vector<1x16xf32> to vector<16xf32>
        %swap3A_259 = vector.shape_cast %mul3A_254 : vector<16xf32> to vector<1x16xf32>
        tpu.vector_store %arg12[%swap3A_255, %swap3A_256], %swap3A_259 {strides = array<i32>} : memref<256x64xf32, #tpu.memory_space<vmem>>, vector<1x16xf32>,
        %get3A_260 = arith.index_cast %add3A_175 : i32 to index
        %get3A_261 = arith.constant 48 : index
        %get3A_262 = tpu.vector_load %arg10[%get3A_260, %get3A_261] {strides = array<i32>} : memref<256x128xf32, #tpu.memory_space<vmem>>, vector<1x16xf32>,
        %get3A_263 = vector.shape_cast %get3A_262 : vector<1x16xf32> to vector<16xf32>
        %get3A_264 = arith.index_cast %add3A_175 : i32 to index
        %get3A_265 = arith.constant 112 : index
        %get3A_266 = tpu.vector_load %arg10[%get3A_264, %get3A_265] {strides = array<i32>} : memref<256x128xf32, #tpu.memory_space<vmem>>, vector<1x16xf32>,
        %get3A_267 = vector.shape_cast %get3A_266 : vector<1x16xf32> to vector<16xf32>
        %get3A_268 = arith.index_cast %add3A_175 : i32 to index
        %get3A_269 = arith.constant 48 : index
        %get3A_270 = tpu.vector_load %arg11[%get3A_268, %get3A_269] {strides = array<i32>} : memref<256x128xf32, #tpu.memory_space<vmem>>, vector<1x16xf32>,
        %get3A_271 = vector.shape_cast %get3A_270 : vector<1x16xf32> to vector<16xf32>
        %get3A_272 = arith.index_cast %add3A_175 : i32 to index
        %get3A_273 = arith.constant 112 : index
        %get3A_274 = tpu.vector_load %arg11[%get3A_272, %get3A_273] {strides = array<i32>} : memref<256x128xf32, #tpu.memory_space<vmem>>, vector<1x16xf32>,
        %get3A_275 = vector.shape_cast %get3A_274 : vector<1x16xf32> to vector<16xf32>
        %eq3A_276 = arith.constant 1 : i32
        %eq3A_277 = arith.cmpi eq, %and3A_169, %eq3A_276 : i32
        %select_n3A_278 = arith.select %eq3A_277, %get3A_267, %get3A_263 : vector<16xf32>
        %eq3A_279 = arith.constant 1 : i32
        %eq3A_280 = arith.cmpi eq, %shift_right_arithmetic3A_171, %eq3A_279 : i32
        %select_n3A_281 = arith.select %eq3A_280, %get3A_275, %get3A_271 : vector<16xf32>
        %mul3A_282 = arith.mulf %select_n3A_278, %select_n3A_281 : vector<16xf32>
        %swap3A_283 = arith.index_cast %add3A_175 : i32 to index
        %swap3A_284 = arith.constant 48 : index
        %swap3A_285 = tpu.vector_load %arg12[%swap3A_283, %swap3A_284] {strides = array<i32>} : memref<256x64xf32, #tpu.memory_space<vmem>>, vector<1x16xf32>,
        %swap3A_286 = vector.shape_cast %swap3A_285 : vector<1x16xf32> to vector<16xf32>
        %swap3A_287 = vector.shape_cast %mul3A_282 : vector<16xf32> to vector<1x16xf32>
        tpu.vector_store %arg12[%swap3A_283, %swap3A_284], %swap3A_287 {strides = array<i32>} : memref<256x64xf32, #tpu.memory_space<vmem>>, vector<1x16xf32>,
        %slice3A_288 = vector.extract_strided_slice %get3A_50 {offsets = [2], sizes = [1], strides = [1]} : vector<16xi32> to vector<1xi32>
        %squeeze3A_289 = vector.extract %slice3A_288[0] : i32 from vector<1xi32>
        %and3A_290 = arith.constant 1 : i32
        %and3A_291 = arith.andi %squeeze3A_289, %and3A_290 : i32
        %shift_right_arithmetic3A_292 = arith.constant 1 : i32
        %shift_right_arithmetic3A_293 = arith.shrsi %squeeze3A_289, %shift_right_arithmetic3A_292 : i32
        %mul3A_294 = arith.constant 16 : i32
        %mul3A_295 = arith.muli %scan3A_46, %mul3A_294 : i32
        %add3A_296 = arith.constant 2 : i32
        %add3A_297 = arith.addi %mul3A_295, %add3A_296 : i32
        %get3A_298 = arith.index_cast %add3A_297 : i32 to index
        %get3A_299 = arith.constant 0 : index
        %get3A_300 = tpu.vector_load %arg10[%get3A_298, %get3A_299] {strides = array<i32>} : memref<256x128xf32, #tpu.memory_space<vmem>>, vector<1x16xf32>,
        %get3A_301 = vector.shape_cast %get3A_300 : vector<1x16xf32> to vector<16xf32>
        %get3A_302 = arith.index_cast %add3A_297 : i32 to index
        %get3A_303 = arith.constant 64 : index
        %get3A_304 = tpu.vector_load %arg10[%get3A_302, %get3A_303] {strides = array<i32>} : memref<256x128xf32, #tpu.memory_space<vmem>>, vector<1x16xf32>,
        %get3A_305 = vector.shape_cast %get3A_304 : vector<1x16xf32> to vector<16xf32>
        %get3A_306 = arith.index_cast %add3A_297 : i32 to index
        %get3A_307 = arith.constant 0 : index
        %get3A_308 = tpu.vector_load %arg11[%get3A_306, %get3A_307] {strides = array<i32>} : memref<256x128xf32, #tpu.memory_space<vmem>>, vector<1x16xf32>,
        %get3A_309 = vector.shape_cast %get3A_308 : vector<1x16xf32> to vector<16xf32>
        %get3A_310 = arith.index_cast %add3A_297 : i32 to index
        %get3A_311 = arith.constant 64 : index
        %get3A_312 = tpu.vector_load %arg11[%get3A_310, %get3A_311] {strides = array<i32>} : memref<256x128xf32, #tpu.memory_space<vmem>>, vector<1x16xf32>,
        %get3A_313 = vector.shape_cast %get3A_312 : vector<1x16xf32> to vector<16xf32>
        %eq3A_314 = arith.constant 1 : i32
        %eq3A_315 = arith.cmpi eq, %and3A_291, %eq3A_314 : i32
        %select_n3A_316 = arith.select %eq3A_315, %get3A_305, %get3A_301 : vector<16xf32>
        %eq3A_317 = arith.constant 1 : i32
        %eq3A_318 = arith.cmpi eq, %shift_right_arithmetic3A_293, %eq3A_317 : i32
        %select_n3A_319 = arith.select %eq3A_318, %get3A_313, %get3A_309 : vector<16xf32>
        %mul3A_320 = arith.mulf %select_n3A_316, %select_n3A_319 : vector<16xf32>
        %swap3A_321 = arith.index_cast %add3A_297 : i32 to index
        %swap3A_322 = arith.constant 0 : index
        %swap3A_323 = tpu.vector_load %arg12[%swap3A_321, %swap3A_322] {strides = array<i32>} : memref<256x64xf32, #tpu.memory_space<vmem>>, vector<1x16xf32>,
        %swap3A_324 = vector.shape_cast %swap3A_323 : vector<1x16xf32> to vector<16xf32>
        %swap3A_325 = vector.shape_cast %mul3A_320 : vector<16xf32> to vector<1x16xf32>
        tpu.vector_store %arg12[%swap3A_321, %swap3A_322], %swap3A_325 {strides = array<i32>} : memref<256x64xf32, #tpu.memory_space<vmem>>, vector<1x16xf32>,
        %get3A_326 = arith.index_cast %add3A_297 : i32 to index
        %get3A_327 = arith.constant 16 : index
        %get3A_328 = tpu.vector_load %arg10[%get3A_326, %get3A_327] {strides = array<i32>} : memref<256x128xf32, #tpu.memory_space<vmem>>, vector<1x16xf32>,
        %get3A_329 = vector.shape_cast %get3A_328 : vector<1x16xf32> to vector<16xf32>
        %get3A_330 = arith.index_cast %add3A_297 : i32 to index
        %get3A_331 = arith.constant 80 : index
        %get3A_332 = tpu.vector_load %arg10[%get3A_330, %get3A_331] {strides = array<i32>} : memref<256x128xf32, #tpu.memory_space<vmem>>, vector<1x16xf32>,
        %get3A_333 = vector.shape_cast %get3A_332 : vector<1x16xf32> to vector<16xf32>
        %get3A_334 = arith.index_cast %add3A_297 : i32 to index
        %get3A_335 = arith.constant 16 : index
        %get3A_336 = tpu.vector_load %arg11[%get3A_334, %get3A_335] {strides = array<i32>} : memref<256x128xf32, #tpu.memory_space<vmem>>, vector<1x16xf32>,
        %get3A_337 = vector.shape_cast %get3A_336 : vector<1x16xf32> to vector<16xf32>
        %get3A_338 = arith.index_cast %add3A_297 : i32 to index
        %get3A_339 = arith.constant 80 : index
        %get3A_340 = tpu.vector_load %arg11[%get3A_338, %get3A_339] {strides = array<i32>} : memref<256x128xf32, #tpu.memory_space<vmem>>, vector<1x16xf32>,
        %get3A_341 = vector.shape_cast %get3A_340 : vector<1x16xf32> to vector<16xf32>
        %eq3A_342 = arith.constant 1 : i32
        %eq3A_343 = arith.cmpi eq, %and3A_291, %eq3A_342 : i32
        %select_n3A_344 = arith.select %eq3A_343, %get3A_333, %get3A_329 : vector<16xf32>
        %eq3A_345 = arith.constant 1 : i32
        %eq3A_346 = arith.cmpi eq, %shift_right_arithmetic3A_293, %eq3A_345 : i32
        %select_n3A_347 = arith.select %eq3A_346, %get3A_341, %get3A_337 : vector<16xf32>
        %mul3A_348 = arith.mulf %select_n3A_344, %select_n3A_347 : vector<16xf32>
        %swap3A_349 = arith.index_cast %add3A_297 : i32 to index
        %swap3A_350 = arith.constant 16 : index
        %swap3A_351 = tpu.vector_load %arg12[%swap3A_349, %swap3A_350] {strides = array<i32>} : memref<256x64xf32, #tpu.memory_space<vmem>>, vector<1x16xf32>,
        %swap3A_352 = vector.shape_cast %swap3A_351 : vector<1x16xf32> to vector<16xf32>
        %swap3A_353 = vector.shape_cast %mul3A_348 : vector<16xf32> to vector<1x16xf32>
        tpu.vector_store %arg12[%swap3A_349, %swap3A_350], %swap3A_353 {strides = array<i32>} : memref<256x64xf32, #tpu.memory_space<vmem>>, vector<1x16xf32>,
        %get3A_354 = arith.index_cast %add3A_297 : i32 to index
        %get3A_355 = arith.constant 32 : index
        %get3A_356 = tpu.vector_load %arg10[%get3A_354, %get3A_355] {strides = array<i32>} : memref<256x128xf32, #tpu.memory_space<vmem>>, vector<1x16xf32>,
        %get3A_357 = vector.shape_cast %get3A_356 : vector<1x16xf32> to vector<16xf32>
        %get3A_358 = arith.index_cast %add3A_297 : i32 to index
        %get3A_359 = arith.constant 96 : index
        %get3A_360 = tpu.vector_load %arg10[%get3A_358, %get3A_359] {strides = array<i32>} : memref<256x128xf32, #tpu.memory_space<vmem>>, vector<1x16xf32>,
        %get3A_361 = vector.shape_cast %get3A_360 : vector<1x16xf32> to vector<16xf32>
        %get3A_362 = arith.index_cast %add3A_297 : i32 to index
        %get3A_363 = arith.constant 32 : index
        %get3A_364 = tpu.vector_load %arg11[%get3A_362, %get3A_363] {strides = array<i32>} : memref<256x128xf32, #tpu.memory_space<vmem>>, vector<1x16xf32>,
        %get3A_365 = vector.shape_cast %get3A_364 : vector<1x16xf32> to vector<16xf32>
        %get3A_366 = arith.index_cast %add3A_297 : i32 to index
        %get3A_367 = arith.constant 96 : index
        %get3A_368 = tpu.vector_load %arg11[%get3A_366, %get3A_367] {strides = array<i32>} : memref<256x128xf32, #tpu.memory_space<vmem>>, vector<1x16xf32>,
        %get3A_369 = vector.shape_cast %get3A_368 : vector<1x16xf32> to vector<16xf32>
        %eq3A_370 = arith.constant 1 : i32
        %eq3A_371 = arith.cmpi eq, %and3A_291, %eq3A_370 : i32
        %select_n3A_372 = arith.select %eq3A_371, %get3A_361, %get3A_357 : vector<16xf32>
        %eq3A_373 = arith.constant 1 : i32
        %eq3A_374 = arith.cmpi eq, %shift_right_arithmetic3A_293, %eq3A_373 : i32
        %select_n3A_375 = arith.select %eq3A_374, %get3A_369, %get3A_365 : vector<16xf32>
        %mul3A_376 = arith.mulf %select_n3A_372, %select_n3A_375 : vector<16xf32>
        %swap3A_377 = arith.index_cast %add3A_297 : i32 to index
        %swap3A_378 = arith.constant 32 : index
        %swap3A_379 = tpu.vector_load %arg12[%swap3A_377, %swap3A_378] {strides = array<i32>} : memref<256x64xf32, #tpu.memory_space<vmem>>, vector<1x16xf32>,
        %swap3A_380 = vector.shape_cast %swap3A_379 : vector<1x16xf32> to vector<16xf32>
        %swap3A_381 = vector.shape_cast %mul3A_376 : vector<16xf32> to vector<1x16xf32>
        tpu.vector_store %arg12[%swap3A_377, %swap3A_378], %swap3A_381 {strides = array<i32>} : memref<256x64xf32, #tpu.memory_space<vmem>>, vector<1x16xf32>,
        %get3A_382 = arith.index_cast %add3A_297 : i32 to index
        %get3A_383 = arith.constant 48 : index
        %get3A_384 = tpu.vector_load %arg10[%get3A_382, %get3A_383] {strides = array<i32>} : memref<256x128xf32, #tpu.memory_space<vmem>>, vector<1x16xf32>,
        %get3A_385 = vector.shape_cast %get3A_384 : vector<1x16xf32> to vector<16xf32>
        %get3A_386 = arith.index_cast %add3A_297 : i32 to index
        %get3A_387 = arith.constant 112 : index
        %get3A_388 = tpu.vector_load %arg10[%get3A_386, %get3A_387] {strides = array<i32>} : memref<256x128xf32, #tpu.memory_space<vmem>>, vector<1x16xf32>,
        %get3A_389 = vector.shape_cast %get3A_388 : vector<1x16xf32> to vector<16xf32>
        %get3A_390 = arith.index_cast %add3A_297 : i32 to index
        %get3A_391 = arith.constant 48 : index
        %get3A_392 = tpu.vector_load %arg11[%get3A_390, %get3A_391] {strides = array<i32>} : memref<256x128xf32, #tpu.memory_space<vmem>>, vector<1x16xf32>,
        %get3A_393 = vector.shape_cast %get3A_392 : vector<1x16xf32> to vector<16xf32>
        %get3A_394 = arith.index_cast %add3A_297 : i32 to index
        %get3A_395 = arith.constant 112 : index
        %get3A_396 = tpu.vector_load %arg11[%get3A_394, %get3A_395] {strides = array<i32>} : memref<256x128xf32, #tpu.memory_space<vmem>>, vector<1x16xf32>,
        %get3A_397 = vector.shape_cast %get3A_396 : vector<1x16xf32> to vector<16xf32>
        %eq3A_398 = arith.constant 1 : i32
        %eq3A_399 = arith.cmpi eq, %and3A_291, %eq3A_398 : i32
        %select_n3A_400 = arith.select %eq3A_399, %get3A_389, %get3A_385 : vector<16xf32>
        %eq3A_401 = arith.constant 1 : i32
        %eq3A_402 = arith.cmpi eq, %shift_right_arithmetic3A_293, %eq3A_401 : i32
        %select_n3A_403 = arith.select %eq3A_402, %get3A_397, %get3A_393 : vector<16xf32>
        %mul3A_404 = arith.mulf %select_n3A_400, %select_n3A_403 : vector<16xf32>
        %swap3A_405 = arith.index_cast %add3A_297 : i32 to index
        %swap3A_406 = arith.constant 48 : index
        %swap3A_407 = tpu.vector_load %arg12[%swap3A_405, %swap3A_406] {strides = array<i32>} : memref<256x64xf32, #tpu.memory_space<vmem>>, vector<1x16xf32>,
        %swap3A_408 = vector.shape_cast %swap3A_407 : vector<1x16xf32> to vector<16xf32>
        %swap3A_409 = vector.shape_cast %mul3A_404 : vector<16xf32> to vector<1x16xf32>
        tpu.vector_store %arg12[%swap3A_405, %swap3A_406], %swap3A_409 {strides = array<i32>} : memref<256x64xf32, #tpu.memory_space<vmem>>, vector<1x16xf32>,
        %slice3A_410 = vector.extract_strided_slice %get3A_50 {offsets = [3], sizes = [1], strides = [1]} : vector<16xi32> to vector<1xi32>
        %squeeze3A_411 = vector.extract %slice3A_410[0] : i32 from vector<1xi32>
        %and3A_412 = arith.constant 1 : i32
        %and3A_413 = arith.andi %squeeze3A_411, %and3A_412 : i32
        %shift_right_arithmetic3A_414 = arith.constant 1 : i32
        %shift_right_arithmetic3A_415 = arith.shrsi %squeeze3A_411, %shift_right_arithmetic3A_414 : i32
        %mul3A_416 = arith.constant 16 : i32
        %mul3A_417 = arith.muli %scan3A_46, %mul3A_416 : i32
        %add3A_418 = arith.constant 3 : i32
        %add3A_419 = arith.addi %mul3A_417, %add3A_418 : i32
        %get3A_420 = arith.index_cast %add3A_419 : i32 to index
        %get3A_421 = arith.constant 0 : index
        %get3A_422 = tpu.vector_load %arg10[%get3A_420, %get3A_421] {strides = array<i32>} : memref<256x128xf32, #tpu.memory_space<vmem>>, vector<1x16xf32>,
        %get3A_423 = vector.shape_cast %get3A_422 : vector<1x16xf32> to vector<16xf32>
        %get3A_424 = arith.index_cast %add3A_419 : i32 to index
        %get3A_425 = arith.constant 64 : index
        %get3A_426 = tpu.vector_load %arg10[%get3A_424, %get3A_425] {strides = array<i32>} : memref<256x128xf32, #tpu.memory_space<vmem>>, vector<1x16xf32>,
        %get3A_427 = vector.shape_cast %get3A_426 : vector<1x16xf32> to vector<16xf32>
        %get3A_428 = arith.index_cast %add3A_419 : i32 to index
        %get3A_429 = arith.constant 0 : index
        %get3A_430 = tpu.vector_load %arg11[%get3A_428, %get3A_429] {strides = array<i32>} : memref<256x128xf32, #tpu.memory_space<vmem>>, vector<1x16xf32>,
        %get3A_431 = vector.shape_cast %get3A_430 : vector<1x16xf32> to vector<16xf32>
        %get3A_432 = arith.index_cast %add3A_419 : i32 to index
        %get3A_433 = arith.constant 64 : index
        %get3A_434 = tpu.vector_load %arg11[%get3A_432, %get3A_433] {strides = array<i32>} : memref<256x128xf32, #tpu.memory_space<vmem>>, vector<1x16xf32>,
        %get3A_435 = vector.shape_cast %get3A_434 : vector<1x16xf32> to vector<16xf32>
        %eq3A_436 = arith.constant 1 : i32
        %eq3A_437 = arith.cmpi eq, %and3A_413, %eq3A_436 : i32
        %select_n3A_438 = arith.select %eq3A_437, %get3A_427, %get3A_423 : vector<16xf32>
        %eq3A_439 = arith.constant 1 : i32
        %eq3A_440 = arith.cmpi eq, %shift_right_arithmetic3A_415, %eq3A_439 : i32
        %select_n3A_441 = arith.select %eq3A_440, %get3A_435, %get3A_431 : vector<16xf32>
        %mul3A_442 = arith.mulf %select_n3A_438, %select_n3A_441 : vector<16xf32>
        %swap3A_443 = arith.index_cast %add3A_419 : i32 to index
        %swap3A_444 = arith.constant 0 : index
        %swap3A_445 = tpu.vector_load %arg12[%swap3A_443, %swap3A_444] {strides = array<i32>} : memref<256x64xf32, #tpu.memory_space<vmem>>, vector<1x16xf32>,
        %swap3A_446 = vector.shape_cast %swap3A_445 : vector<1x16xf32> to vector<16xf32>
        %swap3A_447 = vector.shape_cast %mul3A_442 : vector<16xf32> to vector<1x16xf32>
        tpu.vector_store %arg12[%swap3A_443, %swap3A_444], %swap3A_447 {strides = array<i32>} : memref<256x64xf32, #tpu.memory_space<vmem>>, vector<1x16xf32>,
        %get3A_448 = arith.index_cast %add3A_419 : i32 to index
        %get3A_449 = arith.constant 16 : index
        %get3A_450 = tpu.vector_load %arg10[%get3A_448, %get3A_449] {strides = array<i32>} : memref<256x128xf32, #tpu.memory_space<vmem>>, vector<1x16xf32>,
        %get3A_451 = vector.shape_cast %get3A_450 : vector<1x16xf32> to vector<16xf32>
        %get3A_452 = arith.index_cast %add3A_419 : i32 to index
        %get3A_453 = arith.constant 80 : index
        %get3A_454 = tpu.vector_load %arg10[%get3A_452, %get3A_453] {strides = array<i32>} : memref<256x128xf32, #tpu.memory_space<vmem>>, vector<1x16xf32>,
        %get3A_455 = vector.shape_cast %get3A_454 : vector<1x16xf32> to vector<16xf32>
        %get3A_456 = arith.index_cast %add3A_419 : i32 to index
        %get3A_457 = arith.constant 16 : index
        %get3A_458 = tpu.vector_load %arg11[%get3A_456, %get3A_457] {strides = array<i32>} : memref<256x128xf32, #tpu.memory_space<vmem>>, vector<1x16xf32>,
        %get3A_459 = vector.shape_cast %get3A_458 : vector<1x16xf32> to vector<16xf32>
        %get3A_460 = arith.index_cast %add3A_419 : i32 to index
        %get3A_461 = arith.constant 80 : index
        %get3A_462 = tpu.vector_load %arg11[%get3A_460, %get3A_461] {strides = array<i32>} : memref<256x128xf32, #tpu.memory_space<vmem>>, vector<1x16xf32>,
        %get3A_463 = vector.shape_cast %get3A_462 : vector<1x16xf32> to vector<16xf32>
        %eq3A_464 = arith.constant 1 : i32
        %eq3A_465 = arith.cmpi eq, %and3A_413, %eq3A_464 : i32
        %select_n3A_466 = arith.select %eq3A_465, %get3A_455, %get3A_451 : vector<16xf32>
        %eq3A_467 = arith.constant 1 : i32
        %eq3A_468 = arith.cmpi eq, %shift_right_arithmetic3A_415, %eq3A_467 : i32
        %select_n3A_469 = arith.select %eq3A_468, %get3A_463, %get3A_459 : vector<16xf32>
        %mul3A_470 = arith.mulf %select_n3A_466, %select_n3A_469 : vector<16xf32>
        %swap3A_471 = arith.index_cast %add3A_419 : i32 to index
        %swap3A_472 = arith.constant 16 : index
        %swap3A_473 = tpu.vector_load %arg12[%swap3A_471, %swap3A_472] {strides = array<i32>} : memref<256x64xf32, #tpu.memory_space<vmem>>, vector<1x16xf32>,
        %swap3A_474 = vector.shape_cast %swap3A_473 : vector<1x16xf32> to vector<16xf32>
        %swap3A_475 = vector.shape_cast %mul3A_470 : vector<16xf32> to vector<1x16xf32>
        tpu.vector_store %arg12[%swap3A_471, %swap3A_472], %swap3A_475 {strides = array<i32>} : memref<256x64xf32, #tpu.memory_space<vmem>>, vector<1x16xf32>,
        %get3A_476 = arith.index_cast %add3A_419 : i32 to index
        %get3A_477 = arith.constant 32 : index
        %get3A_478 = tpu.vector_load %arg10[%get3A_476, %get3A_477] {strides = array<i32>} : memref<256x128xf32, #tpu.memory_space<vmem>>, vector<1x16xf32>,
        %get3A_479 = vector.shape_cast %get3A_478 : vector<1x16xf32> to vector<16xf32>
        %get3A_480 = arith.index_cast %add3A_419 : i32 to index
        %get3A_481 = arith.constant 96 : index
        %get3A_482 = tpu.vector_load %arg10[%get3A_480, %get3A_481] {strides = array<i32>} : memref<256x128xf32, #tpu.memory_space<vmem>>, vector<1x16xf32>,
        %get3A_483 = vector.shape_cast %get3A_482 : vector<1x16xf32> to vector<16xf32>
        %get3A_484 = arith.index_cast %add3A_419 : i32 to index
        %get3A_485 = arith.constant 32 : index
        %get3A_486 = tpu.vector_load %arg11[%get3A_484, %get3A_485] {strides = array<i32>} : memref<256x128xf32, #tpu.memory_space<vmem>>, vector<1x16xf32>,
        %get3A_487 = vector.shape_cast %get3A_486 : vector<1x16xf32> to vector<16xf32>
        %get3A_488 = arith.index_cast %add3A_419 : i32 to index
        %get3A_489 = arith.constant 96 : index
        %get3A_490 = tpu.vector_load %arg11[%get3A_488, %get3A_489] {strides = array<i32>} : memref<256x128xf32, #tpu.memory_space<vmem>>, vector<1x16xf32>,
        %get3A_491 = vector.shape_cast %get3A_490 : vector<1x16xf32> to vector<16xf32>
        %eq3A_492 = arith.constant 1 : i32
        %eq3A_493 = arith.cmpi eq, %and3A_413, %eq3A_492 : i32
        %select_n3A_494 = arith.select %eq3A_493, %get3A_483, %get3A_479 : vector<16xf32>
        %eq3A_495 = arith.constant 1 : i32
        %eq3A_496 = arith.cmpi eq, %shift_right_arithmetic3A_415, %eq3A_495 : i32
        %select_n3A_497 = arith.select %eq3A_496, %get3A_491, %get3A_487 : vector<16xf32>
        %mul3A_498 = arith.mulf %select_n3A_494, %select_n3A_497 : vector<16xf32>
        %swap3A_499 = arith.index_cast %add3A_419 : i32 to index
        %swap3A_500 = arith.constant 32 : index
        %swap3A_501 = tpu.vector_load %arg12[%swap3A_499, %swap3A_500] {strides = array<i32>} : memref<256x64xf32, #tpu.memory_space<vmem>>, vector<1x16xf32>,
        %swap3A_502 = vector.shape_cast %swap3A_501 : vector<1x16xf32> to vector<16xf32>
        %swap3A_503 = vector.shape_cast %mul3A_498 : vector<16xf32> to vector<1x16xf32>
        tpu.vector_store %arg12[%swap3A_499, %swap3A_500], %swap3A_503 {strides = array<i32>} : memref<256x64xf32, #tpu.memory_space<vmem>>, vector<1x16xf32>,
        %get3A_504 = arith.index_cast %add3A_419 : i32 to index
        %get3A_505 = arith.constant 48 : index
        %get3A_506 = tpu.vector_load %arg10[%get3A_504, %get3A_505] {strides = array<i32>} : memref<256x128xf32, #tpu.memory_space<vmem>>, vector<1x16xf32>,
        %get3A_507 = vector.shape_cast %get3A_506 : vector<1x16xf32> to vector<16xf32>
        %get3A_508 = arith.index_cast %add3A_419 : i32 to index
        %get3A_509 = arith.constant 112 : index
        %get3A_510 = tpu.vector_load %arg10[%get3A_508, %get3A_509] {strides = array<i32>} : memref<256x128xf32, #tpu.memory_space<vmem>>, vector<1x16xf32>,
        %get3A_511 = vector.shape_cast %get3A_510 : vector<1x16xf32> to vector<16xf32>
        %get3A_512 = arith.index_cast %add3A_419 : i32 to index
        %get3A_513 = arith.constant 48 : index
        %get3A_514 = tpu.vector_load %arg11[%get3A_512, %get3A_513] {strides = array<i32>} : memref<256x128xf32, #tpu.memory_space<vmem>>, vector<1x16xf32>,
        %get3A_515 = vector.shape_cast %get3A_514 : vector<1x16xf32> to vector<16xf32>
        %get3A_516 = arith.index_cast %add3A_419 : i32 to index
        %get3A_517 = arith.constant 112 : index
        %get3A_518 = tpu.vector_load %arg11[%get3A_516, %get3A_517] {strides = array<i32>} : memref<256x128xf32, #tpu.memory_space<vmem>>, vector<1x16xf32>,
        %get3A_519 = vector.shape_cast %get3A_518 : vector<1x16xf32> to vector<16xf32>
        %eq3A_520 = arith.constant 1 : i32
        %eq3A_521 = arith.cmpi eq, %and3A_413, %eq3A_520 : i32
        %select_n3A_522 = arith.select %eq3A_521, %get3A_511, %get3A_507 : vector<16xf32>
        %eq3A_523 = arith.constant 1 : i32
        %eq3A_524 = arith.cmpi eq, %shift_right_arithmetic3A_415, %eq3A_523 : i32
        %select_n3A_525 = arith.select %eq3A_524, %get3A_519, %get3A_515 : vector<16xf32>
        %mul3A_526 = arith.mulf %select_n3A_522, %select_n3A_525 : vector<16xf32>
        %swap3A_527 = arith.index_cast %add3A_419 : i32 to index
        %swap3A_528 = arith.constant 48 : index
        %swap3A_529 = tpu.vector_load %arg12[%swap3A_527, %swap3A_528] {strides = array<i32>} : memref<256x64xf32, #tpu.memory_space<vmem>>, vector<1x16xf32>,
        %swap3A_530 = vector.shape_cast %swap3A_529 : vector<1x16xf32> to vector<16xf32>
        %swap3A_531 = vector.shape_cast %mul3A_526 : vector<16xf32> to vector<1x16xf32>
        tpu.vector_store %arg12[%swap3A_527, %swap3A_528], %swap3A_531 {strides = array<i32>} : memref<256x64xf32, #tpu.memory_space<vmem>>, vector<1x16xf32>,
        %slice3A_532 = vector.extract_strided_slice %get3A_50 {offsets = [4], sizes = [1], strides = [1]} : vector<16xi32> to vector<1xi32>
        %squeeze3A_533 = vector.extract %slice3A_532[0] : i32 from vector<1xi32>
        %and3A_534 = arith.constant 1 : i32
        %and3A_535 = arith.andi %squeeze3A_533, %and3A_534 : i32
        %shift_right_arithmetic3A_536 = arith.constant 1 : i32
        %shift_right_arithmetic3A_537 = arith.shrsi %squeeze3A_533, %shift_right_arithmetic3A_536 : i32
        %mul3A_538 = arith.constant 16 : i32
        %mul3A_539 = arith.muli %scan3A_46, %mul3A_538 : i32
        %add3A_540 = arith.constant 4 : i32
        %add3A_541 = arith.addi %mul3A_539, %add3A_540 : i32
        %get3A_542 = arith.index_cast %add3A_541 : i32 to index
        %get3A_543 = arith.constant 0 : index
        %get3A_544 = tpu.vector_load %arg10[%get3A_542, %get3A_543] {strides = array<i32>} : memref<256x128xf32, #tpu.memory_space<vmem>>, vector<1x16xf32>,
        %get3A_545 = vector.shape_cast %get3A_544 : vector<1x16xf32> to vector<16xf32>
        %get3A_546 = arith.index_cast %add3A_541 : i32 to index
        %get3A_547 = arith.constant 64 : index
        %get3A_548 = tpu.vector_load %arg10[%get3A_546, %get3A_547] {strides = array<i32>} : memref<256x128xf32, #tpu.memory_space<vmem>>, vector<1x16xf32>,
        %get3A_549 = vector.shape_cast %get3A_548 : vector<1x16xf32> to vector<16xf32>
        %get3A_550 = arith.index_cast %add3A_541 : i32 to index
        %get3A_551 = arith.constant 0 : index
        %get3A_552 = tpu.vector_load %arg11[%get3A_550, %get3A_551] {strides = array<i32>} : memref<256x128xf32, #tpu.memory_space<vmem>>, vector<1x16xf32>,
        %get3A_553 = vector.shape_cast %get3A_552 : vector<1x16xf32> to vector<16xf32>
        %get3A_554 = arith.index_cast %add3A_541 : i32 to index
        %get3A_555 = arith.constant 64 : index
        %get3A_556 = tpu.vector_load %arg11[%get3A_554, %get3A_555] {strides = array<i32>} : memref<256x128xf32, #tpu.memory_space<vmem>>, vector<1x16xf32>,
        %get3A_557 = vector.shape_cast %get3A_556 : vector<1x16xf32> to vector<16xf32>
        %eq3A_558 = arith.constant 1 : i32
        %eq3A_559 = arith.cmpi eq, %and3A_535, %eq3A_558 : i32
        %select_n3A_560 = arith.select %eq3A_559, %get3A_549, %get3A_545 : vector<16xf32>
        %eq3A_561 = arith.constant 1 : i32
        %eq3A_562 = arith.cmpi eq, %shift_right_arithmetic3A_537, %eq3A_561 : i32
        %select_n3A_563 = arith.select %eq3A_562, %get3A_557, %get3A_553 : vector<16xf32>
        %mul3A_564 = arith.mulf %select_n3A_560, %select_n3A_563 : vector<16xf32>
        %swap3A_565 = arith.index_cast %add3A_541 : i32 to index
        %swap3A_566 = arith.constant 0 : index
        %swap3A_567 = tpu.vector_load %arg12[%swap3A_565, %swap3A_566] {strides = array<i32>} : memref<256x64xf32, #tpu.memory_space<vmem>>, vector<1x16xf32>,
        %swap3A_568 = vector.shape_cast %swap3A_567 : vector<1x16xf32> to vector<16xf32>
        %swap3A_569 = vector.shape_cast %mul3A_564 : vector<16xf32> to vector<1x16xf32>
        tpu.vector_store %arg12[%swap3A_565, %swap3A_566], %swap3A_569 {strides = array<i32>} : memref<256x64xf32, #tpu.memory_space<vmem>>, vector<1x16xf32>,
        %get3A_570 = arith.index_cast %add3A_541 : i32 to index
        %get3A_571 = arith.constant 16 : index
        %get3A_572 = tpu.vector_load %arg10[%get3A_570, %get3A_571] {strides = array<i32>} : memref<256x128xf32, #tpu.memory_space<vmem>>, vector<1x16xf32>,
        %get3A_573 = vector.shape_cast %get3A_572 : vector<1x16xf32> to vector<16xf32>
        %get3A_574 = arith.index_cast %add3A_541 : i32 to index
        %get3A_575 = arith.constant 80 : index
        %get3A_576 = tpu.vector_load %arg10[%get3A_574, %get3A_575] {strides = array<i32>} : memref<256x128xf32, #tpu.memory_space<vmem>>, vector<1x16xf32>,
        %get3A_577 = vector.shape_cast %get3A_576 : vector<1x16xf32> to vector<16xf32>
        %get3A_578 = arith.index_cast %add3A_541 : i32 to index
        %get3A_579 = arith.constant 16 : index
        %get3A_580 = tpu.vector_load %arg11[%get3A_578, %get3A_579] {strides = array<i32>} : memref<256x128xf32, #tpu.memory_space<vmem>>, vector<1x16xf32>,
        %get3A_581 = vector.shape_cast %get3A_580 : vector<1x16xf32> to vector<16xf32>
        %get3A_582 = arith.index_cast %add3A_541 : i32 to index
        %get3A_583 = arith.constant 80 : index
        %get3A_584 = tpu.vector_load %arg11[%get3A_582, %get3A_583] {strides = array<i32>} : memref<256x128xf32, #tpu.memory_space<vmem>>, vector<1x16xf32>,
        %get3A_585 = vector.shape_cast %get3A_584 : vector<1x16xf32> to vector<16xf32>
        %eq3A_586 = arith.constant 1 : i32
        %eq3A_587 = arith.cmpi eq, %and3A_535, %eq3A_586 : i32
        %select_n3A_588 = arith.select %eq3A_587, %get3A_577, %get3A_573 : vector<16xf32>
        %eq3A_589 = arith.constant 1 : i32
        %eq3A_590 = arith.cmpi eq, %shift_right_arithmetic3A_537, %eq3A_589 : i32
        %select_n3A_591 = arith.select %eq3A_590, %get3A_585, %get3A_581 : vector<16xf32>
        %mul3A_592 = arith.mulf %select_n3A_588, %select_n3A_591 : vector<16xf32>
        %swap3A_593 = arith.index_cast %add3A_541 : i32 to index
        %swap3A_594 = arith.constant 16 : index
        %swap3A_595 = tpu.vector_load %arg12[%swap3A_593, %swap3A_594] {strides = array<i32>} : memref<256x64xf32, #tpu.memory_space<vmem>>, vector<1x16xf32>,
        %swap3A_596 = vector.shape_cast %swap3A_595 : vector<1x16xf32> to vector<16xf32>
        %swap3A_597 = vector.shape_cast %mul3A_592 : vector<16xf32> to vector<1x16xf32>
        tpu.vector_store %arg12[%swap3A_593, %swap3A_594], %swap3A_597 {strides = array<i32>} : memref<256x64xf32, #tpu.memory_space<vmem>>, vector<1x16xf32>,
        %get3A_598 = arith.index_cast %add3A_541 : i32 to index
        %get3A_599 = arith.constant 32 : index
        %get3A_600 = tpu.vector_load %arg10[%get3A_598, %get3A_599] {strides = array<i32>} : memref<256x128xf32, #tpu.memory_space<vmem>>, vector<1x16xf32>,
        %get3A_601 = vector.shape_cast %get3A_600 : vector<1x16xf32> to vector<16xf32>
        %get3A_602 = arith.index_cast %add3A_541 : i32 to index
        %get3A_603 = arith.constant 96 : index
        %get3A_604 = tpu.vector_load %arg10[%get3A_602, %get3A_603] {strides = array<i32>} : memref<256x128xf32, #tpu.memory_space<vmem>>, vector<1x16xf32>,
        %get3A_605 = vector.shape_cast %get3A_604 : vector<1x16xf32> to vector<16xf32>
        %get3A_606 = arith.index_cast %add3A_541 : i32 to index
        %get3A_607 = arith.constant 32 : index
        %get3A_608 = tpu.vector_load %arg11[%get3A_606, %get3A_607] {strides = array<i32>} : memref<256x128xf32, #tpu.memory_space<vmem>>, vector<1x16xf32>,
        %get3A_609 = vector.shape_cast %get3A_608 : vector<1x16xf32> to vector<16xf32>
        %get3A_610 = arith.index_cast %add3A_541 : i32 to index
        %get3A_611 = arith.constant 96 : index
        %get3A_612 = tpu.vector_load %arg11[%get3A_610, %get3A_611] {strides = array<i32>} : memref<256x128xf32, #tpu.memory_space<vmem>>, vector<1x16xf32>,
        %get3A_613 = vector.shape_cast %get3A_612 : vector<1x16xf32> to vector<16xf32>
        %eq3A_614 = arith.constant 1 : i32
        %eq3A_615 = arith.cmpi eq, %and3A_535, %eq3A_614 : i32
        %select_n3A_616 = arith.select %eq3A_615, %get3A_605, %get3A_601 : vector<16xf32>
        %eq3A_617 = arith.constant 1 : i32
        %eq3A_618 = arith.cmpi eq, %shift_right_arithmetic3A_537, %eq3A_617 : i32
        %select_n3A_619 = arith.select %eq3A_618, %get3A_613, %get3A_609 : vector<16xf32>
        %mul3A_620 = arith.mulf %select_n3A_616, %select_n3A_619 : vector<16xf32>
        %swap3A_621 = arith.index_cast %add3A_541 : i32 to index
        %swap3A_622 = arith.constant 32 : index
        %swap3A_623 = tpu.vector_load %arg12[%swap3A_621, %swap3A_622] {strides = array<i32>} : memref<256x64xf32, #tpu.memory_space<vmem>>, vector<1x16xf32>,
        %swap3A_624 = vector.shape_cast %swap3A_623 : vector<1x16xf32> to vector<16xf32>
        %swap3A_625 = vector.shape_cast %mul3A_620 : vector<16xf32> to vector<1x16xf32>
        tpu.vector_store %arg12[%swap3A_621, %swap3A_622], %swap3A_625 {strides = array<i32>} : memref<256x64xf32, #tpu.memory_space<vmem>>, vector<1x16xf32>,
        %get3A_626 = arith.index_cast %add3A_541 : i32 to index
        %get3A_627 = arith.constant 48 : index
        %get3A_628 = tpu.vector_load %arg10[%get3A_626, %get3A_627] {strides = array<i32>} : memref<256x128xf32, #tpu.memory_space<vmem>>, vector<1x16xf32>,
        %get3A_629 = vector.shape_cast %get3A_628 : vector<1x16xf32> to vector<16xf32>
        %get3A_630 = arith.index_cast %add3A_541 : i32 to index
        %get3A_631 = arith.constant 112 : index
        %get3A_632 = tpu.vector_load %arg10[%get3A_630, %get3A_631] {strides = array<i32>} : memref<256x128xf32, #tpu.memory_space<vmem>>, vector<1x16xf32>,
        %get3A_633 = vector.shape_cast %get3A_632 : vector<1x16xf32> to vector<16xf32>
        %get3A_634 = arith.index_cast %add3A_541 : i32 to index
        %get3A_635 = arith.constant 48 : index
        %get3A_636 = tpu.vector_load %arg11[%get3A_634, %get3A_635] {strides = array<i32>} : memref<256x128xf32, #tpu.memory_space<vmem>>, vector<1x16xf32>,
        %get3A_637 = vector.shape_cast %get3A_636 : vector<1x16xf32> to vector<16xf32>
        %get3A_638 = arith.index_cast %add3A_541 : i32 to index
        %get3A_639 = arith.constant 112 : index
        %get3A_640 = tpu.vector_load %arg11[%get3A_638, %get3A_639] {strides = array<i32>} : memref<256x128xf32, #tpu.memory_space<vmem>>, vector<1x16xf32>,
        %get3A_641 = vector.shape_cast %get3A_640 : vector<1x16xf32> to vector<16xf32>
        %eq3A_642 = arith.constant 1 : i32
        %eq3A_643 = arith.cmpi eq, %and3A_535, %eq3A_642 : i32
        %select_n3A_644 = arith.select %eq3A_643, %get3A_633, %get3A_629 : vector<16xf32>
        %eq3A_645 = arith.constant 1 : i32
        %eq3A_646 = arith.cmpi eq, %shift_right_arithmetic3A_537, %eq3A_645 : i32
        %select_n3A_647 = arith.select %eq3A_646, %get3A_641, %get3A_637 : vector<16xf32>
        %mul3A_648 = arith.mulf %select_n3A_644, %select_n3A_647 : vector<16xf32>
        %swap3A_649 = arith.index_cast %add3A_541 : i32 to index
        %swap3A_650 = arith.constant 48 : index
        %swap3A_651 = tpu.vector_load %arg12[%swap3A_649, %swap3A_650] {strides = array<i32>} : memref<256x64xf32, #tpu.memory_space<vmem>>, vector<1x16xf32>,
        %swap3A_652 = vector.shape_cast %swap3A_651 : vector<1x16xf32> to vector<16xf32>
        %swap3A_653 = vector.shape_cast %mul3A_648 : vector<16xf32> to vector<1x16xf32>
        tpu.vector_store %arg12[%swap3A_649, %swap3A_650], %swap3A_653 {strides = array<i32>} : memref<256x64xf32, #tpu.memory_space<vmem>>, vector<1x16xf32>,
        %slice3A_654 = vector.extract_strided_slice %get3A_50 {offsets = [5], sizes = [1], strides = [1]} : vector<16xi32> to vector<1xi32>
        %squeeze3A_655 = vector.extract %slice3A_654[0] : i32 from vector<1xi32>
        %and3A_656 = arith.constant 1 : i32
        %and3A_657 = arith.andi %squeeze3A_655, %and3A_656 : i32
        %shift_right_arithmetic3A_658 = arith.constant 1 : i32
        %shift_right_arithmetic3A_659 = arith.shrsi %squeeze3A_655, %shift_right_arithmetic3A_658 : i32
        %mul3A_660 = arith.constant 16 : i32
        %mul3A_661 = arith.muli %scan3A_46, %mul3A_660 : i32
        %add3A_662 = arith.constant 5 : i32
        %add3A_663 = arith.addi %mul3A_661, %add3A_662 : i32
        %get3A_664 = arith.index_cast %add3A_663 : i32 to index
        %get3A_665 = arith.constant 0 : index
        %get3A_666 = tpu.vector_load %arg10[%get3A_664, %get3A_665] {strides = array<i32>} : memref<256x128xf32, #tpu.memory_space<vmem>>, vector<1x16xf32>,
        %get3A_667 = vector.shape_cast %get3A_666 : vector<1x16xf32> to vector<16xf32>
        %get3A_668 = arith.index_cast %add3A_663 : i32 to index
        %get3A_669 = arith.constant 64 : index
        %get3A_670 = tpu.vector_load %arg10[%get3A_668, %get3A_669] {strides = array<i32>} : memref<256x128xf32, #tpu.memory_space<vmem>>, vector<1x16xf32>,
        %get3A_671 = vector.shape_cast %get3A_670 : vector<1x16xf32> to vector<16xf32>
        %get3A_672 = arith.index_cast %add3A_663 : i32 to index
        %get3A_673 = arith.constant 0 : index
        %get3A_674 = tpu.vector_load %arg11[%get3A_672, %get3A_673] {strides = array<i32>} : memref<256x128xf32, #tpu.memory_space<vmem>>, vector<1x16xf32>,
        %get3A_675 = vector.shape_cast %get3A_674 : vector<1x16xf32> to vector<16xf32>
        %get3A_676 = arith.index_cast %add3A_663 : i32 to index
        %get3A_677 = arith.constant 64 : index
        %get3A_678 = tpu.vector_load %arg11[%get3A_676, %get3A_677] {strides = array<i32>} : memref<256x128xf32, #tpu.memory_space<vmem>>, vector<1x16xf32>,
        %get3A_679 = vector.shape_cast %get3A_678 : vector<1x16xf32> to vector<16xf32>
        %eq3A_680 = arith.constant 1 : i32
        %eq3A_681 = arith.cmpi eq, %and3A_657, %eq3A_680 : i32
        %select_n3A_682 = arith.select %eq3A_681, %get3A_671, %get3A_667 : vector<16xf32>
        %eq3A_683 = arith.constant 1 : i32
        %eq3A_684 = arith.cmpi eq, %shift_right_arithmetic3A_659, %eq3A_683 : i32
        %select_n3A_685 = arith.select %eq3A_684, %get3A_679, %get3A_675 : vector<16xf32>
        %mul3A_686 = arith.mulf %select_n3A_682, %select_n3A_685 : vector<16xf32>
        %swap3A_687 = arith.index_cast %add3A_663 : i32 to index
        %swap3A_688 = arith.constant 0 : index
        %swap3A_689 = tpu.vector_load %arg12[%swap3A_687, %swap3A_688] {strides = array<i32>} : memref<256x64xf32, #tpu.memory_space<vmem>>, vector<1x16xf32>,
        %swap3A_690 = vector.shape_cast %swap3A_689 : vector<1x16xf32> to vector<16xf32>
        %swap3A_691 = vector.shape_cast %mul3A_686 : vector<16xf32> to vector<1x16xf32>
        tpu.vector_store %arg12[%swap3A_687, %swap3A_688], %swap3A_691 {strides = array<i32>} : memref<256x64xf32, #tpu.memory_space<vmem>>, vector<1x16xf32>,
        %get3A_692 = arith.index_cast %add3A_663 : i32 to index
        %get3A_693 = arith.constant 16 : index
        %get3A_694 = tpu.vector_load %arg10[%get3A_692, %get3A_693] {strides = array<i32>} : memref<256x128xf32, #tpu.memory_space<vmem>>, vector<1x16xf32>,
        %get3A_695 = vector.shape_cast %get3A_694 : vector<1x16xf32> to vector<16xf32>
        %get3A_696 = arith.index_cast %add3A_663 : i32 to index
        %get3A_697 = arith.constant 80 : index
        %get3A_698 = tpu.vector_load %arg10[%get3A_696, %get3A_697] {strides = array<i32>} : memref<256x128xf32, #tpu.memory_space<vmem>>, vector<1x16xf32>,
        %get3A_699 = vector.shape_cast %get3A_698 : vector<1x16xf32> to vector<16xf32>
        %get3A_700 = arith.index_cast %add3A_663 : i32 to index
        %get3A_701 = arith.constant 16 : index
        %get3A_702 = tpu.vector_load %arg11[%get3A_700, %get3A_701] {strides = array<i32>} : memref<256x128xf32, #tpu.memory_space<vmem>>, vector<1x16xf32>,
        %get3A_703 = vector.shape_cast %get3A_702 : vector<1x16xf32> to vector<16xf32>
        %get3A_704 = arith.index_cast %add3A_663 : i32 to index
        %get3A_705 = arith.constant 80 : index
        %get3A_706 = tpu.vector_load %arg11[%get3A_704, %get3A_705] {strides = array<i32>} : memref<256x128xf32, #tpu.memory_space<vmem>>, vector<1x16xf32>,
        %get3A_707 = vector.shape_cast %get3A_706 : vector<1x16xf32> to vector<16xf32>
        %eq3A_708 = arith.constant 1 : i32
        %eq3A_709 = arith.cmpi eq, %and3A_657, %eq3A_708 : i32
        %select_n3A_710 = arith.select %eq3A_709, %get3A_699, %get3A_695 : vector<16xf32>
        %eq3A_711 = arith.constant 1 : i32
        %eq3A_712 = arith.cmpi eq, %shift_right_arithmetic3A_659, %eq3A_711 : i32
        %select_n3A_713 = arith.select %eq3A_712, %get3A_707, %get3A_703 : vector<16xf32>
        %mul3A_714 = arith.mulf %select_n3A_710, %select_n3A_713 : vector<16xf32>
        %swap3A_715 = arith.index_cast %add3A_663 : i32 to index
        %swap3A_716 = arith.constant 16 : index
        %swap3A_717 = tpu.vector_load %arg12[%swap3A_715, %swap3A_716] {strides = array<i32>} : memref<256x64xf32, #tpu.memory_space<vmem>>, vector<1x16xf32>,
        %swap3A_718 = vector.shape_cast %swap3A_717 : vector<1x16xf32> to vector<16xf32>
        %swap3A_719 = vector.shape_cast %mul3A_714 : vector<16xf32> to vector<1x16xf32>
        tpu.vector_store %arg12[%swap3A_715, %swap3A_716], %swap3A_719 {strides = array<i32>} : memref<256x64xf32, #tpu.memory_space<vmem>>, vector<1x16xf32>,
        %get3A_720 = arith.index_cast %add3A_663 : i32 to index
        %get3A_721 = arith.constant 32 : index
        %get3A_722 = tpu.vector_load %arg10[%get3A_720, %get3A_721] {strides = array<i32>} : memref<256x128xf32, #tpu.memory_space<vmem>>, vector<1x16xf32>,
        %get3A_723 = vector.shape_cast %get3A_722 : vector<1x16xf32> to vector<16xf32>
        %get3A_724 = arith.index_cast %add3A_663 : i32 to index
        %get3A_725 = arith.constant 96 : index
        %get3A_726 = tpu.vector_load %arg10[%get3A_724, %get3A_725] {strides = array<i32>} : memref<256x128xf32, #tpu.memory_space<vmem>>, vector<1x16xf32>,
        %get3A_727 = vector.shape_cast %get3A_726 : vector<1x16xf32> to vector<16xf32>
        %get3A_728 = arith.index_cast %add3A_663 : i32 to index
        %get3A_729 = arith.constant 32 : index
        %get3A_730 = tpu.vector_load %arg11[%get3A_728, %get3A_729] {strides = array<i32>} : memref<256x128xf32, #tpu.memory_space<vmem>>, vector<1x16xf32>,
        %get3A_731 = vector.shape_cast %get3A_730 : vector<1x16xf32> to vector<16xf32>
        %get3A_732 = arith.index_cast %add3A_663 : i32 to index
        %get3A_733 = arith.constant 96 : index
        %get3A_734 = tpu.vector_load %arg11[%get3A_732, %get3A_733] {strides = array<i32>} : memref<256x128xf32, #tpu.memory_space<vmem>>, vector<1x16xf32>,
        %get3A_735 = vector.shape_cast %get3A_734 : vector<1x16xf32> to vector<16xf32>
        %eq3A_736 = arith.constant 1 : i32
        %eq3A_737 = arith.cmpi eq, %and3A_657, %eq3A_736 : i32
        %select_n3A_738 = arith.select %eq3A_737, %get3A_727, %get3A_723 : vector<16xf32>
        %eq3A_739 = arith.constant 1 : i32
        %eq3A_740 = arith.cmpi eq, %shift_right_arithmetic3A_659, %eq3A_739 : i32
        %select_n3A_741 = arith.select %eq3A_740, %get3A_735, %get3A_731 : vector<16xf32>
        %mul3A_742 = arith.mulf %select_n3A_738, %select_n3A_741 : vector<16xf32>
        %swap3A_743 = arith.index_cast %add3A_663 : i32 to index
        %swap3A_744 = arith.constant 32 : index
        %swap3A_745 = tpu.vector_load %arg12[%swap3A_743, %swap3A_744] {strides = array<i32>} : memref<256x64xf32, #tpu.memory_space<vmem>>, vector<1x16xf32>,
        %swap3A_746 = vector.shape_cast %swap3A_745 : vector<1x16xf32> to vector<16xf32>
        %swap3A_747 = vector.shape_cast %mul3A_742 : vector<16xf32> to vector<1x16xf32>
        tpu.vector_store %arg12[%swap3A_743, %swap3A_744], %swap3A_747 {strides = array<i32>} : memref<256x64xf32, #tpu.memory_space<vmem>>, vector<1x16xf32>,
        %get3A_748 = arith.index_cast %add3A_663 : i32 to index
        %get3A_749 = arith.constant 48 : index
        %get3A_750 = tpu.vector_load %arg10[%get3A_748, %get3A_749] {strides = array<i32>} : memref<256x128xf32, #tpu.memory_space<vmem>>, vector<1x16xf32>,
        %get3A_751 = vector.shape_cast %get3A_750 : vector<1x16xf32> to vector<16xf32>
        %get3A_752 = arith.index_cast %add3A_663 : i32 to index
        %get3A_753 = arith.constant 112 : index
        %get3A_754 = tpu.vector_load %arg10[%get3A_752, %get3A_753] {strides = array<i32>} : memref<256x128xf32, #tpu.memory_space<vmem>>, vector<1x16xf32>,
        %get3A_755 = vector.shape_cast %get3A_754 : vector<1x16xf32> to vector<16xf32>
        %get3A_756 = arith.index_cast %add3A_663 : i32 to index
        %get3A_757 = arith.constant 48 : index
        %get3A_758 = tpu.vector_load %arg11[%get3A_756, %get3A_757] {strides = array<i32>} : memref<256x128xf32, #tpu.memory_space<vmem>>, vector<1x16xf32>,
        %get3A_759 = vector.shape_cast %get3A_758 : vector<1x16xf32> to vector<16xf32>
        %get3A_760 = arith.index_cast %add3A_663 : i32 to index
        %get3A_761 = arith.constant 112 : index
        %get3A_762 = tpu.vector_load %arg11[%get3A_760, %get3A_761] {strides = array<i32>} : memref<256x128xf32, #tpu.memory_space<vmem>>, vector<1x16xf32>,
        %get3A_763 = vector.shape_cast %get3A_762 : vector<1x16xf32> to vector<16xf32>
        %eq3A_764 = arith.constant 1 : i32
        %eq3A_765 = arith.cmpi eq, %and3A_657, %eq3A_764 : i32
        %select_n3A_766 = arith.select %eq3A_765, %get3A_755, %get3A_751 : vector<16xf32>
        %eq3A_767 = arith.constant 1 : i32
        %eq3A_768 = arith.cmpi eq, %shift_right_arithmetic3A_659, %eq3A_767 : i32
        %select_n3A_769 = arith.select %eq3A_768, %get3A_763, %get3A_759 : vector<16xf32>
        %mul3A_770 = arith.mulf %select_n3A_766, %select_n3A_769 : vector<16xf32>
        %swap3A_771 = arith.index_cast %add3A_663 : i32 to index
        %swap3A_772 = arith.constant 48 : index
        %swap3A_773 = tpu.vector_load %arg12[%swap3A_771, %swap3A_772] {strides = array<i32>} : memref<256x64xf32, #tpu.memory_space<vmem>>, vector<1x16xf32>,
        %swap3A_774 = vector.shape_cast %swap3A_773 : vector<1x16xf32> to vector<16xf32>
        %swap3A_775 = vector.shape_cast %mul3A_770 : vector<16xf32> to vector<1x16xf32>
        tpu.vector_store %arg12[%swap3A_771, %swap3A_772], %swap3A_775 {strides = array<i32>} : memref<256x64xf32, #tpu.memory_space<vmem>>, vector<1x16xf32>,
        %slice3A_776 = vector.extract_strided_slice %get3A_50 {offsets = [6], sizes = [1], strides = [1]} : vector<16xi32> to vector<1xi32>
        %squeeze3A_777 = vector.extract %slice3A_776[0] : i32 from vector<1xi32>
        %and3A_778 = arith.constant 1 : i32
        %and3A_779 = arith.andi %squeeze3A_777, %and3A_778 : i32
        %shift_right_arithmetic3A_780 = arith.constant 1 : i32
        %shift_right_arithmetic3A_781 = arith.shrsi %squeeze3A_777, %shift_right_arithmetic3A_780 : i32
        %mul3A_782 = arith.constant 16 : i32
        %mul3A_783 = arith.muli %scan3A_46, %mul3A_782 : i32
        %add3A_784 = arith.constant 6 : i32
        %add3A_785 = arith.addi %mul3A_783, %add3A_784 : i32
        %get3A_786 = arith.index_cast %add3A_785 : i32 to index
        %get3A_787 = arith.constant 0 : index
        %get3A_788 = tpu.vector_load %arg10[%get3A_786, %get3A_787] {strides = array<i32>} : memref<256x128xf32, #tpu.memory_space<vmem>>, vector<1x16xf32>,
        %get3A_789 = vector.shape_cast %get3A_788 : vector<1x16xf32> to vector<16xf32>
        %get3A_790 = arith.index_cast %add3A_785 : i32 to index
        %get3A_791 = arith.constant 64 : index
        %get3A_792 = tpu.vector_load %arg10[%get3A_790, %get3A_791] {strides = array<i32>} : memref<256x128xf32, #tpu.memory_space<vmem>>, vector<1x16xf32>,
        %get3A_793 = vector.shape_cast %get3A_792 : vector<1x16xf32> to vector<16xf32>
        %get3A_794 = arith.index_cast %add3A_785 : i32 to index
        %get3A_795 = arith.constant 0 : index
        %get3A_796 = tpu.vector_load %arg11[%get3A_794, %get3A_795] {strides = array<i32>} : memref<256x128xf32, #tpu.memory_space<vmem>>, vector<1x16xf32>,
        %get3A_797 = vector.shape_cast %get3A_796 : vector<1x16xf32> to vector<16xf32>
        %get3A_798 = arith.index_cast %add3A_785 : i32 to index
        %get3A_799 = arith.constant 64 : index
        %get3A_800 = tpu.vector_load %arg11[%get3A_798, %get3A_799] {strides = array<i32>} : memref<256x128xf32, #tpu.memory_space<vmem>>, vector<1x16xf32>,
        %get3A_801 = vector.shape_cast %get3A_800 : vector<1x16xf32> to vector<16xf32>
        %eq3A_802 = arith.constant 1 : i32
        %eq3A_803 = arith.cmpi eq, %and3A_779, %eq3A_802 : i32
        %select_n3A_804 = arith.select %eq3A_803, %get3A_793, %get3A_789 : vector<16xf32>
        %eq3A_805 = arith.constant 1 : i32
        %eq3A_806 = arith.cmpi eq, %shift_right_arithmetic3A_781, %eq3A_805 : i32
        %select_n3A_807 = arith.select %eq3A_806, %get3A_801, %get3A_797 : vector<16xf32>
        %mul3A_808 = arith.mulf %select_n3A_804, %select_n3A_807 : vector<16xf32>
        %swap3A_809 = arith.index_cast %add3A_785 : i32 to index
        %swap3A_810 = arith.constant 0 : index
        %swap3A_811 = tpu.vector_load %arg12[%swap3A_809, %swap3A_810] {strides = array<i32>} : memref<256x64xf32, #tpu.memory_space<vmem>>, vector<1x16xf32>,
        %swap3A_812 = vector.shape_cast %swap3A_811 : vector<1x16xf32> to vector<16xf32>
        %swap3A_813 = vector.shape_cast %mul3A_808 : vector<16xf32> to vector<1x16xf32>
        tpu.vector_store %arg12[%swap3A_809, %swap3A_810], %swap3A_813 {strides = array<i32>} : memref<256x64xf32, #tpu.memory_space<vmem>>, vector<1x16xf32>,
        %get3A_814 = arith.index_cast %add3A_785 : i32 to index
        %get3A_815 = arith.constant 16 : index
        %get3A_816 = tpu.vector_load %arg10[%get3A_814, %get3A_815] {strides = array<i32>} : memref<256x128xf32, #tpu.memory_space<vmem>>, vector<1x16xf32>,
        %get3A_817 = vector.shape_cast %get3A_816 : vector<1x16xf32> to vector<16xf32>
        %get3A_818 = arith.index_cast %add3A_785 : i32 to index
        %get3A_819 = arith.constant 80 : index
        %get3A_820 = tpu.vector_load %arg10[%get3A_818, %get3A_819] {strides = array<i32>} : memref<256x128xf32, #tpu.memory_space<vmem>>, vector<1x16xf32>,
        %get3A_821 = vector.shape_cast %get3A_820 : vector<1x16xf32> to vector<16xf32>
        %get3A_822 = arith.index_cast %add3A_785 : i32 to index
        %get3A_823 = arith.constant 16 : index
        %get3A_824 = tpu.vector_load %arg11[%get3A_822, %get3A_823] {strides = array<i32>} : memref<256x128xf32, #tpu.memory_space<vmem>>, vector<1x16xf32>,
        %get3A_825 = vector.shape_cast %get3A_824 : vector<1x16xf32> to vector<16xf32>
        %get3A_826 = arith.index_cast %add3A_785 : i32 to index
        %get3A_827 = arith.constant 80 : index
        %get3A_828 = tpu.vector_load %arg11[%get3A_826, %get3A_827] {strides = array<i32>} : memref<256x128xf32, #tpu.memory_space<vmem>>, vector<1x16xf32>,
        %get3A_829 = vector.shape_cast %get3A_828 : vector<1x16xf32> to vector<16xf32>
        %eq3A_830 = arith.constant 1 : i32
        %eq3A_831 = arith.cmpi eq, %and3A_779, %eq3A_830 : i32
        %select_n3A_832 = arith.select %eq3A_831, %get3A_821, %get3A_817 : vector<16xf32>
        %eq3A_833 = arith.constant 1 : i32
        %eq3A_834 = arith.cmpi eq, %shift_right_arithmetic3A_781, %eq3A_833 : i32
        %select_n3A_835 = arith.select %eq3A_834, %get3A_829, %get3A_825 : vector<16xf32>
        %mul3A_836 = arith.mulf %select_n3A_832, %select_n3A_835 : vector<16xf32>
        %swap3A_837 = arith.index_cast %add3A_785 : i32 to index
        %swap3A_838 = arith.constant 16 : index
        %swap3A_839 = tpu.vector_load %arg12[%swap3A_837, %swap3A_838] {strides = array<i32>} : memref<256x64xf32, #tpu.memory_space<vmem>>, vector<1x16xf32>,
        %swap3A_840 = vector.shape_cast %swap3A_839 : vector<1x16xf32> to vector<16xf32>
        %swap3A_841 = vector.shape_cast %mul3A_836 : vector<16xf32> to vector<1x16xf32>
        tpu.vector_store %arg12[%swap3A_837, %swap3A_838], %swap3A_841 {strides = array<i32>} : memref<256x64xf32, #tpu.memory_space<vmem>>, vector<1x16xf32>,
        %get3A_842 = arith.index_cast %add3A_785 : i32 to index
        %get3A_843 = arith.constant 32 : index
        %get3A_844 = tpu.vector_load %arg10[%get3A_842, %get3A_843] {strides = array<i32>} : memref<256x128xf32, #tpu.memory_space<vmem>>, vector<1x16xf32>,
        %get3A_845 = vector.shape_cast %get3A_844 : vector<1x16xf32> to vector<16xf32>
        %get3A_846 = arith.index_cast %add3A_785 : i32 to index
        %get3A_847 = arith.constant 96 : index
        %get3A_848 = tpu.vector_load %arg10[%get3A_846, %get3A_847] {strides = array<i32>} : memref<256x128xf32, #tpu.memory_space<vmem>>, vector<1x16xf32>,
        %get3A_849 = vector.shape_cast %get3A_848 : vector<1x16xf32> to vector<16xf32>
        %get3A_850 = arith.index_cast %add3A_785 : i32 to index
        %get3A_851 = arith.constant 32 : index
        %get3A_852 = tpu.vector_load %arg11[%get3A_850, %get3A_851] {strides = array<i32>} : memref<256x128xf32, #tpu.memory_space<vmem>>, vector<1x16xf32>,
        %get3A_853 = vector.shape_cast %get3A_852 : vector<1x16xf32> to vector<16xf32>
        %get3A_854 = arith.index_cast %add3A_785 : i32 to index
        %get3A_855 = arith.constant 96 : index
        %get3A_856 = tpu.vector_load %arg11[%get3A_854, %get3A_855] {strides = array<i32>} : memref<256x128xf32, #tpu.memory_space<vmem>>, vector<1x16xf32>,
        %get3A_857 = vector.shape_cast %get3A_856 : vector<1x16xf32> to vector<16xf32>
        %eq3A_858 = arith.constant 1 : i32
        %eq3A_859 = arith.cmpi eq, %and3A_779, %eq3A_858 : i32
        %select_n3A_860 = arith.select %eq3A_859, %get3A_849, %get3A_845 : vector<16xf32>
        %eq3A_861 = arith.constant 1 : i32
        %eq3A_862 = arith.cmpi eq, %shift_right_arithmetic3A_781, %eq3A_861 : i32
        %select_n3A_863 = arith.select %eq3A_862, %get3A_857, %get3A_853 : vector<16xf32>
        %mul3A_864 = arith.mulf %select_n3A_860, %select_n3A_863 : vector<16xf32>
        %swap3A_865 = arith.index_cast %add3A_785 : i32 to index
        %swap3A_866 = arith.constant 32 : index
        %swap3A_867 = tpu.vector_load %arg12[%swap3A_865, %swap3A_866] {strides = array<i32>} : memref<256x64xf32, #tpu.memory_space<vmem>>, vector<1x16xf32>,
        %swap3A_868 = vector.shape_cast %swap3A_867 : vector<1x16xf32> to vector<16xf32>
        %swap3A_869 = vector.shape_cast %mul3A_864 : vector<16xf32> to vector<1x16xf32>
        tpu.vector_store %arg12[%swap3A_865, %swap3A_866], %swap3A_869 {strides = array<i32>} : memref<256x64xf32, #tpu.memory_space<vmem>>, vector<1x16xf32>,
        %get3A_870 = arith.index_cast %add3A_785 : i32 to index
        %get3A_871 = arith.constant 48 : index
        %get3A_872 = tpu.vector_load %arg10[%get3A_870, %get3A_871] {strides = array<i32>} : memref<256x128xf32, #tpu.memory_space<vmem>>, vector<1x16xf32>,
        %get3A_873 = vector.shape_cast %get3A_872 : vector<1x16xf32> to vector<16xf32>
        %get3A_874 = arith.index_cast %add3A_785 : i32 to index
        %get3A_875 = arith.constant 112 : index
        %get3A_876 = tpu.vector_load %arg10[%get3A_874, %get3A_875] {strides = array<i32>} : memref<256x128xf32, #tpu.memory_space<vmem>>, vector<1x16xf32>,
        %get3A_877 = vector.shape_cast %get3A_876 : vector<1x16xf32> to vector<16xf32>
        %get3A_878 = arith.index_cast %add3A_785 : i32 to index
        %get3A_879 = arith.constant 48 : index
        %get3A_880 = tpu.vector_load %arg11[%get3A_878, %get3A_879] {strides = array<i32>} : memref<256x128xf32, #tpu.memory_space<vmem>>, vector<1x16xf32>,
        %get3A_881 = vector.shape_cast %get3A_880 : vector<1x16xf32> to vector<16xf32>
        %get3A_882 = arith.index_cast %add3A_785 : i32 to index
        %get3A_883 = arith.constant 112 : index
        %get3A_884 = tpu.vector_load %arg11[%get3A_882, %get3A_883] {strides = array<i32>} : memref<256x128xf32, #tpu.memory_space<vmem>>, vector<1x16xf32>,
        %get3A_885 = vector.shape_cast %get3A_884 : vector<1x16xf32> to vector<16xf32>
        %eq3A_886 = arith.constant 1 : i32
        %eq3A_887 = arith.cmpi eq, %and3A_779, %eq3A_886 : i32
        %select_n3A_888 = arith.select %eq3A_887, %get3A_877, %get3A_873 : vector<16xf32>
        %eq3A_889 = arith.constant 1 : i32
        %eq3A_890 = arith.cmpi eq, %shift_right_arithmetic3A_781, %eq3A_889 : i32
        %select_n3A_891 = arith.select %eq3A_890, %get3A_885, %get3A_881 : vector<16xf32>
        %mul3A_892 = arith.mulf %select_n3A_888, %select_n3A_891 : vector<16xf32>
        %swap3A_893 = arith.index_cast %add3A_785 : i32 to index
        %swap3A_894 = arith.constant 48 : index
        %swap3A_895 = tpu.vector_load %arg12[%swap3A_893, %swap3A_894] {strides = array<i32>} : memref<256x64xf32, #tpu.memory_space<vmem>>, vector<1x16xf32>,
        %swap3A_896 = vector.shape_cast %swap3A_895 : vector<1x16xf32> to vector<16xf32>
        %swap3A_897 = vector.shape_cast %mul3A_892 : vector<16xf32> to vector<1x16xf32>
        tpu.vector_store %arg12[%swap3A_893, %swap3A_894], %swap3A_897 {strides = array<i32>} : memref<256x64xf32, #tpu.memory_space<vmem>>, vector<1x16xf32>,
        %slice3A_898 = vector.extract_strided_slice %get3A_50 {offsets = [7], sizes = [1], strides = [1]} : vector<16xi32> to vector<1xi32>
        %squeeze3A_899 = vector.extract %slice3A_898[0] : i32 from vector<1xi32>
        %and3A_900 = arith.constant 1 : i32
        %and3A_901 = arith.andi %squeeze3A_899, %and3A_900 : i32
        %shift_right_arithmetic3A_902 = arith.constant 1 : i32
        %shift_right_arithmetic3A_903 = arith.shrsi %squeeze3A_899, %shift_right_arithmetic3A_902 : i32
        %mul3A_904 = arith.constant 16 : i32
        %mul3A_905 = arith.muli %scan3A_46, %mul3A_904 : i32
        %add3A_906 = arith.constant 7 : i32
        %add3A_907 = arith.addi %mul3A_905, %add3A_906 : i32
        %get3A_908 = arith.index_cast %add3A_907 : i32 to index
        %get3A_909 = arith.constant 0 : index
        %get3A_910 = tpu.vector_load %arg10[%get3A_908, %get3A_909] {strides = array<i32>} : memref<256x128xf32, #tpu.memory_space<vmem>>, vector<1x16xf32>,
        %get3A_911 = vector.shape_cast %get3A_910 : vector<1x16xf32> to vector<16xf32>
        %get3A_912 = arith.index_cast %add3A_907 : i32 to index
        %get3A_913 = arith.constant 64 : index
        %get3A_914 = tpu.vector_load %arg10[%get3A_912, %get3A_913] {strides = array<i32>} : memref<256x128xf32, #tpu.memory_space<vmem>>, vector<1x16xf32>,
        %get3A_915 = vector.shape_cast %get3A_914 : vector<1x16xf32> to vector<16xf32>
        %get3A_916 = arith.index_cast %add3A_907 : i32 to index
        %get3A_917 = arith.constant 0 : index
        %get3A_918 = tpu.vector_load %arg11[%get3A_916, %get3A_917] {strides = array<i32>} : memref<256x128xf32, #tpu.memory_space<vmem>>, vector<1x16xf32>,
        %get3A_919 = vector.shape_cast %get3A_918 : vector<1x16xf32> to vector<16xf32>
        %get3A_920 = arith.index_cast %add3A_907 : i32 to index
        %get3A_921 = arith.constant 64 : index
        %get3A_922 = tpu.vector_load %arg11[%get3A_920, %get3A_921] {strides = array<i32>} : memref<256x128xf32, #tpu.memory_space<vmem>>, vector<1x16xf32>,
        %get3A_923 = vector.shape_cast %get3A_922 : vector<1x16xf32> to vector<16xf32>
        %eq3A_924 = arith.constant 1 : i32
        %eq3A_925 = arith.cmpi eq, %and3A_901, %eq3A_924 : i32
        %select_n3A_926 = arith.select %eq3A_925, %get3A_915, %get3A_911 : vector<16xf32>
        %eq3A_927 = arith.constant 1 : i32
        %eq3A_928 = arith.cmpi eq, %shift_right_arithmetic3A_903, %eq3A_927 : i32
        %select_n3A_929 = arith.select %eq3A_928, %get3A_923, %get3A_919 : vector<16xf32>
        %mul3A_930 = arith.mulf %select_n3A_926, %select_n3A_929 : vector<16xf32>
        %swap3A_931 = arith.index_cast %add3A_907 : i32 to index
        %swap3A_932 = arith.constant 0 : index
        %swap3A_933 = tpu.vector_load %arg12[%swap3A_931, %swap3A_932] {strides = array<i32>} : memref<256x64xf32, #tpu.memory_space<vmem>>, vector<1x16xf32>,
        %swap3A_934 = vector.shape_cast %swap3A_933 : vector<1x16xf32> to vector<16xf32>
        %swap3A_935 = vector.shape_cast %mul3A_930 : vector<16xf32> to vector<1x16xf32>
        tpu.vector_store %arg12[%swap3A_931, %swap3A_932], %swap3A_935 {strides = array<i32>} : memref<256x64xf32, #tpu.memory_space<vmem>>, vector<1x16xf32>,
        %get3A_936 = arith.index_cast %add3A_907 : i32 to index
        %get3A_937 = arith.constant 16 : index
        %get3A_938 = tpu.vector_load %arg10[%get3A_936, %get3A_937] {strides = array<i32>} : memref<256x128xf32, #tpu.memory_space<vmem>>, vector<1x16xf32>,
        %get3A_939 = vector.shape_cast %get3A_938 : vector<1x16xf32> to vector<16xf32>
        %get3A_940 = arith.index_cast %add3A_907 : i32 to index
        %get3A_941 = arith.constant 80 : index
        %get3A_942 = tpu.vector_load %arg10[%get3A_940, %get3A_941] {strides = array<i32>} : memref<256x128xf32, #tpu.memory_space<vmem>>, vector<1x16xf32>,
        %get3A_943 = vector.shape_cast %get3A_942 : vector<1x16xf32> to vector<16xf32>
        %get3A_944 = arith.index_cast %add3A_907 : i32 to index
        %get3A_945 = arith.constant 16 : index
        %get3A_946 = tpu.vector_load %arg11[%get3A_944, %get3A_945] {strides = array<i32>} : memref<256x128xf32, #tpu.memory_space<vmem>>, vector<1x16xf32>,
        %get3A_947 = vector.shape_cast %get3A_946 : vector<1x16xf32> to vector<16xf32>
        %get3A_948 = arith.index_cast %add3A_907 : i32 to index
        %get3A_949 = arith.constant 80 : index
        %get3A_950 = tpu.vector_load %arg11[%get3A_948, %get3A_949] {strides = array<i32>} : memref<256x128xf32, #tpu.memory_space<vmem>>, vector<1x16xf32>,
        %get3A_951 = vector.shape_cast %get3A_950 : vector<1x16xf32> to vector<16xf32>
        %eq3A_952 = arith.constant 1 : i32
        %eq3A_953 = arith.cmpi eq, %and3A_901, %eq3A_952 : i32
        %select_n3A_954 = arith.select %eq3A_953, %get3A_943, %get3A_939 : vector<16xf32>
        %eq3A_955 = arith.constant 1 : i32
        %eq3A_956 = arith.cmpi eq, %shift_right_arithmetic3A_903, %eq3A_955 : i32
        %select_n3A_957 = arith.select %eq3A_956, %get3A_951, %get3A_947 : vector<16xf32>
        %mul3A_958 = arith.mulf %select_n3A_954, %select_n3A_957 : vector<16xf32>
        %swap3A_959 = arith.index_cast %add3A_907 : i32 to index
        %swap3A_960 = arith.constant 16 : index
        %swap3A_961 = tpu.vector_load %arg12[%swap3A_959, %swap3A_960] {strides = array<i32>} : memref<256x64xf32, #tpu.memory_space<vmem>>, vector<1x16xf32>,
        %swap3A_962 = vector.shape_cast %swap3A_961 : vector<1x16xf32> to vector<16xf32>
        %swap3A_963 = vector.shape_cast %mul3A_958 : vector<16xf32> to vector<1x16xf32>
        tpu.vector_store %arg12[%swap3A_959, %swap3A_960], %swap3A_963 {strides = array<i32>} : memref<256x64xf32, #tpu.memory_space<vmem>>, vector<1x16xf32>,
        %get3A_964 = arith.index_cast %add3A_907 : i32 to index
        %get3A_965 = arith.constant 32 : index
        %get3A_966 = tpu.vector_load %arg10[%get3A_964, %get3A_965] {strides = array<i32>} : memref<256x128xf32, #tpu.memory_space<vmem>>, vector<1x16xf32>,
        %get3A_967 = vector.shape_cast %get3A_966 : vector<1x16xf32> to vector<16xf32>
        %get3A_968 = arith.index_cast %add3A_907 : i32 to index
        %get3A_969 = arith.constant 96 : index
        %get3A_970 = tpu.vector_load %arg10[%get3A_968, %get3A_969] {strides = array<i32>} : memref<256x128xf32, #tpu.memory_space<vmem>>, vector<1x16xf32>,
        %get3A_971 = vector.shape_cast %get3A_970 : vector<1x16xf32> to vector<16xf32>
        %get3A_972 = arith.index_cast %add3A_907 : i32 to index
        %get3A_973 = arith.constant 32 : index
        %get3A_974 = tpu.vector_load %arg11[%get3A_972, %get3A_973] {strides = array<i32>} : memref<256x128xf32, #tpu.memory_space<vmem>>, vector<1x16xf32>,
        %get3A_975 = vector.shape_cast %get3A_974 : vector<1x16xf32> to vector<16xf32>
        %get3A_976 = arith.index_cast %add3A_907 : i32 to index
        %get3A_977 = arith.constant 96 : index
        %get3A_978 = tpu.vector_load %arg11[%get3A_976, %get3A_977] {strides = array<i32>} : memref<256x128xf32, #tpu.memory_space<vmem>>, vector<1x16xf32>,
        %get3A_979 = vector.shape_cast %get3A_978 : vector<1x16xf32> to vector<16xf32>
        %eq3A_980 = arith.constant 1 : i32
        %eq3A_981 = arith.cmpi eq, %and3A_901, %eq3A_980 : i32
        %select_n3A_982 = arith.select %eq3A_981, %get3A_971, %get3A_967 : vector<16xf32>
        %eq3A_983 = arith.constant 1 : i32
        %eq3A_984 = arith.cmpi eq, %shift_right_arithmetic3A_903, %eq3A_983 : i32
        %select_n3A_985 = arith.select %eq3A_984, %get3A_979, %get3A_975 : vector<16xf32>
        %mul3A_986 = arith.mulf %select_n3A_982, %select_n3A_985 : vector<16xf32>
        %swap3A_987 = arith.index_cast %add3A_907 : i32 to index
        %swap3A_988 = arith.constant 32 : index
        %swap3A_989 = tpu.vector_load %arg12[%swap3A_987, %swap3A_988] {strides = array<i32>} : memref<256x64xf32, #tpu.memory_space<vmem>>, vector<1x16xf32>,
        %swap3A_990 = vector.shape_cast %swap3A_989 : vector<1x16xf32> to vector<16xf32>
        %swap3A_991 = vector.shape_cast %mul3A_986 : vector<16xf32> to vector<1x16xf32>
        tpu.vector_store %arg12[%swap3A_987, %swap3A_988], %swap3A_991 {strides = array<i32>} : memref<256x64xf32, #tpu.memory_space<vmem>>, vector<1x16xf32>,
        %get3A_992 = arith.index_cast %add3A_907 : i32 to index
        %get3A_993 = arith.constant 48 : index
        %get3A_994 = tpu.vector_load %arg10[%get3A_992, %get3A_993] {strides = array<i32>} : memref<256x128xf32, #tpu.memory_space<vmem>>, vector<1x16xf32>,
        %get3A_995 = vector.shape_cast %get3A_994 : vector<1x16xf32> to vector<16xf32>
        %get3A_996 = arith.index_cast %add3A_907 : i32 to index
        %get3A_997 = arith.constant 112 : index
        %get3A_998 = tpu.vector_load %arg10[%get3A_996, %get3A_997] {strides = array<i32>} : memref<256x128xf32, #tpu.memory_space<vmem>>, vector<1x16xf32>,
        %get3A_999 = vector.shape_cast %get3A_998 : vector<1x16xf32> to vector<16xf32>
        %get3A_1000 = arith.index_cast %add3A_907 : i32 to index
        %get3A_1001 = arith.constant 48 : index
        %get3A_1002 = tpu.vector_load %arg11[%get3A_1000, %get3A_1001] {strides = array<i32>} : memref<256x128xf32, #tpu.memory_space<vmem>>, vector<1x16xf32>,
        %get3A_1003 = vector.shape_cast %get3A_1002 : vector<1x16xf32> to vector<16xf32>
        %get3A_1004 = arith.index_cast %add3A_907 : i32 to index
        %get3A_1005 = arith.constant 112 : index
        %get3A_1006 = tpu.vector_load %arg11[%get3A_1004, %get3A_1005] {strides = array<i32>} : memref<256x128xf32, #tpu.memory_space<vmem>>, vector<1x16xf32>,
        %get3A_1007 = vector.shape_cast %get3A_1006 : vector<1x16xf32> to vector<16xf32>
        %eq3A_1008 = arith.constant 1 : i32
        %eq3A_1009 = arith.cmpi eq, %and3A_901, %eq3A_1008 : i32
        %select_n3A_1010 = arith.select %eq3A_1009, %get3A_999, %get3A_995 : vector<16xf32>
        %eq3A_1011 = arith.constant 1 : i32
        %eq3A_1012 = arith.cmpi eq, %shift_right_arithmetic3A_903, %eq3A_1011 : i32
        %select_n3A_1013 = arith.select %eq3A_1012, %get3A_1007, %get3A_1003 : vector<16xf32>
        %mul3A_1014 = arith.mulf %select_n3A_1010, %select_n3A_1013 : vector<16xf32>
        %swap3A_1015 = arith.index_cast %add3A_907 : i32 to index
        %swap3A_1016 = arith.constant 48 : index
        %swap3A_1017 = tpu.vector_load %arg12[%swap3A_1015, %swap3A_1016] {strides = array<i32>} : memref<256x64xf32, #tpu.memory_space<vmem>>, vector<1x16xf32>,
        %swap3A_1018 = vector.shape_cast %swap3A_1017 : vector<1x16xf32> to vector<16xf32>
        %swap3A_1019 = vector.shape_cast %mul3A_1014 : vector<16xf32> to vector<1x16xf32>
        tpu.vector_store %arg12[%swap3A_1015, %swap3A_1016], %swap3A_1019 {strides = array<i32>} : memref<256x64xf32, #tpu.memory_space<vmem>>, vector<1x16xf32>,
        %slice3A_1020 = vector.extract_strided_slice %get3A_50 {offsets = [8], sizes = [1], strides = [1]} : vector<16xi32> to vector<1xi32>
        %squeeze3A_1021 = vector.extract %slice3A_1020[0] : i32 from vector<1xi32>
        %and3A_1022 = arith.constant 1 : i32
        %and3A_1023 = arith.andi %squeeze3A_1021, %and3A_1022 : i32
        %shift_right_arithmetic3A_1024 = arith.constant 1 : i32
        %shift_right_arithmetic3A_1025 = arith.shrsi %squeeze3A_1021, %shift_right_arithmetic3A_1024 : i32
        %mul3A_1026 = arith.constant 16 : i32
        %mul3A_1027 = arith.muli %scan3A_46, %mul3A_1026 : i32
        %add3A_1028 = arith.constant 8 : i32
        %add3A_1029 = arith.addi %mul3A_1027, %add3A_1028 : i32
        %get3A_1030 = arith.index_cast %add3A_1029 : i32 to index
        %get3A_1031 = arith.constant 0 : index
        %get3A_1032 = tpu.vector_load %arg10[%get3A_1030, %get3A_1031] {strides = array<i32>} : memref<256x128xf32, #tpu.memory_space<vmem>>, vector<1x16xf32>,
        %get3A_1033 = vector.shape_cast %get3A_1032 : vector<1x16xf32> to vector<16xf32>
        %get3A_1034 = arith.index_cast %add3A_1029 : i32 to index
        %get3A_1035 = arith.constant 64 : index
        %get3A_1036 = tpu.vector_load %arg10[%get3A_1034, %get3A_1035] {strides = array<i32>} : memref<256x128xf32, #tpu.memory_space<vmem>>, vector<1x16xf32>,
        %get3A_1037 = vector.shape_cast %get3A_1036 : vector<1x16xf32> to vector<16xf32>
        %get3A_1038 = arith.index_cast %add3A_1029 : i32 to index
        %get3A_1039 = arith.constant 0 : index
        %get3A_1040 = tpu.vector_load %arg11[%get3A_1038, %get3A_1039] {strides = array<i32>} : memref<256x128xf32, #tpu.memory_space<vmem>>, vector<1x16xf32>,
        %get3A_1041 = vector.shape_cast %get3A_1040 : vector<1x16xf32> to vector<16xf32>
        %get3A_1042 = arith.index_cast %add3A_1029 : i32 to index
        %get3A_1043 = arith.constant 64 : index
        %get3A_1044 = tpu.vector_load %arg11[%get3A_1042, %get3A_1043] {strides = array<i32>} : memref<256x128xf32, #tpu.memory_space<vmem>>, vector<1x16xf32>,
        %get3A_1045 = vector.shape_cast %get3A_1044 : vector<1x16xf32> to vector<16xf32>
        %eq3A_1046 = arith.constant 1 : i32
        %eq3A_1047 = arith.cmpi eq, %and3A_1023, %eq3A_1046 : i32
        %select_n3A_1048 = arith.select %eq3A_1047, %get3A_1037, %get3A_1033 : vector<16xf32>
        %eq3A_1049 = arith.constant 1 : i32
        %eq3A_1050 = arith.cmpi eq, %shift_right_arithmetic3A_1025, %eq3A_1049 : i32
        %select_n3A_1051 = arith.select %eq3A_1050, %get3A_1045, %get3A_1041 : vector<16xf32>
        %mul3A_1052 = arith.mulf %select_n3A_1048, %select_n3A_1051 : vector<16xf32>
        %swap3A_1053 = arith.index_cast %add3A_1029 : i32 to index
        %swap3A_1054 = arith.constant 0 : index
        %swap3A_1055 = tpu.vector_load %arg12[%swap3A_1053, %swap3A_1054] {strides = array<i32>} : memref<256x64xf32, #tpu.memory_space<vmem>>, vector<1x16xf32>,
        %swap3A_1056 = vector.shape_cast %swap3A_1055 : vector<1x16xf32> to vector<16xf32>
        %swap3A_1057 = vector.shape_cast %mul3A_1052 : vector<16xf32> to vector<1x16xf32>
        tpu.vector_store %arg12[%swap3A_1053, %swap3A_1054], %swap3A_1057 {strides = array<i32>} : memref<256x64xf32, #tpu.memory_space<vmem>>, vector<1x16xf32>,
        %get3A_1058 = arith.index_cast %add3A_1029 : i32 to index
        %get3A_1059 = arith.constant 16 : index
        %get3A_1060 = tpu.vector_load %arg10[%get3A_1058, %get3A_1059] {strides = array<i32>} : memref<256x128xf32, #tpu.memory_space<vmem>>, vector<1x16xf32>,
        %get3A_1061 = vector.shape_cast %get3A_1060 : vector<1x16xf32> to vector<16xf32>
        %get3A_1062 = arith.index_cast %add3A_1029 : i32 to index
        %get3A_1063 = arith.constant 80 : index
        %get3A_1064 = tpu.vector_load %arg10[%get3A_1062, %get3A_1063] {strides = array<i32>} : memref<256x128xf32, #tpu.memory_space<vmem>>, vector<1x16xf32>,
        %get3A_1065 = vector.shape_cast %get3A_1064 : vector<1x16xf32> to vector<16xf32>
        %get3A_1066 = arith.index_cast %add3A_1029 : i32 to index
        %get3A_1067 = arith.constant 16 : index
        %get3A_1068 = tpu.vector_load %arg11[%get3A_1066, %get3A_1067] {strides = array<i32>} : memref<256x128xf32, #tpu.memory_space<vmem>>, vector<1x16xf32>,
        %get3A_1069 = vector.shape_cast %get3A_1068 : vector<1x16xf32> to vector<16xf32>
        %get3A_1070 = arith.index_cast %add3A_1029 : i32 to index
        %get3A_1071 = arith.constant 80 : index
        %get3A_1072 = tpu.vector_load %arg11[%get3A_1070, %get3A_1071] {strides = array<i32>} : memref<256x128xf32, #tpu.memory_space<vmem>>, vector<1x16xf32>,
        %get3A_1073 = vector.shape_cast %get3A_1072 : vector<1x16xf32> to vector<16xf32>
        %eq3A_1074 = arith.constant 1 : i32
        %eq3A_1075 = arith.cmpi eq, %and3A_1023, %eq3A_1074 : i32
        %select_n3A_1076 = arith.select %eq3A_1075, %get3A_1065, %get3A_1061 : vector<16xf32>
        %eq3A_1077 = arith.constant 1 : i32
        %eq3A_1078 = arith.cmpi eq, %shift_right_arithmetic3A_1025, %eq3A_1077 : i32
        %select_n3A_1079 = arith.select %eq3A_1078, %get3A_1073, %get3A_1069 : vector<16xf32>
        %mul3A_1080 = arith.mulf %select_n3A_1076, %select_n3A_1079 : vector<16xf32>
        %swap3A_1081 = arith.index_cast %add3A_1029 : i32 to index
        %swap3A_1082 = arith.constant 16 : index
        %swap3A_1083 = tpu.vector_load %arg12[%swap3A_1081, %swap3A_1082] {strides = array<i32>} : memref<256x64xf32, #tpu.memory_space<vmem>>, vector<1x16xf32>,
        %swap3A_1084 = vector.shape_cast %swap3A_1083 : vector<1x16xf32> to vector<16xf32>
        %swap3A_1085 = vector.shape_cast %mul3A_1080 : vector<16xf32> to vector<1x16xf32>
        tpu.vector_store %arg12[%swap3A_1081, %swap3A_1082], %swap3A_1085 {strides = array<i32>} : memref<256x64xf32, #tpu.memory_space<vmem>>, vector<1x16xf32>,
        %get3A_1086 = arith.index_cast %add3A_1029 : i32 to index
        %get3A_1087 = arith.constant 32 : index
        %get3A_1088 = tpu.vector_load %arg10[%get3A_1086, %get3A_1087] {strides = array<i32>} : memref<256x128xf32, #tpu.memory_space<vmem>>, vector<1x16xf32>,
        %get3A_1089 = vector.shape_cast %get3A_1088 : vector<1x16xf32> to vector<16xf32>
        %get3A_1090 = arith.index_cast %add3A_1029 : i32 to index
        %get3A_1091 = arith.constant 96 : index
        %get3A_1092 = tpu.vector_load %arg10[%get3A_1090, %get3A_1091] {strides = array<i32>} : memref<256x128xf32, #tpu.memory_space<vmem>>, vector<1x16xf32>,
        %get3A_1093 = vector.shape_cast %get3A_1092 : vector<1x16xf32> to vector<16xf32>
        %get3A_1094 = arith.index_cast %add3A_1029 : i32 to index
        %get3A_1095 = arith.constant 32 : index
        %get3A_1096 = tpu.vector_load %arg11[%get3A_1094, %get3A_1095] {strides = array<i32>} : memref<256x128xf32, #tpu.memory_space<vmem>>, vector<1x16xf32>,
        %get3A_1097 = vector.shape_cast %get3A_1096 : vector<1x16xf32> to vector<16xf32>
        %get3A_1098 = arith.index_cast %add3A_1029 : i32 to index
        %get3A_1099 = arith.constant 96 : index
        %get3A_1100 = tpu.vector_load %arg11[%get3A_1098, %get3A_1099] {strides = array<i32>} : memref<256x128xf32, #tpu.memory_space<vmem>>, vector<1x16xf32>,
        %get3A_1101 = vector.shape_cast %get3A_1100 : vector<1x16xf32> to vector<16xf32>
        %eq3A_1102 = arith.constant 1 : i32
        %eq3A_1103 = arith.cmpi eq, %and3A_1023, %eq3A_1102 : i32
        %select_n3A_1104 = arith.select %eq3A_1103, %get3A_1093, %get3A_1089 : vector<16xf32>
        %eq3A_1105 = arith.constant 1 : i32
        %eq3A_1106 = arith.cmpi eq, %shift_right_arithmetic3A_1025, %eq3A_1105 : i32
        %select_n3A_1107 = arith.select %eq3A_1106, %get3A_1101, %get3A_1097 : vector<16xf32>
        %mul3A_1108 = arith.mulf %select_n3A_1104, %select_n3A_1107 : vector<16xf32>
        %swap3A_1109 = arith.index_cast %add3A_1029 : i32 to index
        %swap3A_1110 = arith.constant 32 : index
        %swap3A_1111 = tpu.vector_load %arg12[%swap3A_1109, %swap3A_1110] {strides = array<i32>} : memref<256x64xf32, #tpu.memory_space<vmem>>, vector<1x16xf32>,
        %swap3A_1112 = vector.shape_cast %swap3A_1111 : vector<1x16xf32> to vector<16xf32>
        %swap3A_1113 = vector.shape_cast %mul3A_1108 : vector<16xf32> to vector<1x16xf32>
        tpu.vector_store %arg12[%swap3A_1109, %swap3A_1110], %swap3A_1113 {strides = array<i32>} : memref<256x64xf32, #tpu.memory_space<vmem>>, vector<1x16xf32>,
        %get3A_1114 = arith.index_cast %add3A_1029 : i32 to index
        %get3A_1115 = arith.constant 48 : index
        %get3A_1116 = tpu.vector_load %arg10[%get3A_1114, %get3A_1115] {strides = array<i32>} : memref<256x128xf32, #tpu.memory_space<vmem>>, vector<1x16xf32>,
        %get3A_1117 = vector.shape_cast %get3A_1116 : vector<1x16xf32> to vector<16xf32>
        %get3A_1118 = arith.index_cast %add3A_1029 : i32 to index
        %get3A_1119 = arith.constant 112 : index
        %get3A_1120 = tpu.vector_load %arg10[%get3A_1118, %get3A_1119] {strides = array<i32>} : memref<256x128xf32, #tpu.memory_space<vmem>>, vector<1x16xf32>,
        %get3A_1121 = vector.shape_cast %get3A_1120 : vector<1x16xf32> to vector<16xf32>
        %get3A_1122 = arith.index_cast %add3A_1029 : i32 to index
        %get3A_1123 = arith.constant 48 : index
        %get3A_1124 = tpu.vector_load %arg11[%get3A_1122, %get3A_1123] {strides = array<i32>} : memref<256x128xf32, #tpu.memory_space<vmem>>, vector<1x16xf32>,
        %get3A_1125 = vector.shape_cast %get3A_1124 : vector<1x16xf32> to vector<16xf32>
        %get3A_1126 = arith.index_cast %add3A_1029 : i32 to index
        %get3A_1127 = arith.constant 112 : index
        %get3A_1128 = tpu.vector_load %arg11[%get3A_1126, %get3A_1127] {strides = array<i32>} : memref<256x128xf32, #tpu.memory_space<vmem>>, vector<1x16xf32>,
        %get3A_1129 = vector.shape_cast %get3A_1128 : vector<1x16xf32> to vector<16xf32>
        %eq3A_1130 = arith.constant 1 : i32
        %eq3A_1131 = arith.cmpi eq, %and3A_1023, %eq3A_1130 : i32
        %select_n3A_1132 = arith.select %eq3A_1131, %get3A_1121, %get3A_1117 : vector<16xf32>
        %eq3A_1133 = arith.constant 1 : i32
        %eq3A_1134 = arith.cmpi eq, %shift_right_arithmetic3A_1025, %eq3A_1133 : i32
        %select_n3A_1135 = arith.select %eq3A_1134, %get3A_1129, %get3A_1125 : vector<16xf32>
        %mul3A_1136 = arith.mulf %select_n3A_1132, %select_n3A_1135 : vector<16xf32>
        %swap3A_1137 = arith.index_cast %add3A_1029 : i32 to index
        %swap3A_1138 = arith.constant 48 : index
        %swap3A_1139 = tpu.vector_load %arg12[%swap3A_1137, %swap3A_1138] {strides = array<i32>} : memref<256x64xf32, #tpu.memory_space<vmem>>, vector<1x16xf32>,
        %swap3A_1140 = vector.shape_cast %swap3A_1139 : vector<1x16xf32> to vector<16xf32>
        %swap3A_1141 = vector.shape_cast %mul3A_1136 : vector<16xf32> to vector<1x16xf32>
        tpu.vector_store %arg12[%swap3A_1137, %swap3A_1138], %swap3A_1141 {strides = array<i32>} : memref<256x64xf32, #tpu.memory_space<vmem>>, vector<1x16xf32>,
        %slice3A_1142 = vector.extract_strided_slice %get3A_50 {offsets = [9], sizes = [1], strides = [1]} : vector<16xi32> to vector<1xi32>
        %squeeze3A_1143 = vector.extract %slice3A_1142[0] : i32 from vector<1xi32>
        %and3A_1144 = arith.constant 1 : i32
        %and3A_1145 = arith.andi %squeeze3A_1143, %and3A_1144 : i32
        %shift_right_arithmetic3A_1146 = arith.constant 1 : i32
        %shift_right_arithmetic3A_1147 = arith.shrsi %squeeze3A_1143, %shift_right_arithmetic3A_1146 : i32
        %mul3A_1148 = arith.constant 16 : i32
        %mul3A_1149 = arith.muli %scan3A_46, %mul3A_1148 : i32
        %add3A_1150 = arith.constant 9 : i32
        %add3A_1151 = arith.addi %mul3A_1149, %add3A_1150 : i32
        %get3A_1152 = arith.index_cast %add3A_1151 : i32 to index
        %get3A_1153 = arith.constant 0 : index
        %get3A_1154 = tpu.vector_load %arg10[%get3A_1152, %get3A_1153] {strides = array<i32>} : memref<256x128xf32, #tpu.memory_space<vmem>>, vector<1x16xf32>,
        %get3A_1155 = vector.shape_cast %get3A_1154 : vector<1x16xf32> to vector<16xf32>
        %get3A_1156 = arith.index_cast %add3A_1151 : i32 to index
        %get3A_1157 = arith.constant 64 : index
        %get3A_1158 = tpu.vector_load %arg10[%get3A_1156, %get3A_1157] {strides = array<i32>} : memref<256x128xf32, #tpu.memory_space<vmem>>, vector<1x16xf32>,
        %get3A_1159 = vector.shape_cast %get3A_1158 : vector<1x16xf32> to vector<16xf32>
        %get3A_1160 = arith.index_cast %add3A_1151 : i32 to index
        %get3A_1161 = arith.constant 0 : index
        %get3A_1162 = tpu.vector_load %arg11[%get3A_1160, %get3A_1161] {strides = array<i32>} : memref<256x128xf32, #tpu.memory_space<vmem>>, vector<1x16xf32>,
        %get3A_1163 = vector.shape_cast %get3A_1162 : vector<1x16xf32> to vector<16xf32>
        %get3A_1164 = arith.index_cast %add3A_1151 : i32 to index
        %get3A_1165 = arith.constant 64 : index
        %get3A_1166 = tpu.vector_load %arg11[%get3A_1164, %get3A_1165] {strides = array<i32>} : memref<256x128xf32, #tpu.memory_space<vmem>>, vector<1x16xf32>,
        %get3A_1167 = vector.shape_cast %get3A_1166 : vector<1x16xf32> to vector<16xf32>
        %eq3A_1168 = arith.constant 1 : i32
        %eq3A_1169 = arith.cmpi eq, %and3A_1145, %eq3A_1168 : i32
        %select_n3A_1170 = arith.select %eq3A_1169, %get3A_1159, %get3A_1155 : vector<16xf32>
        %eq3A_1171 = arith.constant 1 : i32
        %eq3A_1172 = arith.cmpi eq, %shift_right_arithmetic3A_1147, %eq3A_1171 : i32
        %select_n3A_1173 = arith.select %eq3A_1172, %get3A_1167, %get3A_1163 : vector<16xf32>
        %mul3A_1174 = arith.mulf %select_n3A_1170, %select_n3A_1173 : vector<16xf32>
        %swap3A_1175 = arith.index_cast %add3A_1151 : i32 to index
        %swap3A_1176 = arith.constant 0 : index
        %swap3A_1177 = tpu.vector_load %arg12[%swap3A_1175, %swap3A_1176] {strides = array<i32>} : memref<256x64xf32, #tpu.memory_space<vmem>>, vector<1x16xf32>,
        %swap3A_1178 = vector.shape_cast %swap3A_1177 : vector<1x16xf32> to vector<16xf32>
        %swap3A_1179 = vector.shape_cast %mul3A_1174 : vector<16xf32> to vector<1x16xf32>
        tpu.vector_store %arg12[%swap3A_1175, %swap3A_1176], %swap3A_1179 {strides = array<i32>} : memref<256x64xf32, #tpu.memory_space<vmem>>, vector<1x16xf32>,
        %get3A_1180 = arith.index_cast %add3A_1151 : i32 to index
        %get3A_1181 = arith.constant 16 : index
        %get3A_1182 = tpu.vector_load %arg10[%get3A_1180, %get3A_1181] {strides = array<i32>} : memref<256x128xf32, #tpu.memory_space<vmem>>, vector<1x16xf32>,
        %get3A_1183 = vector.shape_cast %get3A_1182 : vector<1x16xf32> to vector<16xf32>
        %get3A_1184 = arith.index_cast %add3A_1151 : i32 to index
        %get3A_1185 = arith.constant 80 : index
        %get3A_1186 = tpu.vector_load %arg10[%get3A_1184, %get3A_1185] {strides = array<i32>} : memref<256x128xf32, #tpu.memory_space<vmem>>, vector<1x16xf32>,
        %get3A_1187 = vector.shape_cast %get3A_1186 : vector<1x16xf32> to vector<16xf32>
        %get3A_1188 = arith.index_cast %add3A_1151 : i32 to index
        %get3A_1189 = arith.constant 16 : index
        %get3A_1190 = tpu.vector_load %arg11[%get3A_1188, %get3A_1189] {strides = array<i32>} : memref<256x128xf32, #tpu.memory_space<vmem>>, vector<1x16xf32>,
        %get3A_1191 = vector.shape_cast %get3A_1190 : vector<1x16xf32> to vector<16xf32>
        %get3A_1192 = arith.index_cast %add3A_1151 : i32 to index
        %get3A_1193 = arith.constant 80 : index
        %get3A_1194 = tpu.vector_load %arg11[%get3A_1192, %get3A_1193] {strides = array<i32>} : memref<256x128xf32, #tpu.memory_space<vmem>>, vector<1x16xf32>,
        %get3A_1195 = vector.shape_cast %get3A_1194 : vector<1x16xf32> to vector<16xf32>
        %eq3A_1196 = arith.constant 1 : i32
        %eq3A_1197 = arith.cmpi eq, %and3A_1145, %eq3A_1196 : i32
        %select_n3A_1198 = arith.select %eq3A_1197, %get3A_1187, %get3A_1183 : vector<16xf32>
        %eq3A_1199 = arith.constant 1 : i32
        %eq3A_1200 = arith.cmpi eq, %shift_right_arithmetic3A_1147, %eq3A_1199 : i32
        %select_n3A_1201 = arith.select %eq3A_1200, %get3A_1195, %get3A_1191 : vector<16xf32>
        %mul3A_1202 = arith.mulf %select_n3A_1198, %select_n3A_1201 : vector<16xf32>
        %swap3A_1203 = arith.index_cast %add3A_1151 : i32 to index
        %swap3A_1204 = arith.constant 16 : index
        %swap3A_1205 = tpu.vector_load %arg12[%swap3A_1203, %swap3A_1204] {strides = array<i32>} : memref<256x64xf32, #tpu.memory_space<vmem>>, vector<1x16xf32>,
        %swap3A_1206 = vector.shape_cast %swap3A_1205 : vector<1x16xf32> to vector<16xf32>
        %swap3A_1207 = vector.shape_cast %mul3A_1202 : vector<16xf32> to vector<1x16xf32>
        tpu.vector_store %arg12[%swap3A_1203, %swap3A_1204], %swap3A_1207 {strides = array<i32>} : memref<256x64xf32, #tpu.memory_space<vmem>>, vector<1x16xf32>,
        %get3A_1208 = arith.index_cast %add3A_1151 : i32 to index
        %get3A_1209 = arith.constant 32 : index
        %get3A_1210 = tpu.vector_load %arg10[%get3A_1208, %get3A_1209] {strides = array<i32>} : memref<256x128xf32, #tpu.memory_space<vmem>>, vector<1x16xf32>,
        %get3A_1211 = vector.shape_cast %get3A_1210 : vector<1x16xf32> to vector<16xf32>
        %get3A_1212 = arith.index_cast %add3A_1151 : i32 to index
        %get3A_1213 = arith.constant 96 : index
        %get3A_1214 = tpu.vector_load %arg10[%get3A_1212, %get3A_1213] {strides = array<i32>} : memref<256x128xf32, #tpu.memory_space<vmem>>, vector<1x16xf32>,
        %get3A_1215 = vector.shape_cast %get3A_1214 : vector<1x16xf32> to vector<16xf32>
        %get3A_1216 = arith.index_cast %add3A_1151 : i32 to index
        %get3A_1217 = arith.constant 32 : index
        %get3A_1218 = tpu.vector_load %arg11[%get3A_1216, %get3A_1217] {strides = array<i32>} : memref<256x128xf32, #tpu.memory_space<vmem>>, vector<1x16xf32>,
        %get3A_1219 = vector.shape_cast %get3A_1218 : vector<1x16xf32> to vector<16xf32>
        %get3A_1220 = arith.index_cast %add3A_1151 : i32 to index
        %get3A_1221 = arith.constant 96 : index
        %get3A_1222 = tpu.vector_load %arg11[%get3A_1220, %get3A_1221] {strides = array<i32>} : memref<256x128xf32, #tpu.memory_space<vmem>>, vector<1x16xf32>,
        %get3A_1223 = vector.shape_cast %get3A_1222 : vector<1x16xf32> to vector<16xf32>
        %eq3A_1224 = arith.constant 1 : i32
        %eq3A_1225 = arith.cmpi eq, %and3A_1145, %eq3A_1224 : i32
        %select_n3A_1226 = arith.select %eq3A_1225, %get3A_1215, %get3A_1211 : vector<16xf32>
        %eq3A_1227 = arith.constant 1 : i32
        %eq3A_1228 = arith.cmpi eq, %shift_right_arithmetic3A_1147, %eq3A_1227 : i32
        %select_n3A_1229 = arith.select %eq3A_1228, %get3A_1223, %get3A_1219 : vector<16xf32>
        %mul3A_1230 = arith.mulf %select_n3A_1226, %select_n3A_1229 : vector<16xf32>
        %swap3A_1231 = arith.index_cast %add3A_1151 : i32 to index
        %swap3A_1232 = arith.constant 32 : index
        %swap3A_1233 = tpu.vector_load %arg12[%swap3A_1231, %swap3A_1232] {strides = array<i32>} : memref<256x64xf32, #tpu.memory_space<vmem>>, vector<1x16xf32>,
        %swap3A_1234 = vector.shape_cast %swap3A_1233 : vector<1x16xf32> to vector<16xf32>
        %swap3A_1235 = vector.shape_cast %mul3A_1230 : vector<16xf32> to vector<1x16xf32>
        tpu.vector_store %arg12[%swap3A_1231, %swap3A_1232], %swap3A_1235 {strides = array<i32>} : memref<256x64xf32, #tpu.memory_space<vmem>>, vector<1x16xf32>,
        %get3A_1236 = arith.index_cast %add3A_1151 : i32 to index
        %get3A_1237 = arith.constant 48 : index
        %get3A_1238 = tpu.vector_load %arg10[%get3A_1236, %get3A_1237] {strides = array<i32>} : memref<256x128xf32, #tpu.memory_space<vmem>>, vector<1x16xf32>,
        %get3A_1239 = vector.shape_cast %get3A_1238 : vector<1x16xf32> to vector<16xf32>
        %get3A_1240 = arith.index_cast %add3A_1151 : i32 to index
        %get3A_1241 = arith.constant 112 : index
        %get3A_1242 = tpu.vector_load %arg10[%get3A_1240, %get3A_1241] {strides = array<i32>} : memref<256x128xf32, #tpu.memory_space<vmem>>, vector<1x16xf32>,
        %get3A_1243 = vector.shape_cast %get3A_1242 : vector<1x16xf32> to vector<16xf32>
        %get3A_1244 = arith.index_cast %add3A_1151 : i32 to index
        %get3A_1245 = arith.constant 48 : index
        %get3A_1246 = tpu.vector_load %arg11[%get3A_1244, %get3A_1245] {strides = array<i32>} : memref<256x128xf32, #tpu.memory_space<vmem>>, vector<1x16xf32>,
        %get3A_1247 = vector.shape_cast %get3A_1246 : vector<1x16xf32> to vector<16xf32>
        %get3A_1248 = arith.index_cast %add3A_1151 : i32 to index
        %get3A_1249 = arith.constant 112 : index
        %get3A_1250 = tpu.vector_load %arg11[%get3A_1248, %get3A_1249] {strides = array<i32>} : memref<256x128xf32, #tpu.memory_space<vmem>>, vector<1x16xf32>,
        %get3A_1251 = vector.shape_cast %get3A_1250 : vector<1x16xf32> to vector<16xf32>
        %eq3A_1252 = arith.constant 1 : i32
        %eq3A_1253 = arith.cmpi eq, %and3A_1145, %eq3A_1252 : i32
        %select_n3A_1254 = arith.select %eq3A_1253, %get3A_1243, %get3A_1239 : vector<16xf32>
        %eq3A_1255 = arith.constant 1 : i32
        %eq3A_1256 = arith.cmpi eq, %shift_right_arithmetic3A_1147, %eq3A_1255 : i32
        %select_n3A_1257 = arith.select %eq3A_1256, %get3A_1251, %get3A_1247 : vector<16xf32>
        %mul3A_1258 = arith.mulf %select_n3A_1254, %select_n3A_1257 : vector<16xf32>
        %swap3A_1259 = arith.index_cast %add3A_1151 : i32 to index
        %swap3A_1260 = arith.constant 48 : index
        %swap3A_1261 = tpu.vector_load %arg12[%swap3A_1259, %swap3A_1260] {strides = array<i32>} : memref<256x64xf32, #tpu.memory_space<vmem>>, vector<1x16xf32>,
        %swap3A_1262 = vector.shape_cast %swap3A_1261 : vector<1x16xf32> to vector<16xf32>
        %swap3A_1263 = vector.shape_cast %mul3A_1258 : vector<16xf32> to vector<1x16xf32>
        tpu.vector_store %arg12[%swap3A_1259, %swap3A_1260], %swap3A_1263 {strides = array<i32>} : memref<256x64xf32, #tpu.memory_space<vmem>>, vector<1x16xf32>,
        %slice3A_1264 = vector.extract_strided_slice %get3A_50 {offsets = [10], sizes = [1], strides = [1]} : vector<16xi32> to vector<1xi32>
        %squeeze3A_1265 = vector.extract %slice3A_1264[0] : i32 from vector<1xi32>
        %and3A_1266 = arith.constant 1 : i32
        %and3A_1267 = arith.andi %squeeze3A_1265, %and3A_1266 : i32
        %shift_right_arithmetic3A_1268 = arith.constant 1 : i32
        %shift_right_arithmetic3A_1269 = arith.shrsi %squeeze3A_1265, %shift_right_arithmetic3A_1268 : i32
        %mul3A_1270 = arith.constant 16 : i32
        %mul3A_1271 = arith.muli %scan3A_46, %mul3A_1270 : i32
        %add3A_1272 = arith.constant 10 : i32
        %add3A_1273 = arith.addi %mul3A_1271, %add3A_1272 : i32
        %get3A_1274 = arith.index_cast %add3A_1273 : i32 to index
        %get3A_1275 = arith.constant 0 : index
        %get3A_1276 = tpu.vector_load %arg10[%get3A_1274, %get3A_1275] {strides = array<i32>} : memref<256x128xf32, #tpu.memory_space<vmem>>, vector<1x16xf32>,
        %get3A_1277 = vector.shape_cast %get3A_1276 : vector<1x16xf32> to vector<16xf32>
        %get3A_1278 = arith.index_cast %add3A_1273 : i32 to index
        %get3A_1279 = arith.constant 64 : index
        %get3A_1280 = tpu.vector_load %arg10[%get3A_1278, %get3A_1279] {strides = array<i32>} : memref<256x128xf32, #tpu.memory_space<vmem>>, vector<1x16xf32>,
        %get3A_1281 = vector.shape_cast %get3A_1280 : vector<1x16xf32> to vector<16xf32>
        %get3A_1282 = arith.index_cast %add3A_1273 : i32 to index
        %get3A_1283 = arith.constant 0 : index
        %get3A_1284 = tpu.vector_load %arg11[%get3A_1282, %get3A_1283] {strides = array<i32>} : memref<256x128xf32, #tpu.memory_space<vmem>>, vector<1x16xf32>,
        %get3A_1285 = vector.shape_cast %get3A_1284 : vector<1x16xf32> to vector<16xf32>
        %get3A_1286 = arith.index_cast %add3A_1273 : i32 to index
        %get3A_1287 = arith.constant 64 : index
        %get3A_1288 = tpu.vector_load %arg11[%get3A_1286, %get3A_1287] {strides = array<i32>} : memref<256x128xf32, #tpu.memory_space<vmem>>, vector<1x16xf32>,
        %get3A_1289 = vector.shape_cast %get3A_1288 : vector<1x16xf32> to vector<16xf32>
        %eq3A_1290 = arith.constant 1 : i32
        %eq3A_1291 = arith.cmpi eq, %and3A_1267, %eq3A_1290 : i32
        %select_n3A_1292 = arith.select %eq3A_1291, %get3A_1281, %get3A_1277 : vector<16xf32>
        %eq3A_1293 = arith.constant 1 : i32
        %eq3A_1294 = arith.cmpi eq, %shift_right_arithmetic3A_1269, %eq3A_1293 : i32
        %select_n3A_1295 = arith.select %eq3A_1294, %get3A_1289, %get3A_1285 : vector<16xf32>
        %mul3A_1296 = arith.mulf %select_n3A_1292, %select_n3A_1295 : vector<16xf32>
        %swap3A_1297 = arith.index_cast %add3A_1273 : i32 to index
        %swap3A_1298 = arith.constant 0 : index
        %swap3A_1299 = tpu.vector_load %arg12[%swap3A_1297, %swap3A_1298] {strides = array<i32>} : memref<256x64xf32, #tpu.memory_space<vmem>>, vector<1x16xf32>,
        %swap3A_1300 = vector.shape_cast %swap3A_1299 : vector<1x16xf32> to vector<16xf32>
        %swap3A_1301 = vector.shape_cast %mul3A_1296 : vector<16xf32> to vector<1x16xf32>
        tpu.vector_store %arg12[%swap3A_1297, %swap3A_1298], %swap3A_1301 {strides = array<i32>} : memref<256x64xf32, #tpu.memory_space<vmem>>, vector<1x16xf32>,
        %get3A_1302 = arith.index_cast %add3A_1273 : i32 to index
        %get3A_1303 = arith.constant 16 : index
        %get3A_1304 = tpu.vector_load %arg10[%get3A_1302, %get3A_1303] {strides = array<i32>} : memref<256x128xf32, #tpu.memory_space<vmem>>, vector<1x16xf32>,
        %get3A_1305 = vector.shape_cast %get3A_1304 : vector<1x16xf32> to vector<16xf32>
        %get3A_1306 = arith.index_cast %add3A_1273 : i32 to index
        %get3A_1307 = arith.constant 80 : index
        %get3A_1308 = tpu.vector_load %arg10[%get3A_1306, %get3A_1307] {strides = array<i32>} : memref<256x128xf32, #tpu.memory_space<vmem>>, vector<1x16xf32>,
        %get3A_1309 = vector.shape_cast %get3A_1308 : vector<1x16xf32> to vector<16xf32>
        %get3A_1310 = arith.index_cast %add3A_1273 : i32 to index
        %get3A_1311 = arith.constant 16 : index
        %get3A_1312 = tpu.vector_load %arg11[%get3A_1310, %get3A_1311] {strides = array<i32>} : memref<256x128xf32, #tpu.memory_space<vmem>>, vector<1x16xf32>,
        %get3A_1313 = vector.shape_cast %get3A_1312 : vector<1x16xf32> to vector<16xf32>
        %get3A_1314 = arith.index_cast %add3A_1273 : i32 to index
        %get3A_1315 = arith.constant 80 : index
        %get3A_1316 = tpu.vector_load %arg11[%get3A_1314, %get3A_1315] {strides = array<i32>} : memref<256x128xf32, #tpu.memory_space<vmem>>, vector<1x16xf32>,
        %get3A_1317 = vector.shape_cast %get3A_1316 : vector<1x16xf32> to vector<16xf32>
        %eq3A_1318 = arith.constant 1 : i32
        %eq3A_1319 = arith.cmpi eq, %and3A_1267, %eq3A_1318 : i32
        %select_n3A_1320 = arith.select %eq3A_1319, %get3A_1309, %get3A_1305 : vector<16xf32>
        %eq3A_1321 = arith.constant 1 : i32
        %eq3A_1322 = arith.cmpi eq, %shift_right_arithmetic3A_1269, %eq3A_1321 : i32
        %select_n3A_1323 = arith.select %eq3A_1322, %get3A_1317, %get3A_1313 : vector<16xf32>
        %mul3A_1324 = arith.mulf %select_n3A_1320, %select_n3A_1323 : vector<16xf32>
        %swap3A_1325 = arith.index_cast %add3A_1273 : i32 to index
        %swap3A_1326 = arith.constant 16 : index
        %swap3A_1327 = tpu.vector_load %arg12[%swap3A_1325, %swap3A_1326] {strides = array<i32>} : memref<256x64xf32, #tpu.memory_space<vmem>>, vector<1x16xf32>,
        %swap3A_1328 = vector.shape_cast %swap3A_1327 : vector<1x16xf32> to vector<16xf32>
        %swap3A_1329 = vector.shape_cast %mul3A_1324 : vector<16xf32> to vector<1x16xf32>
        tpu.vector_store %arg12[%swap3A_1325, %swap3A_1326], %swap3A_1329 {strides = array<i32>} : memref<256x64xf32, #tpu.memory_space<vmem>>, vector<1x16xf32>,
        %get3A_1330 = arith.index_cast %add3A_1273 : i32 to index
        %get3A_1331 = arith.constant 32 : index
        %get3A_1332 = tpu.vector_load %arg10[%get3A_1330, %get3A_1331] {strides = array<i32>} : memref<256x128xf32, #tpu.memory_space<vmem>>, vector<1x16xf32>,
        %get3A_1333 = vector.shape_cast %get3A_1332 : vector<1x16xf32> to vector<16xf32>
        %get3A_1334 = arith.index_cast %add3A_1273 : i32 to index
        %get3A_1335 = arith.constant 96 : index
        %get3A_1336 = tpu.vector_load %arg10[%get3A_1334, %get3A_1335] {strides = array<i32>} : memref<256x128xf32, #tpu.memory_space<vmem>>, vector<1x16xf32>,
        %get3A_1337 = vector.shape_cast %get3A_1336 : vector<1x16xf32> to vector<16xf32>
        %get3A_1338 = arith.index_cast %add3A_1273 : i32 to index
        %get3A_1339 = arith.constant 32 : index
        %get3A_1340 = tpu.vector_load %arg11[%get3A_1338, %get3A_1339] {strides = array<i32>} : memref<256x128xf32, #tpu.memory_space<vmem>>, vector<1x16xf32>,
        %get3A_1341 = vector.shape_cast %get3A_1340 : vector<1x16xf32> to vector<16xf32>
        %get3A_1342 = arith.index_cast %add3A_1273 : i32 to index
        %get3A_1343 = arith.constant 96 : index
        %get3A_1344 = tpu.vector_load %arg11[%get3A_1342, %get3A_1343] {strides = array<i32>} : memref<256x128xf32, #tpu.memory_space<vmem>>, vector<1x16xf32>,
        %get3A_1345 = vector.shape_cast %get3A_1344 : vector<1x16xf32> to vector<16xf32>
        %eq3A_1346 = arith.constant 1 : i32
        %eq3A_1347 = arith.cmpi eq, %and3A_1267, %eq3A_1346 : i32
        %select_n3A_1348 = arith.select %eq3A_1347, %get3A_1337, %get3A_1333 : vector<16xf32>
        %eq3A_1349 = arith.constant 1 : i32
        %eq3A_1350 = arith.cmpi eq, %shift_right_arithmetic3A_1269, %eq3A_1349 : i32
        %select_n3A_1351 = arith.select %eq3A_1350, %get3A_1345, %get3A_1341 : vector<16xf32>
        %mul3A_1352 = arith.mulf %select_n3A_1348, %select_n3A_1351 : vector<16xf32>
        %swap3A_1353 = arith.index_cast %add3A_1273 : i32 to index
        %swap3A_1354 = arith.constant 32 : index
        %swap3A_1355 = tpu.vector_load %arg12[%swap3A_1353, %swap3A_1354] {strides = array<i32>} : memref<256x64xf32, #tpu.memory_space<vmem>>, vector<1x16xf32>,
        %swap3A_1356 = vector.shape_cast %swap3A_1355 : vector<1x16xf32> to vector<16xf32>
        %swap3A_1357 = vector.shape_cast %mul3A_1352 : vector<16xf32> to vector<1x16xf32>
        tpu.vector_store %arg12[%swap3A_1353, %swap3A_1354], %swap3A_1357 {strides = array<i32>} : memref<256x64xf32, #tpu.memory_space<vmem>>, vector<1x16xf32>,
        %get3A_1358 = arith.index_cast %add3A_1273 : i32 to index
        %get3A_1359 = arith.constant 48 : index
        %get3A_1360 = tpu.vector_load %arg10[%get3A_1358, %get3A_1359] {strides = array<i32>} : memref<256x128xf32, #tpu.memory_space<vmem>>, vector<1x16xf32>,
        %get3A_1361 = vector.shape_cast %get3A_1360 : vector<1x16xf32> to vector<16xf32>
        %get3A_1362 = arith.index_cast %add3A_1273 : i32 to index
        %get3A_1363 = arith.constant 112 : index
        %get3A_1364 = tpu.vector_load %arg10[%get3A_1362, %get3A_1363] {strides = array<i32>} : memref<256x128xf32, #tpu.memory_space<vmem>>, vector<1x16xf32>,
        %get3A_1365 = vector.shape_cast %get3A_1364 : vector<1x16xf32> to vector<16xf32>
        %get3A_1366 = arith.index_cast %add3A_1273 : i32 to index
        %get3A_1367 = arith.constant 48 : index
        %get3A_1368 = tpu.vector_load %arg11[%get3A_1366, %get3A_1367] {strides = array<i32>} : memref<256x128xf32, #tpu.memory_space<vmem>>, vector<1x16xf32>,
        %get3A_1369 = vector.shape_cast %get3A_1368 : vector<1x16xf32> to vector<16xf32>
        %get3A_1370 = arith.index_cast %add3A_1273 : i32 to index
        %get3A_1371 = arith.constant 112 : index
        %get3A_1372 = tpu.vector_load %arg11[%get3A_1370, %get3A_1371] {strides = array<i32>} : memref<256x128xf32, #tpu.memory_space<vmem>>, vector<1x16xf32>,
        %get3A_1373 = vector.shape_cast %get3A_1372 : vector<1x16xf32> to vector<16xf32>
        %eq3A_1374 = arith.constant 1 : i32
        %eq3A_1375 = arith.cmpi eq, %and3A_1267, %eq3A_1374 : i32
        %select_n3A_1376 = arith.select %eq3A_1375, %get3A_1365, %get3A_1361 : vector<16xf32>
        %eq3A_1377 = arith.constant 1 : i32
        %eq3A_1378 = arith.cmpi eq, %shift_right_arithmetic3A_1269, %eq3A_1377 : i32
        %select_n3A_1379 = arith.select %eq3A_1378, %get3A_1373, %get3A_1369 : vector<16xf32>
        %mul3A_1380 = arith.mulf %select_n3A_1376, %select_n3A_1379 : vector<16xf32>
        %swap3A_1381 = arith.index_cast %add3A_1273 : i32 to index
        %swap3A_1382 = arith.constant 48 : index
        %swap3A_1383 = tpu.vector_load %arg12[%swap3A_1381, %swap3A_1382] {strides = array<i32>} : memref<256x64xf32, #tpu.memory_space<vmem>>, vector<1x16xf32>,
        %swap3A_1384 = vector.shape_cast %swap3A_1383 : vector<1x16xf32> to vector<16xf32>
        %swap3A_1385 = vector.shape_cast %mul3A_1380 : vector<16xf32> to vector<1x16xf32>
        tpu.vector_store %arg12[%swap3A_1381, %swap3A_1382], %swap3A_1385 {strides = array<i32>} : memref<256x64xf32, #tpu.memory_space<vmem>>, vector<1x16xf32>,
        %slice3A_1386 = vector.extract_strided_slice %get3A_50 {offsets = [11], sizes = [1], strides = [1]} : vector<16xi32> to vector<1xi32>
        %squeeze3A_1387 = vector.extract %slice3A_1386[0] : i32 from vector<1xi32>
        %and3A_1388 = arith.constant 1 : i32
        %and3A_1389 = arith.andi %squeeze3A_1387, %and3A_1388 : i32
        %shift_right_arithmetic3A_1390 = arith.constant 1 : i32
        %shift_right_arithmetic3A_1391 = arith.shrsi %squeeze3A_1387, %shift_right_arithmetic3A_1390 : i32
        %mul3A_1392 = arith.constant 16 : i32
        %mul3A_1393 = arith.muli %scan3A_46, %mul3A_1392 : i32
        %add3A_1394 = arith.constant 11 : i32
        %add3A_1395 = arith.addi %mul3A_1393, %add3A_1394 : i32
        %get3A_1396 = arith.index_cast %add3A_1395 : i32 to index
        %get3A_1397 = arith.constant 0 : index
        %get3A_1398 = tpu.vector_load %arg10[%get3A_1396, %get3A_1397] {strides = array<i32>} : memref<256x128xf32, #tpu.memory_space<vmem>>, vector<1x16xf32>,
        %get3A_1399 = vector.shape_cast %get3A_1398 : vector<1x16xf32> to vector<16xf32>
        %get3A_1400 = arith.index_cast %add3A_1395 : i32 to index
        %get3A_1401 = arith.constant 64 : index
        %get3A_1402 = tpu.vector_load %arg10[%get3A_1400, %get3A_1401] {strides = array<i32>} : memref<256x128xf32, #tpu.memory_space<vmem>>, vector<1x16xf32>,
        %get3A_1403 = vector.shape_cast %get3A_1402 : vector<1x16xf32> to vector<16xf32>
        %get3A_1404 = arith.index_cast %add3A_1395 : i32 to index
        %get3A_1405 = arith.constant 0 : index
        %get3A_1406 = tpu.vector_load %arg11[%get3A_1404, %get3A_1405] {strides = array<i32>} : memref<256x128xf32, #tpu.memory_space<vmem>>, vector<1x16xf32>,
        %get3A_1407 = vector.shape_cast %get3A_1406 : vector<1x16xf32> to vector<16xf32>
        %get3A_1408 = arith.index_cast %add3A_1395 : i32 to index
        %get3A_1409 = arith.constant 64 : index
        %get3A_1410 = tpu.vector_load %arg11[%get3A_1408, %get3A_1409] {strides = array<i32>} : memref<256x128xf32, #tpu.memory_space<vmem>>, vector<1x16xf32>,
        %get3A_1411 = vector.shape_cast %get3A_1410 : vector<1x16xf32> to vector<16xf32>
        %eq3A_1412 = arith.constant 1 : i32
        %eq3A_1413 = arith.cmpi eq, %and3A_1389, %eq3A_1412 : i32
        %select_n3A_1414 = arith.select %eq3A_1413, %get3A_1403, %get3A_1399 : vector<16xf32>
        %eq3A_1415 = arith.constant 1 : i32
        %eq3A_1416 = arith.cmpi eq, %shift_right_arithmetic3A_1391, %eq3A_1415 : i32
        %select_n3A_1417 = arith.select %eq3A_1416, %get3A_1411, %get3A_1407 : vector<16xf32>
        %mul3A_1418 = arith.mulf %select_n3A_1414, %select_n3A_1417 : vector<16xf32>
        %swap3A_1419 = arith.index_cast %add3A_1395 : i32 to index
        %swap3A_1420 = arith.constant 0 : index
        %swap3A_1421 = tpu.vector_load %arg12[%swap3A_1419, %swap3A_1420] {strides = array<i32>} : memref<256x64xf32, #tpu.memory_space<vmem>>, vector<1x16xf32>,
        %swap3A_1422 = vector.shape_cast %swap3A_1421 : vector<1x16xf32> to vector<16xf32>
        %swap3A_1423 = vector.shape_cast %mul3A_1418 : vector<16xf32> to vector<1x16xf32>
        tpu.vector_store %arg12[%swap3A_1419, %swap3A_1420], %swap3A_1423 {strides = array<i32>} : memref<256x64xf32, #tpu.memory_space<vmem>>, vector<1x16xf32>,
        %get3A_1424 = arith.index_cast %add3A_1395 : i32 to index
        %get3A_1425 = arith.constant 16 : index
        %get3A_1426 = tpu.vector_load %arg10[%get3A_1424, %get3A_1425] {strides = array<i32>} : memref<256x128xf32, #tpu.memory_space<vmem>>, vector<1x16xf32>,
        %get3A_1427 = vector.shape_cast %get3A_1426 : vector<1x16xf32> to vector<16xf32>
        %get3A_1428 = arith.index_cast %add3A_1395 : i32 to index
        %get3A_1429 = arith.constant 80 : index
        %get3A_1430 = tpu.vector_load %arg10[%get3A_1428, %get3A_1429] {strides = array<i32>} : memref<256x128xf32, #tpu.memory_space<vmem>>, vector<1x16xf32>,
        %get3A_1431 = vector.shape_cast %get3A_1430 : vector<1x16xf32> to vector<16xf32>
        %get3A_1432 = arith.index_cast %add3A_1395 : i32 to index
        %get3A_1433 = arith.constant 16 : index
        %get3A_1434 = tpu.vector_load %arg11[%get3A_1432, %get3A_1433] {strides = array<i32>} : memref<256x128xf32, #tpu.memory_space<vmem>>, vector<1x16xf32>,
        %get3A_1435 = vector.shape_cast %get3A_1434 : vector<1x16xf32> to vector<16xf32>
        %get3A_1436 = arith.index_cast %add3A_1395 : i32 to index
        %get3A_1437 = arith.constant 80 : index
        %get3A_1438 = tpu.vector_load %arg11[%get3A_1436, %get3A_1437] {strides = array<i32>} : memref<256x128xf32, #tpu.memory_space<vmem>>, vector<1x16xf32>,
        %get3A_1439 = vector.shape_cast %get3A_1438 : vector<1x16xf32> to vector<16xf32>
        %eq3A_1440 = arith.constant 1 : i32
        %eq3A_1441 = arith.cmpi eq, %and3A_1389, %eq3A_1440 : i32
        %select_n3A_1442 = arith.select %eq3A_1441, %get3A_1431, %get3A_1427 : vector<16xf32>
        %eq3A_1443 = arith.constant 1 : i32
        %eq3A_1444 = arith.cmpi eq, %shift_right_arithmetic3A_1391, %eq3A_1443 : i32
        %select_n3A_1445 = arith.select %eq3A_1444, %get3A_1439, %get3A_1435 : vector<16xf32>
        %mul3A_1446 = arith.mulf %select_n3A_1442, %select_n3A_1445 : vector<16xf32>
        %swap3A_1447 = arith.index_cast %add3A_1395 : i32 to index
        %swap3A_1448 = arith.constant 16 : index
        %swap3A_1449 = tpu.vector_load %arg12[%swap3A_1447, %swap3A_1448] {strides = array<i32>} : memref<256x64xf32, #tpu.memory_space<vmem>>, vector<1x16xf32>,
        %swap3A_1450 = vector.shape_cast %swap3A_1449 : vector<1x16xf32> to vector<16xf32>
        %swap3A_1451 = vector.shape_cast %mul3A_1446 : vector<16xf32> to vector<1x16xf32>
        tpu.vector_store %arg12[%swap3A_1447, %swap3A_1448], %swap3A_1451 {strides = array<i32>} : memref<256x64xf32, #tpu.memory_space<vmem>>, vector<1x16xf32>,
        %get3A_1452 = arith.index_cast %add3A_1395 : i32 to index
        %get3A_1453 = arith.constant 32 : index
        %get3A_1454 = tpu.vector_load %arg10[%get3A_1452, %get3A_1453] {strides = array<i32>} : memref<256x128xf32, #tpu.memory_space<vmem>>, vector<1x16xf32>,
        %get3A_1455 = vector.shape_cast %get3A_1454 : vector<1x16xf32> to vector<16xf32>
        %get3A_1456 = arith.index_cast %add3A_1395 : i32 to index
        %get3A_1457 = arith.constant 96 : index
        %get3A_1458 = tpu.vector_load %arg10[%get3A_1456, %get3A_1457] {strides = array<i32>} : memref<256x128xf32, #tpu.memory_space<vmem>>, vector<1x16xf32>,
        %get3A_1459 = vector.shape_cast %get3A_1458 : vector<1x16xf32> to vector<16xf32>
        %get3A_1460 = arith.index_cast %add3A_1395 : i32 to index
        %get3A_1461 = arith.constant 32 : index
        %get3A_1462 = tpu.vector_load %arg11[%get3A_1460, %get3A_1461] {strides = array<i32>} : memref<256x128xf32, #tpu.memory_space<vmem>>, vector<1x16xf32>,
        %get3A_1463 = vector.shape_cast %get3A_1462 : vector<1x16xf32> to vector<16xf32>
        %get3A_1464 = arith.index_cast %add3A_1395 : i32 to index
        %get3A_1465 = arith.constant 96 : index
        %get3A_1466 = tpu.vector_load %arg11[%get3A_1464, %get3A_1465] {strides = array<i32>} : memref<256x128xf32, #tpu.memory_space<vmem>>, vector<1x16xf32>,
        %get3A_1467 = vector.shape_cast %get3A_1466 : vector<1x16xf32> to vector<16xf32>
        %eq3A_1468 = arith.constant 1 : i32
        %eq3A_1469 = arith.cmpi eq, %and3A_1389, %eq3A_1468 : i32
        %select_n3A_1470 = arith.select %eq3A_1469, %get3A_1459, %get3A_1455 : vector<16xf32>
        %eq3A_1471 = arith.constant 1 : i32
        %eq3A_1472 = arith.cmpi eq, %shift_right_arithmetic3A_1391, %eq3A_1471 : i32
        %select_n3A_1473 = arith.select %eq3A_1472, %get3A_1467, %get3A_1463 : vector<16xf32>
        %mul3A_1474 = arith.mulf %select_n3A_1470, %select_n3A_1473 : vector<16xf32>
        %swap3A_1475 = arith.index_cast %add3A_1395 : i32 to index
        %swap3A_1476 = arith.constant 32 : index
        %swap3A_1477 = tpu.vector_load %arg12[%swap3A_1475, %swap3A_1476] {strides = array<i32>} : memref<256x64xf32, #tpu.memory_space<vmem>>, vector<1x16xf32>,
        %swap3A_1478 = vector.shape_cast %swap3A_1477 : vector<1x16xf32> to vector<16xf32>
        %swap3A_1479 = vector.shape_cast %mul3A_1474 : vector<16xf32> to vector<1x16xf32>
        tpu.vector_store %arg12[%swap3A_1475, %swap3A_1476], %swap3A_1479 {strides = array<i32>} : memref<256x64xf32, #tpu.memory_space<vmem>>, vector<1x16xf32>,
        %get3A_1480 = arith.index_cast %add3A_1395 : i32 to index
        %get3A_1481 = arith.constant 48 : index
        %get3A_1482 = tpu.vector_load %arg10[%get3A_1480, %get3A_1481] {strides = array<i32>} : memref<256x128xf32, #tpu.memory_space<vmem>>, vector<1x16xf32>,
        %get3A_1483 = vector.shape_cast %get3A_1482 : vector<1x16xf32> to vector<16xf32>
        %get3A_1484 = arith.index_cast %add3A_1395 : i32 to index
        %get3A_1485 = arith.constant 112 : index
        %get3A_1486 = tpu.vector_load %arg10[%get3A_1484, %get3A_1485] {strides = array<i32>} : memref<256x128xf32, #tpu.memory_space<vmem>>, vector<1x16xf32>,
        %get3A_1487 = vector.shape_cast %get3A_1486 : vector<1x16xf32> to vector<16xf32>
        %get3A_1488 = arith.index_cast %add3A_1395 : i32 to index
        %get3A_1489 = arith.constant 48 : index
        %get3A_1490 = tpu.vector_load %arg11[%get3A_1488, %get3A_1489] {strides = array<i32>} : memref<256x128xf32, #tpu.memory_space<vmem>>, vector<1x16xf32>,
        %get3A_1491 = vector.shape_cast %get3A_1490 : vector<1x16xf32> to vector<16xf32>
        %get3A_1492 = arith.index_cast %add3A_1395 : i32 to index
        %get3A_1493 = arith.constant 112 : index
        %get3A_1494 = tpu.vector_load %arg11[%get3A_1492, %get3A_1493] {strides = array<i32>} : memref<256x128xf32, #tpu.memory_space<vmem>>, vector<1x16xf32>,
        %get3A_1495 = vector.shape_cast %get3A_1494 : vector<1x16xf32> to vector<16xf32>
        %eq3A_1496 = arith.constant 1 : i32
        %eq3A_1497 = arith.cmpi eq, %and3A_1389, %eq3A_1496 : i32
        %select_n3A_1498 = arith.select %eq3A_1497, %get3A_1487, %get3A_1483 : vector<16xf32>
        %eq3A_1499 = arith.constant 1 : i32
        %eq3A_1500 = arith.cmpi eq, %shift_right_arithmetic3A_1391, %eq3A_1499 : i32
        %select_n3A_1501 = arith.select %eq3A_1500, %get3A_1495, %get3A_1491 : vector<16xf32>
        %mul3A_1502 = arith.mulf %select_n3A_1498, %select_n3A_1501 : vector<16xf32>
        %swap3A_1503 = arith.index_cast %add3A_1395 : i32 to index
        %swap3A_1504 = arith.constant 48 : index
        %swap3A_1505 = tpu.vector_load %arg12[%swap3A_1503, %swap3A_1504] {strides = array<i32>} : memref<256x64xf32, #tpu.memory_space<vmem>>, vector<1x16xf32>,
        %swap3A_1506 = vector.shape_cast %swap3A_1505 : vector<1x16xf32> to vector<16xf32>
        %swap3A_1507 = vector.shape_cast %mul3A_1502 : vector<16xf32> to vector<1x16xf32>
        tpu.vector_store %arg12[%swap3A_1503, %swap3A_1504], %swap3A_1507 {strides = array<i32>} : memref<256x64xf32, #tpu.memory_space<vmem>>, vector<1x16xf32>,
        %slice3A_1508 = vector.extract_strided_slice %get3A_50 {offsets = [12], sizes = [1], strides = [1]} : vector<16xi32> to vector<1xi32>
        %squeeze3A_1509 = vector.extract %slice3A_1508[0] : i32 from vector<1xi32>
        %and3A_1510 = arith.constant 1 : i32
        %and3A_1511 = arith.andi %squeeze3A_1509, %and3A_1510 : i32
        %shift_right_arithmetic3A_1512 = arith.constant 1 : i32
        %shift_right_arithmetic3A_1513 = arith.shrsi %squeeze3A_1509, %shift_right_arithmetic3A_1512 : i32
        %mul3A_1514 = arith.constant 16 : i32
        %mul3A_1515 = arith.muli %scan3A_46, %mul3A_1514 : i32
        %add3A_1516 = arith.constant 12 : i32
        %add3A_1517 = arith.addi %mul3A_1515, %add3A_1516 : i32
        %get3A_1518 = arith.index_cast %add3A_1517 : i32 to index
        %get3A_1519 = arith.constant 0 : index
        %get3A_1520 = tpu.vector_load %arg10[%get3A_1518, %get3A_1519] {strides = array<i32>} : memref<256x128xf32, #tpu.memory_space<vmem>>, vector<1x16xf32>,
        %get3A_1521 = vector.shape_cast %get3A_1520 : vector<1x16xf32> to vector<16xf32>
        %get3A_1522 = arith.index_cast %add3A_1517 : i32 to index
        %get3A_1523 = arith.constant 64 : index
        %get3A_1524 = tpu.vector_load %arg10[%get3A_1522, %get3A_1523] {strides = array<i32>} : memref<256x128xf32, #tpu.memory_space<vmem>>, vector<1x16xf32>,
        %get3A_1525 = vector.shape_cast %get3A_1524 : vector<1x16xf32> to vector<16xf32>
        %get3A_1526 = arith.index_cast %add3A_1517 : i32 to index
        %get3A_1527 = arith.constant 0 : index
        %get3A_1528 = tpu.vector_load %arg11[%get3A_1526, %get3A_1527] {strides = array<i32>} : memref<256x128xf32, #tpu.memory_space<vmem>>, vector<1x16xf32>,
        %get3A_1529 = vector.shape_cast %get3A_1528 : vector<1x16xf32> to vector<16xf32>
        %get3A_1530 = arith.index_cast %add3A_1517 : i32 to index
        %get3A_1531 = arith.constant 64 : index
        %get3A_1532 = tpu.vector_load %arg11[%get3A_1530, %get3A_1531] {strides = array<i32>} : memref<256x128xf32, #tpu.memory_space<vmem>>, vector<1x16xf32>,
        %get3A_1533 = vector.shape_cast %get3A_1532 : vector<1x16xf32> to vector<16xf32>
        %eq3A_1534 = arith.constant 1 : i32
        %eq3A_1535 = arith.cmpi eq, %and3A_1511, %eq3A_1534 : i32
        %select_n3A_1536 = arith.select %eq3A_1535, %get3A_1525, %get3A_1521 : vector<16xf32>
        %eq3A_1537 = arith.constant 1 : i32
        %eq3A_1538 = arith.cmpi eq, %shift_right_arithmetic3A_1513, %eq3A_1537 : i32
        %select_n3A_1539 = arith.select %eq3A_1538, %get3A_1533, %get3A_1529 : vector<16xf32>
        %mul3A_1540 = arith.mulf %select_n3A_1536, %select_n3A_1539 : vector<16xf32>
        %swap3A_1541 = arith.index_cast %add3A_1517 : i32 to index
        %swap3A_1542 = arith.constant 0 : index
        %swap3A_1543 = tpu.vector_load %arg12[%swap3A_1541, %swap3A_1542] {strides = array<i32>} : memref<256x64xf32, #tpu.memory_space<vmem>>, vector<1x16xf32>,
        %swap3A_1544 = vector.shape_cast %swap3A_1543 : vector<1x16xf32> to vector<16xf32>
        %swap3A_1545 = vector.shape_cast %mul3A_1540 : vector<16xf32> to vector<1x16xf32>
        tpu.vector_store %arg12[%swap3A_1541, %swap3A_1542], %swap3A_1545 {strides = array<i32>} : memref<256x64xf32, #tpu.memory_space<vmem>>, vector<1x16xf32>,
        %get3A_1546 = arith.index_cast %add3A_1517 : i32 to index
        %get3A_1547 = arith.constant 16 : index
        %get3A_1548 = tpu.vector_load %arg10[%get3A_1546, %get3A_1547] {strides = array<i32>} : memref<256x128xf32, #tpu.memory_space<vmem>>, vector<1x16xf32>,
        %get3A_1549 = vector.shape_cast %get3A_1548 : vector<1x16xf32> to vector<16xf32>
        %get3A_1550 = arith.index_cast %add3A_1517 : i32 to index
        %get3A_1551 = arith.constant 80 : index
        %get3A_1552 = tpu.vector_load %arg10[%get3A_1550, %get3A_1551] {strides = array<i32>} : memref<256x128xf32, #tpu.memory_space<vmem>>, vector<1x16xf32>,
        %get3A_1553 = vector.shape_cast %get3A_1552 : vector<1x16xf32> to vector<16xf32>
        %get3A_1554 = arith.index_cast %add3A_1517 : i32 to index
        %get3A_1555 = arith.constant 16 : index
        %get3A_1556 = tpu.vector_load %arg11[%get3A_1554, %get3A_1555] {strides = array<i32>} : memref<256x128xf32, #tpu.memory_space<vmem>>, vector<1x16xf32>,
        %get3A_1557 = vector.shape_cast %get3A_1556 : vector<1x16xf32> to vector<16xf32>
        %get3A_1558 = arith.index_cast %add3A_1517 : i32 to index
        %get3A_1559 = arith.constant 80 : index
        %get3A_1560 = tpu.vector_load %arg11[%get3A_1558, %get3A_1559] {strides = array<i32>} : memref<256x128xf32, #tpu.memory_space<vmem>>, vector<1x16xf32>,
        %get3A_1561 = vector.shape_cast %get3A_1560 : vector<1x16xf32> to vector<16xf32>
        %eq3A_1562 = arith.constant 1 : i32
        %eq3A_1563 = arith.cmpi eq, %and3A_1511, %eq3A_1562 : i32
        %select_n3A_1564 = arith.select %eq3A_1563, %get3A_1553, %get3A_1549 : vector<16xf32>
        %eq3A_1565 = arith.constant 1 : i32
        %eq3A_1566 = arith.cmpi eq, %shift_right_arithmetic3A_1513, %eq3A_1565 : i32
        %select_n3A_1567 = arith.select %eq3A_1566, %get3A_1561, %get3A_1557 : vector<16xf32>
        %mul3A_1568 = arith.mulf %select_n3A_1564, %select_n3A_1567 : vector<16xf32>
        %swap3A_1569 = arith.index_cast %add3A_1517 : i32 to index
        %swap3A_1570 = arith.constant 16 : index
        %swap3A_1571 = tpu.vector_load %arg12[%swap3A_1569, %swap3A_1570] {strides = array<i32>} : memref<256x64xf32, #tpu.memory_space<vmem>>, vector<1x16xf32>,
        %swap3A_1572 = vector.shape_cast %swap3A_1571 : vector<1x16xf32> to vector<16xf32>
        %swap3A_1573 = vector.shape_cast %mul3A_1568 : vector<16xf32> to vector<1x16xf32>
        tpu.vector_store %arg12[%swap3A_1569, %swap3A_1570], %swap3A_1573 {strides = array<i32>} : memref<256x64xf32, #tpu.memory_space<vmem>>, vector<1x16xf32>,
        %get3A_1574 = arith.index_cast %add3A_1517 : i32 to index
        %get3A_1575 = arith.constant 32 : index
        %get3A_1576 = tpu.vector_load %arg10[%get3A_1574, %get3A_1575] {strides = array<i32>} : memref<256x128xf32, #tpu.memory_space<vmem>>, vector<1x16xf32>,
        %get3A_1577 = vector.shape_cast %get3A_1576 : vector<1x16xf32> to vector<16xf32>
        %get3A_1578 = arith.index_cast %add3A_1517 : i32 to index
        %get3A_1579 = arith.constant 96 : index
        %get3A_1580 = tpu.vector_load %arg10[%get3A_1578, %get3A_1579] {strides = array<i32>} : memref<256x128xf32, #tpu.memory_space<vmem>>, vector<1x16xf32>,
        %get3A_1581 = vector.shape_cast %get3A_1580 : vector<1x16xf32> to vector<16xf32>
        %get3A_1582 = arith.index_cast %add3A_1517 : i32 to index
        %get3A_1583 = arith.constant 32 : index
        %get3A_1584 = tpu.vector_load %arg11[%get3A_1582, %get3A_1583] {strides = array<i32>} : memref<256x128xf32, #tpu.memory_space<vmem>>, vector<1x16xf32>,
        %get3A_1585 = vector.shape_cast %get3A_1584 : vector<1x16xf32> to vector<16xf32>
        %get3A_1586 = arith.index_cast %add3A_1517 : i32 to index
        %get3A_1587 = arith.constant 96 : index
        %get3A_1588 = tpu.vector_load %arg11[%get3A_1586, %get3A_1587] {strides = array<i32>} : memref<256x128xf32, #tpu.memory_space<vmem>>, vector<1x16xf32>,
        %get3A_1589 = vector.shape_cast %get3A_1588 : vector<1x16xf32> to vector<16xf32>
        %eq3A_1590 = arith.constant 1 : i32
        %eq3A_1591 = arith.cmpi eq, %and3A_1511, %eq3A_1590 : i32
        %select_n3A_1592 = arith.select %eq3A_1591, %get3A_1581, %get3A_1577 : vector<16xf32>
        %eq3A_1593 = arith.constant 1 : i32
        %eq3A_1594 = arith.cmpi eq, %shift_right_arithmetic3A_1513, %eq3A_1593 : i32
        %select_n3A_1595 = arith.select %eq3A_1594, %get3A_1589, %get3A_1585 : vector<16xf32>
        %mul3A_1596 = arith.mulf %select_n3A_1592, %select_n3A_1595 : vector<16xf32>
        %swap3A_1597 = arith.index_cast %add3A_1517 : i32 to index
        %swap3A_1598 = arith.constant 32 : index
        %swap3A_1599 = tpu.vector_load %arg12[%swap3A_1597, %swap3A_1598] {strides = array<i32>} : memref<256x64xf32, #tpu.memory_space<vmem>>, vector<1x16xf32>,
        %swap3A_1600 = vector.shape_cast %swap3A_1599 : vector<1x16xf32> to vector<16xf32>
        %swap3A_1601 = vector.shape_cast %mul3A_1596 : vector<16xf32> to vector<1x16xf32>
        tpu.vector_store %arg12[%swap3A_1597, %swap3A_1598], %swap3A_1601 {strides = array<i32>} : memref<256x64xf32, #tpu.memory_space<vmem>>, vector<1x16xf32>,
        %get3A_1602 = arith.index_cast %add3A_1517 : i32 to index
        %get3A_1603 = arith.constant 48 : index
        %get3A_1604 = tpu.vector_load %arg10[%get3A_1602, %get3A_1603] {strides = array<i32>} : memref<256x128xf32, #tpu.memory_space<vmem>>, vector<1x16xf32>,
        %get3A_1605 = vector.shape_cast %get3A_1604 : vector<1x16xf32> to vector<16xf32>
        %get3A_1606 = arith.index_cast %add3A_1517 : i32 to index
        %get3A_1607 = arith.constant 112 : index
        %get3A_1608 = tpu.vector_load %arg10[%get3A_1606, %get3A_1607] {strides = array<i32>} : memref<256x128xf32, #tpu.memory_space<vmem>>, vector<1x16xf32>,
        %get3A_1609 = vector.shape_cast %get3A_1608 : vector<1x16xf32> to vector<16xf32>
        %get3A_1610 = arith.index_cast %add3A_1517 : i32 to index
        %get3A_1611 = arith.constant 48 : index
        %get3A_1612 = tpu.vector_load %arg11[%get3A_1610, %get3A_1611] {strides = array<i32>} : memref<256x128xf32, #tpu.memory_space<vmem>>, vector<1x16xf32>,
        %get3A_1613 = vector.shape_cast %get3A_1612 : vector<1x16xf32> to vector<16xf32>
        %get3A_1614 = arith.index_cast %add3A_1517 : i32 to index
        %get3A_1615 = arith.constant 112 : index
        %get3A_1616 = tpu.vector_load %arg11[%get3A_1614, %get3A_1615] {strides = array<i32>} : memref<256x128xf32, #tpu.memory_space<vmem>>, vector<1x16xf32>,
        %get3A_1617 = vector.shape_cast %get3A_1616 : vector<1x16xf32> to vector<16xf32>
        %eq3A_1618 = arith.constant 1 : i32
        %eq3A_1619 = arith.cmpi eq, %and3A_1511, %eq3A_1618 : i32
        %select_n3A_1620 = arith.select %eq3A_1619, %get3A_1609, %get3A_1605 : vector<16xf32>
        %eq3A_1621 = arith.constant 1 : i32
        %eq3A_1622 = arith.cmpi eq, %shift_right_arithmetic3A_1513, %eq3A_1621 : i32
        %select_n3A_1623 = arith.select %eq3A_1622, %get3A_1617, %get3A_1613 : vector<16xf32>
        %mul3A_1624 = arith.mulf %select_n3A_1620, %select_n3A_1623 : vector<16xf32>
        %swap3A_1625 = arith.index_cast %add3A_1517 : i32 to index
        %swap3A_1626 = arith.constant 48 : index
        %swap3A_1627 = tpu.vector_load %arg12[%swap3A_1625, %swap3A_1626] {strides = array<i32>} : memref<256x64xf32, #tpu.memory_space<vmem>>, vector<1x16xf32>,
        %swap3A_1628 = vector.shape_cast %swap3A_1627 : vector<1x16xf32> to vector<16xf32>
        %swap3A_1629 = vector.shape_cast %mul3A_1624 : vector<16xf32> to vector<1x16xf32>
        tpu.vector_store %arg12[%swap3A_1625, %swap3A_1626], %swap3A_1629 {strides = array<i32>} : memref<256x64xf32, #tpu.memory_space<vmem>>, vector<1x16xf32>,
        %slice3A_1630 = vector.extract_strided_slice %get3A_50 {offsets = [13], sizes = [1], strides = [1]} : vector<16xi32> to vector<1xi32>
        %squeeze3A_1631 = vector.extract %slice3A_1630[0] : i32 from vector<1xi32>
        %and3A_1632 = arith.constant 1 : i32
        %and3A_1633 = arith.andi %squeeze3A_1631, %and3A_1632 : i32
        %shift_right_arithmetic3A_1634 = arith.constant 1 : i32
        %shift_right_arithmetic3A_1635 = arith.shrsi %squeeze3A_1631, %shift_right_arithmetic3A_1634 : i32
        %mul3A_1636 = arith.constant 16 : i32
        %mul3A_1637 = arith.muli %scan3A_46, %mul3A_1636 : i32
        %add3A_1638 = arith.constant 13 : i32
        %add3A_1639 = arith.addi %mul3A_1637, %add3A_1638 : i32
        %get3A_1640 = arith.index_cast %add3A_1639 : i32 to index
        %get3A_1641 = arith.constant 0 : index
        %get3A_1642 = tpu.vector_load %arg10[%get3A_1640, %get3A_1641] {strides = array<i32>} : memref<256x128xf32, #tpu.memory_space<vmem>>, vector<1x16xf32>,
        %get3A_1643 = vector.shape_cast %get3A_1642 : vector<1x16xf32> to vector<16xf32>
        %get3A_1644 = arith.index_cast %add3A_1639 : i32 to index
        %get3A_1645 = arith.constant 64 : index
        %get3A_1646 = tpu.vector_load %arg10[%get3A_1644, %get3A_1645] {strides = array<i32>} : memref<256x128xf32, #tpu.memory_space<vmem>>, vector<1x16xf32>,
        %get3A_1647 = vector.shape_cast %get3A_1646 : vector<1x16xf32> to vector<16xf32>
        %get3A_1648 = arith.index_cast %add3A_1639 : i32 to index
        %get3A_1649 = arith.constant 0 : index
        %get3A_1650 = tpu.vector_load %arg11[%get3A_1648, %get3A_1649] {strides = array<i32>} : memref<256x128xf32, #tpu.memory_space<vmem>>, vector<1x16xf32>,
        %get3A_1651 = vector.shape_cast %get3A_1650 : vector<1x16xf32> to vector<16xf32>
        %get3A_1652 = arith.index_cast %add3A_1639 : i32 to index
        %get3A_1653 = arith.constant 64 : index
        %get3A_1654 = tpu.vector_load %arg11[%get3A_1652, %get3A_1653] {strides = array<i32>} : memref<256x128xf32, #tpu.memory_space<vmem>>, vector<1x16xf32>,
        %get3A_1655 = vector.shape_cast %get3A_1654 : vector<1x16xf32> to vector<16xf32>
        %eq3A_1656 = arith.constant 1 : i32
        %eq3A_1657 = arith.cmpi eq, %and3A_1633, %eq3A_1656 : i32
        %select_n3A_1658 = arith.select %eq3A_1657, %get3A_1647, %get3A_1643 : vector<16xf32>
        %eq3A_1659 = arith.constant 1 : i32
        %eq3A_1660 = arith.cmpi eq, %shift_right_arithmetic3A_1635, %eq3A_1659 : i32
        %select_n3A_1661 = arith.select %eq3A_1660, %get3A_1655, %get3A_1651 : vector<16xf32>
        %mul3A_1662 = arith.mulf %select_n3A_1658, %select_n3A_1661 : vector<16xf32>
        %swap3A_1663 = arith.index_cast %add3A_1639 : i32 to index
        %swap3A_1664 = arith.constant 0 : index
        %swap3A_1665 = tpu.vector_load %arg12[%swap3A_1663, %swap3A_1664] {strides = array<i32>} : memref<256x64xf32, #tpu.memory_space<vmem>>, vector<1x16xf32>,
        %swap3A_1666 = vector.shape_cast %swap3A_1665 : vector<1x16xf32> to vector<16xf32>
        %swap3A_1667 = vector.shape_cast %mul3A_1662 : vector<16xf32> to vector<1x16xf32>
        tpu.vector_store %arg12[%swap3A_1663, %swap3A_1664], %swap3A_1667 {strides = array<i32>} : memref<256x64xf32, #tpu.memory_space<vmem>>, vector<1x16xf32>,
        %get3A_1668 = arith.index_cast %add3A_1639 : i32 to index
        %get3A_1669 = arith.constant 16 : index
        %get3A_1670 = tpu.vector_load %arg10[%get3A_1668, %get3A_1669] {strides = array<i32>} : memref<256x128xf32, #tpu.memory_space<vmem>>, vector<1x16xf32>,
        %get3A_1671 = vector.shape_cast %get3A_1670 : vector<1x16xf32> to vector<16xf32>
        %get3A_1672 = arith.index_cast %add3A_1639 : i32 to index
        %get3A_1673 = arith.constant 80 : index
        %get3A_1674 = tpu.vector_load %arg10[%get3A_1672, %get3A_1673] {strides = array<i32>} : memref<256x128xf32, #tpu.memory_space<vmem>>, vector<1x16xf32>,
        %get3A_1675 = vector.shape_cast %get3A_1674 : vector<1x16xf32> to vector<16xf32>
        %get3A_1676 = arith.index_cast %add3A_1639 : i32 to index
        %get3A_1677 = arith.constant 16 : index
        %get3A_1678 = tpu.vector_load %arg11[%get3A_1676, %get3A_1677] {strides = array<i32>} : memref<256x128xf32, #tpu.memory_space<vmem>>, vector<1x16xf32>,
        %get3A_1679 = vector.shape_cast %get3A_1678 : vector<1x16xf32> to vector<16xf32>
        %get3A_1680 = arith.index_cast %add3A_1639 : i32 to index
        %get3A_1681 = arith.constant 80 : index
        %get3A_1682 = tpu.vector_load %arg11[%get3A_1680, %get3A_1681] {strides = array<i32>} : memref<256x128xf32, #tpu.memory_space<vmem>>, vector<1x16xf32>,
        %get3A_1683 = vector.shape_cast %get3A_1682 : vector<1x16xf32> to vector<16xf32>
        %eq3A_1684 = arith.constant 1 : i32
        %eq3A_1685 = arith.cmpi eq, %and3A_1633, %eq3A_1684 : i32
        %select_n3A_1686 = arith.select %eq3A_1685, %get3A_1675, %get3A_1671 : vector<16xf32>
        %eq3A_1687 = arith.constant 1 : i32
        %eq3A_1688 = arith.cmpi eq, %shift_right_arithmetic3A_1635, %eq3A_1687 : i32
        %select_n3A_1689 = arith.select %eq3A_1688, %get3A_1683, %get3A_1679 : vector<16xf32>
        %mul3A_1690 = arith.mulf %select_n3A_1686, %select_n3A_1689 : vector<16xf32>
        %swap3A_1691 = arith.index_cast %add3A_1639 : i32 to index
        %swap3A_1692 = arith.constant 16 : index
        %swap3A_1693 = tpu.vector_load %arg12[%swap3A_1691, %swap3A_1692] {strides = array<i32>} : memref<256x64xf32, #tpu.memory_space<vmem>>, vector<1x16xf32>,
        %swap3A_1694 = vector.shape_cast %swap3A_1693 : vector<1x16xf32> to vector<16xf32>
        %swap3A_1695 = vector.shape_cast %mul3A_1690 : vector<16xf32> to vector<1x16xf32>
        tpu.vector_store %arg12[%swap3A_1691, %swap3A_1692], %swap3A_1695 {strides = array<i32>} : memref<256x64xf32, #tpu.memory_space<vmem>>, vector<1x16xf32>,
        %get3A_1696 = arith.index_cast %add3A_1639 : i32 to index
        %get3A_1697 = arith.constant 32 : index
        %get3A_1698 = tpu.vector_load %arg10[%get3A_1696, %get3A_1697] {strides = array<i32>} : memref<256x128xf32, #tpu.memory_space<vmem>>, vector<1x16xf32>,
        %get3A_1699 = vector.shape_cast %get3A_1698 : vector<1x16xf32> to vector<16xf32>
        %get3A_1700 = arith.index_cast %add3A_1639 : i32 to index
        %get3A_1701 = arith.constant 96 : index
        %get3A_1702 = tpu.vector_load %arg10[%get3A_1700, %get3A_1701] {strides = array<i32>} : memref<256x128xf32, #tpu.memory_space<vmem>>, vector<1x16xf32>,
        %get3A_1703 = vector.shape_cast %get3A_1702 : vector<1x16xf32> to vector<16xf32>
        %get3A_1704 = arith.index_cast %add3A_1639 : i32 to index
        %get3A_1705 = arith.constant 32 : index
        %get3A_1706 = tpu.vector_load %arg11[%get3A_1704, %get3A_1705] {strides = array<i32>} : memref<256x128xf32, #tpu.memory_space<vmem>>, vector<1x16xf32>,
        %get3A_1707 = vector.shape_cast %get3A_1706 : vector<1x16xf32> to vector<16xf32>
        %get3A_1708 = arith.index_cast %add3A_1639 : i32 to index
        %get3A_1709 = arith.constant 96 : index
        %get3A_1710 = tpu.vector_load %arg11[%get3A_1708, %get3A_1709] {strides = array<i32>} : memref<256x128xf32, #tpu.memory_space<vmem>>, vector<1x16xf32>,
        %get3A_1711 = vector.shape_cast %get3A_1710 : vector<1x16xf32> to vector<16xf32>
        %eq3A_1712 = arith.constant 1 : i32
        %eq3A_1713 = arith.cmpi eq, %and3A_1633, %eq3A_1712 : i32
        %select_n3A_1714 = arith.select %eq3A_1713, %get3A_1703, %get3A_1699 : vector<16xf32>
        %eq3A_1715 = arith.constant 1 : i32
        %eq3A_1716 = arith.cmpi eq, %shift_right_arithmetic3A_1635, %eq3A_1715 : i32
        %select_n3A_1717 = arith.select %eq3A_1716, %get3A_1711, %get3A_1707 : vector<16xf32>
        %mul3A_1718 = arith.mulf %select_n3A_1714, %select_n3A_1717 : vector<16xf32>
        %swap3A_1719 = arith.index_cast %add3A_1639 : i32 to index
        %swap3A_1720 = arith.constant 32 : index
        %swap3A_1721 = tpu.vector_load %arg12[%swap3A_1719, %swap3A_1720] {strides = array<i32>} : memref<256x64xf32, #tpu.memory_space<vmem>>, vector<1x16xf32>,
        %swap3A_1722 = vector.shape_cast %swap3A_1721 : vector<1x16xf32> to vector<16xf32>
        %swap3A_1723 = vector.shape_cast %mul3A_1718 : vector<16xf32> to vector<1x16xf32>
        tpu.vector_store %arg12[%swap3A_1719, %swap3A_1720], %swap3A_1723 {strides = array<i32>} : memref<256x64xf32, #tpu.memory_space<vmem>>, vector<1x16xf32>,
        %get3A_1724 = arith.index_cast %add3A_1639 : i32 to index
        %get3A_1725 = arith.constant 48 : index
        %get3A_1726 = tpu.vector_load %arg10[%get3A_1724, %get3A_1725] {strides = array<i32>} : memref<256x128xf32, #tpu.memory_space<vmem>>, vector<1x16xf32>,
        %get3A_1727 = vector.shape_cast %get3A_1726 : vector<1x16xf32> to vector<16xf32>
        %get3A_1728 = arith.index_cast %add3A_1639 : i32 to index
        %get3A_1729 = arith.constant 112 : index
        %get3A_1730 = tpu.vector_load %arg10[%get3A_1728, %get3A_1729] {strides = array<i32>} : memref<256x128xf32, #tpu.memory_space<vmem>>, vector<1x16xf32>,
        %get3A_1731 = vector.shape_cast %get3A_1730 : vector<1x16xf32> to vector<16xf32>
        %get3A_1732 = arith.index_cast %add3A_1639 : i32 to index
        %get3A_1733 = arith.constant 48 : index
        %get3A_1734 = tpu.vector_load %arg11[%get3A_1732, %get3A_1733] {strides = array<i32>} : memref<256x128xf32, #tpu.memory_space<vmem>>, vector<1x16xf32>,
        %get3A_1735 = vector.shape_cast %get3A_1734 : vector<1x16xf32> to vector<16xf32>
        %get3A_1736 = arith.index_cast %add3A_1639 : i32 to index
        %get3A_1737 = arith.constant 112 : index
        %get3A_1738 = tpu.vector_load %arg11[%get3A_1736, %get3A_1737] {strides = array<i32>} : memref<256x128xf32, #tpu.memory_space<vmem>>, vector<1x16xf32>,
        %get3A_1739 = vector.shape_cast %get3A_1738 : vector<1x16xf32> to vector<16xf32>
        %eq3A_1740 = arith.constant 1 : i32
        %eq3A_1741 = arith.cmpi eq, %and3A_1633, %eq3A_1740 : i32
        %select_n3A_1742 = arith.select %eq3A_1741, %get3A_1731, %get3A_1727 : vector<16xf32>
        %eq3A_1743 = arith.constant 1 : i32
        %eq3A_1744 = arith.cmpi eq, %shift_right_arithmetic3A_1635, %eq3A_1743 : i32
        %select_n3A_1745 = arith.select %eq3A_1744, %get3A_1739, %get3A_1735 : vector<16xf32>
        %mul3A_1746 = arith.mulf %select_n3A_1742, %select_n3A_1745 : vector<16xf32>
        %swap3A_1747 = arith.index_cast %add3A_1639 : i32 to index
        %swap3A_1748 = arith.constant 48 : index
        %swap3A_1749 = tpu.vector_load %arg12[%swap3A_1747, %swap3A_1748] {strides = array<i32>} : memref<256x64xf32, #tpu.memory_space<vmem>>, vector<1x16xf32>,
        %swap3A_1750 = vector.shape_cast %swap3A_1749 : vector<1x16xf32> to vector<16xf32>
        %swap3A_1751 = vector.shape_cast %mul3A_1746 : vector<16xf32> to vector<1x16xf32>
        tpu.vector_store %arg12[%swap3A_1747, %swap3A_1748], %swap3A_1751 {strides = array<i32>} : memref<256x64xf32, #tpu.memory_space<vmem>>, vector<1x16xf32>,
        %slice3A_1752 = vector.extract_strided_slice %get3A_50 {offsets = [14], sizes = [1], strides = [1]} : vector<16xi32> to vector<1xi32>
        %squeeze3A_1753 = vector.extract %slice3A_1752[0] : i32 from vector<1xi32>
        %and3A_1754 = arith.constant 1 : i32
        %and3A_1755 = arith.andi %squeeze3A_1753, %and3A_1754 : i32
        %shift_right_arithmetic3A_1756 = arith.constant 1 : i32
        %shift_right_arithmetic3A_1757 = arith.shrsi %squeeze3A_1753, %shift_right_arithmetic3A_1756 : i32
        %mul3A_1758 = arith.constant 16 : i32
        %mul3A_1759 = arith.muli %scan3A_46, %mul3A_1758 : i32
        %add3A_1760 = arith.constant 14 : i32
        %add3A_1761 = arith.addi %mul3A_1759, %add3A_1760 : i32
        %get3A_1762 = arith.index_cast %add3A_1761 : i32 to index
        %get3A_1763 = arith.constant 0 : index
        %get3A_1764 = tpu.vector_load %arg10[%get3A_1762, %get3A_1763] {strides = array<i32>} : memref<256x128xf32, #tpu.memory_space<vmem>>, vector<1x16xf32>,
        %get3A_1765 = vector.shape_cast %get3A_1764 : vector<1x16xf32> to vector<16xf32>
        %get3A_1766 = arith.index_cast %add3A_1761 : i32 to index
        %get3A_1767 = arith.constant 64 : index
        %get3A_1768 = tpu.vector_load %arg10[%get3A_1766, %get3A_1767] {strides = array<i32>} : memref<256x128xf32, #tpu.memory_space<vmem>>, vector<1x16xf32>,
        %get3A_1769 = vector.shape_cast %get3A_1768 : vector<1x16xf32> to vector<16xf32>
        %get3A_1770 = arith.index_cast %add3A_1761 : i32 to index
        %get3A_1771 = arith.constant 0 : index
        %get3A_1772 = tpu.vector_load %arg11[%get3A_1770, %get3A_1771] {strides = array<i32>} : memref<256x128xf32, #tpu.memory_space<vmem>>, vector<1x16xf32>,
        %get3A_1773 = vector.shape_cast %get3A_1772 : vector<1x16xf32> to vector<16xf32>
        %get3A_1774 = arith.index_cast %add3A_1761 : i32 to index
        %get3A_1775 = arith.constant 64 : index
        %get3A_1776 = tpu.vector_load %arg11[%get3A_1774, %get3A_1775] {strides = array<i32>} : memref<256x128xf32, #tpu.memory_space<vmem>>, vector<1x16xf32>,
        %get3A_1777 = vector.shape_cast %get3A_1776 : vector<1x16xf32> to vector<16xf32>
        %eq3A_1778 = arith.constant 1 : i32
        %eq3A_1779 = arith.cmpi eq, %and3A_1755, %eq3A_1778 : i32
        %select_n3A_1780 = arith.select %eq3A_1779, %get3A_1769, %get3A_1765 : vector<16xf32>
        %eq3A_1781 = arith.constant 1 : i32
        %eq3A_1782 = arith.cmpi eq, %shift_right_arithmetic3A_1757, %eq3A_1781 : i32
        %select_n3A_1783 = arith.select %eq3A_1782, %get3A_1777, %get3A_1773 : vector<16xf32>
        %mul3A_1784 = arith.mulf %select_n3A_1780, %select_n3A_1783 : vector<16xf32>
        %swap3A_1785 = arith.index_cast %add3A_1761 : i32 to index
        %swap3A_1786 = arith.constant 0 : index
        %swap3A_1787 = tpu.vector_load %arg12[%swap3A_1785, %swap3A_1786] {strides = array<i32>} : memref<256x64xf32, #tpu.memory_space<vmem>>, vector<1x16xf32>,
        %swap3A_1788 = vector.shape_cast %swap3A_1787 : vector<1x16xf32> to vector<16xf32>
        %swap3A_1789 = vector.shape_cast %mul3A_1784 : vector<16xf32> to vector<1x16xf32>
        tpu.vector_store %arg12[%swap3A_1785, %swap3A_1786], %swap3A_1789 {strides = array<i32>} : memref<256x64xf32, #tpu.memory_space<vmem>>, vector<1x16xf32>,
        %get3A_1790 = arith.index_cast %add3A_1761 : i32 to index
        %get3A_1791 = arith.constant 16 : index
        %get3A_1792 = tpu.vector_load %arg10[%get3A_1790, %get3A_1791] {strides = array<i32>} : memref<256x128xf32, #tpu.memory_space<vmem>>, vector<1x16xf32>,
        %get3A_1793 = vector.shape_cast %get3A_1792 : vector<1x16xf32> to vector<16xf32>
        %get3A_1794 = arith.index_cast %add3A_1761 : i32 to index
        %get3A_1795 = arith.constant 80 : index
        %get3A_1796 = tpu.vector_load %arg10[%get3A_1794, %get3A_1795] {strides = array<i32>} : memref<256x128xf32, #tpu.memory_space<vmem>>, vector<1x16xf32>,
        %get3A_1797 = vector.shape_cast %get3A_1796 : vector<1x16xf32> to vector<16xf32>
        %get3A_1798 = arith.index_cast %add3A_1761 : i32 to index
        %get3A_1799 = arith.constant 16 : index
        %get3A_1800 = tpu.vector_load %arg11[%get3A_1798, %get3A_1799] {strides = array<i32>} : memref<256x128xf32, #tpu.memory_space<vmem>>, vector<1x16xf32>,
        %get3A_1801 = vector.shape_cast %get3A_1800 : vector<1x16xf32> to vector<16xf32>
        %get3A_1802 = arith.index_cast %add3A_1761 : i32 to index
        %get3A_1803 = arith.constant 80 : index
        %get3A_1804 = tpu.vector_load %arg11[%get3A_1802, %get3A_1803] {strides = array<i32>} : memref<256x128xf32, #tpu.memory_space<vmem>>, vector<1x16xf32>,
        %get3A_1805 = vector.shape_cast %get3A_1804 : vector<1x16xf32> to vector<16xf32>
        %eq3A_1806 = arith.constant 1 : i32
        %eq3A_1807 = arith.cmpi eq, %and3A_1755, %eq3A_1806 : i32
        %select_n3A_1808 = arith.select %eq3A_1807, %get3A_1797, %get3A_1793 : vector<16xf32>
        %eq3A_1809 = arith.constant 1 : i32
        %eq3A_1810 = arith.cmpi eq, %shift_right_arithmetic3A_1757, %eq3A_1809 : i32
        %select_n3A_1811 = arith.select %eq3A_1810, %get3A_1805, %get3A_1801 : vector<16xf32>
        %mul3A_1812 = arith.mulf %select_n3A_1808, %select_n3A_1811 : vector<16xf32>
        %swap3A_1813 = arith.index_cast %add3A_1761 : i32 to index
        %swap3A_1814 = arith.constant 16 : index
        %swap3A_1815 = tpu.vector_load %arg12[%swap3A_1813, %swap3A_1814] {strides = array<i32>} : memref<256x64xf32, #tpu.memory_space<vmem>>, vector<1x16xf32>,
        %swap3A_1816 = vector.shape_cast %swap3A_1815 : vector<1x16xf32> to vector<16xf32>
        %swap3A_1817 = vector.shape_cast %mul3A_1812 : vector<16xf32> to vector<1x16xf32>
        tpu.vector_store %arg12[%swap3A_1813, %swap3A_1814], %swap3A_1817 {strides = array<i32>} : memref<256x64xf32, #tpu.memory_space<vmem>>, vector<1x16xf32>,
        %get3A_1818 = arith.index_cast %add3A_1761 : i32 to index
        %get3A_1819 = arith.constant 32 : index
        %get3A_1820 = tpu.vector_load %arg10[%get3A_1818, %get3A_1819] {strides = array<i32>} : memref<256x128xf32, #tpu.memory_space<vmem>>, vector<1x16xf32>,
        %get3A_1821 = vector.shape_cast %get3A_1820 : vector<1x16xf32> to vector<16xf32>
        %get3A_1822 = arith.index_cast %add3A_1761 : i32 to index
        %get3A_1823 = arith.constant 96 : index
        %get3A_1824 = tpu.vector_load %arg10[%get3A_1822, %get3A_1823] {strides = array<i32>} : memref<256x128xf32, #tpu.memory_space<vmem>>, vector<1x16xf32>,
        %get3A_1825 = vector.shape_cast %get3A_1824 : vector<1x16xf32> to vector<16xf32>
        %get3A_1826 = arith.index_cast %add3A_1761 : i32 to index
        %get3A_1827 = arith.constant 32 : index
        %get3A_1828 = tpu.vector_load %arg11[%get3A_1826, %get3A_1827] {strides = array<i32>} : memref<256x128xf32, #tpu.memory_space<vmem>>, vector<1x16xf32>,
        %get3A_1829 = vector.shape_cast %get3A_1828 : vector<1x16xf32> to vector<16xf32>
        %get3A_1830 = arith.index_cast %add3A_1761 : i32 to index
        %get3A_1831 = arith.constant 96 : index
        %get3A_1832 = tpu.vector_load %arg11[%get3A_1830, %get3A_1831] {strides = array<i32>} : memref<256x128xf32, #tpu.memory_space<vmem>>, vector<1x16xf32>,
        %get3A_1833 = vector.shape_cast %get3A_1832 : vector<1x16xf32> to vector<16xf32>
        %eq3A_1834 = arith.constant 1 : i32
        %eq3A_1835 = arith.cmpi eq, %and3A_1755, %eq3A_1834 : i32
        %select_n3A_1836 = arith.select %eq3A_1835, %get3A_1825, %get3A_1821 : vector<16xf32>
        %eq3A_1837 = arith.constant 1 : i32
        %eq3A_1838 = arith.cmpi eq, %shift_right_arithmetic3A_1757, %eq3A_1837 : i32
        %select_n3A_1839 = arith.select %eq3A_1838, %get3A_1833, %get3A_1829 : vector<16xf32>
        %mul3A_1840 = arith.mulf %select_n3A_1836, %select_n3A_1839 : vector<16xf32>
        %swap3A_1841 = arith.index_cast %add3A_1761 : i32 to index
        %swap3A_1842 = arith.constant 32 : index
        %swap3A_1843 = tpu.vector_load %arg12[%swap3A_1841, %swap3A_1842] {strides = array<i32>} : memref<256x64xf32, #tpu.memory_space<vmem>>, vector<1x16xf32>,
        %swap3A_1844 = vector.shape_cast %swap3A_1843 : vector<1x16xf32> to vector<16xf32>
        %swap3A_1845 = vector.shape_cast %mul3A_1840 : vector<16xf32> to vector<1x16xf32>
        tpu.vector_store %arg12[%swap3A_1841, %swap3A_1842], %swap3A_1845 {strides = array<i32>} : memref<256x64xf32, #tpu.memory_space<vmem>>, vector<1x16xf32>,
        %get3A_1846 = arith.index_cast %add3A_1761 : i32 to index
        %get3A_1847 = arith.constant 48 : index
        %get3A_1848 = tpu.vector_load %arg10[%get3A_1846, %get3A_1847] {strides = array<i32>} : memref<256x128xf32, #tpu.memory_space<vmem>>, vector<1x16xf32>,
        %get3A_1849 = vector.shape_cast %get3A_1848 : vector<1x16xf32> to vector<16xf32>
        %get3A_1850 = arith.index_cast %add3A_1761 : i32 to index
        %get3A_1851 = arith.constant 112 : index
        %get3A_1852 = tpu.vector_load %arg10[%get3A_1850, %get3A_1851] {strides = array<i32>} : memref<256x128xf32, #tpu.memory_space<vmem>>, vector<1x16xf32>,
        %get3A_1853 = vector.shape_cast %get3A_1852 : vector<1x16xf32> to vector<16xf32>
        %get3A_1854 = arith.index_cast %add3A_1761 : i32 to index
        %get3A_1855 = arith.constant 48 : index
        %get3A_1856 = tpu.vector_load %arg11[%get3A_1854, %get3A_1855] {strides = array<i32>} : memref<256x128xf32, #tpu.memory_space<vmem>>, vector<1x16xf32>,
        %get3A_1857 = vector.shape_cast %get3A_1856 : vector<1x16xf32> to vector<16xf32>
        %get3A_1858 = arith.index_cast %add3A_1761 : i32 to index
        %get3A_1859 = arith.constant 112 : index
        %get3A_1860 = tpu.vector_load %arg11[%get3A_1858, %get3A_1859] {strides = array<i32>} : memref<256x128xf32, #tpu.memory_space<vmem>>, vector<1x16xf32>,
        %get3A_1861 = vector.shape_cast %get3A_1860 : vector<1x16xf32> to vector<16xf32>
        %eq3A_1862 = arith.constant 1 : i32
        %eq3A_1863 = arith.cmpi eq, %and3A_1755, %eq3A_1862 : i32
        %select_n3A_1864 = arith.select %eq3A_1863, %get3A_1853, %get3A_1849 : vector<16xf32>
        %eq3A_1865 = arith.constant 1 : i32
        %eq3A_1866 = arith.cmpi eq, %shift_right_arithmetic3A_1757, %eq3A_1865 : i32
        %select_n3A_1867 = arith.select %eq3A_1866, %get3A_1861, %get3A_1857 : vector<16xf32>
        %mul3A_1868 = arith.mulf %select_n3A_1864, %select_n3A_1867 : vector<16xf32>
        %swap3A_1869 = arith.index_cast %add3A_1761 : i32 to index
        %swap3A_1870 = arith.constant 48 : index
        %swap3A_1871 = tpu.vector_load %arg12[%swap3A_1869, %swap3A_1870] {strides = array<i32>} : memref<256x64xf32, #tpu.memory_space<vmem>>, vector<1x16xf32>,
        %swap3A_1872 = vector.shape_cast %swap3A_1871 : vector<1x16xf32> to vector<16xf32>
        %swap3A_1873 = vector.shape_cast %mul3A_1868 : vector<16xf32> to vector<1x16xf32>
        tpu.vector_store %arg12[%swap3A_1869, %swap3A_1870], %swap3A_1873 {strides = array<i32>} : memref<256x64xf32, #tpu.memory_space<vmem>>, vector<1x16xf32>,
        %slice3A_1874 = vector.extract_strided_slice %get3A_50 {offsets = [15], sizes = [1], strides = [1]} : vector<16xi32> to vector<1xi32>
        %squeeze3A_1875 = vector.extract %slice3A_1874[0] : i32 from vector<1xi32>
        %and3A_1876 = arith.constant 1 : i32
        %and3A_1877 = arith.andi %squeeze3A_1875, %and3A_1876 : i32
        %shift_right_arithmetic3A_1878 = arith.constant 1 : i32
        %shift_right_arithmetic3A_1879 = arith.shrsi %squeeze3A_1875, %shift_right_arithmetic3A_1878 : i32
        %mul3A_1880 = arith.constant 16 : i32
        %mul3A_1881 = arith.muli %scan3A_46, %mul3A_1880 : i32
        %add3A_1882 = arith.constant 15 : i32
        %add3A_1883 = arith.addi %mul3A_1881, %add3A_1882 : i32
        %get3A_1884 = arith.index_cast %add3A_1883 : i32 to index
        %get3A_1885 = arith.constant 0 : index
        %get3A_1886 = tpu.vector_load %arg10[%get3A_1884, %get3A_1885] {strides = array<i32>} : memref<256x128xf32, #tpu.memory_space<vmem>>, vector<1x16xf32>,
        %get3A_1887 = vector.shape_cast %get3A_1886 : vector<1x16xf32> to vector<16xf32>
        %get3A_1888 = arith.index_cast %add3A_1883 : i32 to index
        %get3A_1889 = arith.constant 64 : index
        %get3A_1890 = tpu.vector_load %arg10[%get3A_1888, %get3A_1889] {strides = array<i32>} : memref<256x128xf32, #tpu.memory_space<vmem>>, vector<1x16xf32>,
        %get3A_1891 = vector.shape_cast %get3A_1890 : vector<1x16xf32> to vector<16xf32>
        %get3A_1892 = arith.index_cast %add3A_1883 : i32 to index
        %get3A_1893 = arith.constant 0 : index
        %get3A_1894 = tpu.vector_load %arg11[%get3A_1892, %get3A_1893] {strides = array<i32>} : memref<256x128xf32, #tpu.memory_space<vmem>>, vector<1x16xf32>,
        %get3A_1895 = vector.shape_cast %get3A_1894 : vector<1x16xf32> to vector<16xf32>
        %get3A_1896 = arith.index_cast %add3A_1883 : i32 to index
        %get3A_1897 = arith.constant 64 : index
        %get3A_1898 = tpu.vector_load %arg11[%get3A_1896, %get3A_1897] {strides = array<i32>} : memref<256x128xf32, #tpu.memory_space<vmem>>, vector<1x16xf32>,
        %get3A_1899 = vector.shape_cast %get3A_1898 : vector<1x16xf32> to vector<16xf32>
        %eq3A_1900 = arith.constant 1 : i32
        %eq3A_1901 = arith.cmpi eq, %and3A_1877, %eq3A_1900 : i32
        %select_n3A_1902 = arith.select %eq3A_1901, %get3A_1891, %get3A_1887 : vector<16xf32>
        %eq3A_1903 = arith.constant 1 : i32
        %eq3A_1904 = arith.cmpi eq, %shift_right_arithmetic3A_1879, %eq3A_1903 : i32
        %select_n3A_1905 = arith.select %eq3A_1904, %get3A_1899, %get3A_1895 : vector<16xf32>
        %mul3A_1906 = arith.mulf %select_n3A_1902, %select_n3A_1905 : vector<16xf32>
        %swap3A_1907 = arith.index_cast %add3A_1883 : i32 to index
        %swap3A_1908 = arith.constant 0 : index
        %swap3A_1909 = tpu.vector_load %arg12[%swap3A_1907, %swap3A_1908] {strides = array<i32>} : memref<256x64xf32, #tpu.memory_space<vmem>>, vector<1x16xf32>,
        %swap3A_1910 = vector.shape_cast %swap3A_1909 : vector<1x16xf32> to vector<16xf32>
        %swap3A_1911 = vector.shape_cast %mul3A_1906 : vector<16xf32> to vector<1x16xf32>
        tpu.vector_store %arg12[%swap3A_1907, %swap3A_1908], %swap3A_1911 {strides = array<i32>} : memref<256x64xf32, #tpu.memory_space<vmem>>, vector<1x16xf32>,
        %get3A_1912 = arith.index_cast %add3A_1883 : i32 to index
        %get3A_1913 = arith.constant 16 : index
        %get3A_1914 = tpu.vector_load %arg10[%get3A_1912, %get3A_1913] {strides = array<i32>} : memref<256x128xf32, #tpu.memory_space<vmem>>, vector<1x16xf32>,
        %get3A_1915 = vector.shape_cast %get3A_1914 : vector<1x16xf32> to vector<16xf32>
        %get3A_1916 = arith.index_cast %add3A_1883 : i32 to index
        %get3A_1917 = arith.constant 80 : index
        %get3A_1918 = tpu.vector_load %arg10[%get3A_1916, %get3A_1917] {strides = array<i32>} : memref<256x128xf32, #tpu.memory_space<vmem>>, vector<1x16xf32>,
        %get3A_1919 = vector.shape_cast %get3A_1918 : vector<1x16xf32> to vector<16xf32>
        %get3A_1920 = arith.index_cast %add3A_1883 : i32 to index
        %get3A_1921 = arith.constant 16 : index
        %get3A_1922 = tpu.vector_load %arg11[%get3A_1920, %get3A_1921] {strides = array<i32>} : memref<256x128xf32, #tpu.memory_space<vmem>>, vector<1x16xf32>,
        %get3A_1923 = vector.shape_cast %get3A_1922 : vector<1x16xf32> to vector<16xf32>
        %get3A_1924 = arith.index_cast %add3A_1883 : i32 to index
        %get3A_1925 = arith.constant 80 : index
        %get3A_1926 = tpu.vector_load %arg11[%get3A_1924, %get3A_1925] {strides = array<i32>} : memref<256x128xf32, #tpu.memory_space<vmem>>, vector<1x16xf32>,
        %get3A_1927 = vector.shape_cast %get3A_1926 : vector<1x16xf32> to vector<16xf32>
        %eq3A_1928 = arith.constant 1 : i32
        %eq3A_1929 = arith.cmpi eq, %and3A_1877, %eq3A_1928 : i32
        %select_n3A_1930 = arith.select %eq3A_1929, %get3A_1919, %get3A_1915 : vector<16xf32>
        %eq3A_1931 = arith.constant 1 : i32
        %eq3A_1932 = arith.cmpi eq, %shift_right_arithmetic3A_1879, %eq3A_1931 : i32
        %select_n3A_1933 = arith.select %eq3A_1932, %get3A_1927, %get3A_1923 : vector<16xf32>
        %mul3A_1934 = arith.mulf %select_n3A_1930, %select_n3A_1933 : vector<16xf32>
        %swap3A_1935 = arith.index_cast %add3A_1883 : i32 to index
        %swap3A_1936 = arith.constant 16 : index
        %swap3A_1937 = tpu.vector_load %arg12[%swap3A_1935, %swap3A_1936] {strides = array<i32>} : memref<256x64xf32, #tpu.memory_space<vmem>>, vector<1x16xf32>,
        %swap3A_1938 = vector.shape_cast %swap3A_1937 : vector<1x16xf32> to vector<16xf32>
        %swap3A_1939 = vector.shape_cast %mul3A_1934 : vector<16xf32> to vector<1x16xf32>
        tpu.vector_store %arg12[%swap3A_1935, %swap3A_1936], %swap3A_1939 {strides = array<i32>} : memref<256x64xf32, #tpu.memory_space<vmem>>, vector<1x16xf32>,
        %get3A_1940 = arith.index_cast %add3A_1883 : i32 to index
        %get3A_1941 = arith.constant 32 : index
        %get3A_1942 = tpu.vector_load %arg10[%get3A_1940, %get3A_1941] {strides = array<i32>} : memref<256x128xf32, #tpu.memory_space<vmem>>, vector<1x16xf32>,
        %get3A_1943 = vector.shape_cast %get3A_1942 : vector<1x16xf32> to vector<16xf32>
        %get3A_1944 = arith.index_cast %add3A_1883 : i32 to index
        %get3A_1945 = arith.constant 96 : index
        %get3A_1946 = tpu.vector_load %arg10[%get3A_1944, %get3A_1945] {strides = array<i32>} : memref<256x128xf32, #tpu.memory_space<vmem>>, vector<1x16xf32>,
        %get3A_1947 = vector.shape_cast %get3A_1946 : vector<1x16xf32> to vector<16xf32>
        %get3A_1948 = arith.index_cast %add3A_1883 : i32 to index
        %get3A_1949 = arith.constant 32 : index
        %get3A_1950 = tpu.vector_load %arg11[%get3A_1948, %get3A_1949] {strides = array<i32>} : memref<256x128xf32, #tpu.memory_space<vmem>>, vector<1x16xf32>,
        %get3A_1951 = vector.shape_cast %get3A_1950 : vector<1x16xf32> to vector<16xf32>
        %get3A_1952 = arith.index_cast %add3A_1883 : i32 to index
        %get3A_1953 = arith.constant 96 : index
        %get3A_1954 = tpu.vector_load %arg11[%get3A_1952, %get3A_1953] {strides = array<i32>} : memref<256x128xf32, #tpu.memory_space<vmem>>, vector<1x16xf32>,
        %get3A_1955 = vector.shape_cast %get3A_1954 : vector<1x16xf32> to vector<16xf32>
        %eq3A_1956 = arith.constant 1 : i32
        %eq3A_1957 = arith.cmpi eq, %and3A_1877, %eq3A_1956 : i32
        %select_n3A_1958 = arith.select %eq3A_1957, %get3A_1947, %get3A_1943 : vector<16xf32>
        %eq3A_1959 = arith.constant 1 : i32
        %eq3A_1960 = arith.cmpi eq, %shift_right_arithmetic3A_1879, %eq3A_1959 : i32
        %select_n3A_1961 = arith.select %eq3A_1960, %get3A_1955, %get3A_1951 : vector<16xf32>
        %mul3A_1962 = arith.mulf %select_n3A_1958, %select_n3A_1961 : vector<16xf32>
        %swap3A_1963 = arith.index_cast %add3A_1883 : i32 to index
        %swap3A_1964 = arith.constant 32 : index
        %swap3A_1965 = tpu.vector_load %arg12[%swap3A_1963, %swap3A_1964] {strides = array<i32>} : memref<256x64xf32, #tpu.memory_space<vmem>>, vector<1x16xf32>,
        %swap3A_1966 = vector.shape_cast %swap3A_1965 : vector<1x16xf32> to vector<16xf32>
        %swap3A_1967 = vector.shape_cast %mul3A_1962 : vector<16xf32> to vector<1x16xf32>
        tpu.vector_store %arg12[%swap3A_1963, %swap3A_1964], %swap3A_1967 {strides = array<i32>} : memref<256x64xf32, #tpu.memory_space<vmem>>, vector<1x16xf32>,
        %get3A_1968 = arith.index_cast %add3A_1883 : i32 to index
        %get3A_1969 = arith.constant 48 : index
        %get3A_1970 = tpu.vector_load %arg10[%get3A_1968, %get3A_1969] {strides = array<i32>} : memref<256x128xf32, #tpu.memory_space<vmem>>, vector<1x16xf32>,
        %get3A_1971 = vector.shape_cast %get3A_1970 : vector<1x16xf32> to vector<16xf32>
        %get3A_1972 = arith.index_cast %add3A_1883 : i32 to index
        %get3A_1973 = arith.constant 112 : index
        %get3A_1974 = tpu.vector_load %arg10[%get3A_1972, %get3A_1973] {strides = array<i32>} : memref<256x128xf32, #tpu.memory_space<vmem>>, vector<1x16xf32>,
        %get3A_1975 = vector.shape_cast %get3A_1974 : vector<1x16xf32> to vector<16xf32>
        %get3A_1976 = arith.index_cast %add3A_1883 : i32 to index
        %get3A_1977 = arith.constant 48 : index
        %get3A_1978 = tpu.vector_load %arg11[%get3A_1976, %get3A_1977] {strides = array<i32>} : memref<256x128xf32, #tpu.memory_space<vmem>>, vector<1x16xf32>,
        %get3A_1979 = vector.shape_cast %get3A_1978 : vector<1x16xf32> to vector<16xf32>
        %get3A_1980 = arith.index_cast %add3A_1883 : i32 to index
        %get3A_1981 = arith.constant 112 : index
        %get3A_1982 = tpu.vector_load %arg11[%get3A_1980, %get3A_1981] {strides = array<i32>} : memref<256x128xf32, #tpu.memory_space<vmem>>, vector<1x16xf32>,
        %get3A_1983 = vector.shape_cast %get3A_1982 : vector<1x16xf32> to vector<16xf32>
        %eq3A_1984 = arith.constant 1 : i32
        %eq3A_1985 = arith.cmpi eq, %and3A_1877, %eq3A_1984 : i32
        %select_n3A_1986 = arith.select %eq3A_1985, %get3A_1975, %get3A_1971 : vector<16xf32>
        %eq3A_1987 = arith.constant 1 : i32
        %eq3A_1988 = arith.cmpi eq, %shift_right_arithmetic3A_1879, %eq3A_1987 : i32
        %select_n3A_1989 = arith.select %eq3A_1988, %get3A_1983, %get3A_1979 : vector<16xf32>
        %mul3A_1990 = arith.mulf %select_n3A_1986, %select_n3A_1989 : vector<16xf32>
        %swap3A_1991 = arith.index_cast %add3A_1883 : i32 to index
        %swap3A_1992 = arith.constant 48 : index
        %swap3A_1993 = tpu.vector_load %arg12[%swap3A_1991, %swap3A_1992] {strides = array<i32>} : memref<256x64xf32, #tpu.memory_space<vmem>>, vector<1x16xf32>,
        %swap3A_1994 = vector.shape_cast %swap3A_1993 : vector<1x16xf32> to vector<16xf32>
        %swap3A_1995 = vector.shape_cast %mul3A_1990 : vector<16xf32> to vector<1x16xf32>
        tpu.vector_store %arg12[%swap3A_1991, %swap3A_1992], %swap3A_1995 {strides = array<i32>} : memref<256x64xf32, #tpu.memory_space<vmem>>, vector<1x16xf32>,
      }
      %scan3A_33 = arith.constant 16 : i32
      %scan3A_34 = arith.constant 0 : i32
      %scan3A_35 = arith.constant 0 : i32
      %scan3A_36 = arith.constant 256 : i32
      %scan3A_37 = arith.addi %scan3A_35, %scan3A_36 : i32
      %scan3A_38 = arith.constant 1 : i32
      scf.for %scan3A_46 = %scan3A_35 to %scan3A_37 step %scan3A_38  : i32 {
        %add3A_47 = arith.addi %add3A_11, %scan3A_46 : i32
        %dma_start3A_48 = arith.constant 0 : i32
        %dma_start3A_49 = tpu.memref_slice %arg12[%scan3A_46, %dma_start3A_48] : memref<256x64xf32, #tpu.memory_space<vmem>> -> memref<1x64xf32, #tpu.memory_space<vmem>>
        %dma_start3A_50 = arith.constant 0 : i32
        %dma_start3A_51 = tpu.memref_slice %arg6[%add3A_47, %dma_start3A_50] : memref<16384x64xf32, #tpu.memory_space<hbm>> -> memref<1x64xf32, #tpu.memory_space<hbm>>
        %dma_start3A_52 = arith.constant 0 : i32
        %dma_start3A_53 = tpu.memref_slice %arg6[%add3A_47, %dma_start3A_52] : memref<16384x64xf32, #tpu.memory_space<hbm>> -> memref<1x64xf32, #tpu.memory_space<hbm>>
        %dma_start3A_54 = arith.constant 0 : i32
        %dma_start3A_55 = tpu.memref_slice %arg12[%scan3A_46, %dma_start3A_54] : memref<256x64xf32, #tpu.memory_space<vmem>> -> memref<1x64xf32, #tpu.memory_space<vmem>>
        tpu.enqueue_dma source(%dma_start3A_55 : memref<1x64xf32, #tpu.memory_space<vmem>>) target(%dma_start3A_53 : memref<1x64xf32, #tpu.memory_space<hbm>>) target_semaphore(%arg13 : memref<!tpu.dma_semaphore, #tpu.memory_space<semaphore_mem>>)
      }
      %scan3A_39 = arith.constant 256 : i32
      %dma_wait3A_40 = arith.constant 0 : i32
      %dma_wait3A_41 = arith.constant 0 : i32
      %dma_wait3A_42 = tpu.memref_slice %arg6[%dma_wait3A_40, %dma_wait3A_41] : memref<16384x64xf32, #tpu.memory_space<hbm>> -> memref<256x64xf32, #tpu.memory_space<hbm>>
      %dma_wait3A_43 = arith.constant 0 : i32
      %dma_wait3A_44 = arith.constant 0 : i32
      %dma_wait3A_45 = tpu.memref_slice %arg6[%dma_wait3A_43, %dma_wait3A_44] : memref<16384x64xf32, #tpu.memory_space<hbm>> -> memref<256x64xf32, #tpu.memory_space<hbm>>
      tpu.wait_dma2 semaphore(%arg13 : memref<!tpu.dma_semaphore, #tpu.memory_space<semaphore_mem>>) src(%dma_wait3A_45 : memref<256x64xf32, #tpu.memory_space<hbm>>) dst(%arg12 : memref<256x64xf32, #tpu.memory_space<vmem>>)
    }
    %scan3A_7 = arith.constant 2 : i32
    return
  }
}

module attributes {stable_mosaic.version = 14 : i64} {
  func.func @_mlp_body(%arg0: i32, %arg1: memref<2048x64xf32, #tpu.memory_space<vmem>>, %arg2: memref<64x256xf32, #tpu.memory_space<vmem>>, %arg3: memref<1x256xf32, #tpu.memory_space<vmem>>, %arg4: memref<256x1xf32, #tpu.memory_space<vmem>>, %arg5: memref<1x1xf32, #tpu.memory_space<vmem>>, %arg6: memref<2048x1xf32, #tpu.memory_space<vmem>>) attributes {dimension_semantics = [#tpu.dimension_semantics<arbitrary>], iteration_bounds = array<i64: 8>, scalar_prefetch = 0 : i64, scratch_operands = 0 : i64, tpu.core_type = #tpu.core_type<tc>, window_params = [{transform_indices = @transform_0, window_bounds = array<i64: 2048, 64>}, {pipeline_mode = #tpu.pipeline_mode<synchronous>, transform_indices = @transform_1, window_bounds = array<i64: 64, 256>}, {pipeline_mode = #tpu.pipeline_mode<synchronous>, transform_indices = @transform_2, window_bounds = array<i64: 1, 256>}, {pipeline_mode = #tpu.pipeline_mode<synchronous>, transform_indices = @transform_3, window_bounds = array<i64: 256, 1>}, {pipeline_mode = #tpu.pipeline_mode<synchronous>, transform_indices = @transform_4, window_bounds = array<i64: 1, 1>}, {transform_indices = @transform_5, window_bounds = array<i64: 2048, 1>}]} {
    %get3A = arith.constant 0 : index
    %get3A_0 = arith.constant 0 : index
    %get3A_1 = vector.load %arg1[%get3A, %get3A_0] : memref<2048x64xf32, #tpu.memory_space<vmem>>, vector<2048x64xf32>
    %get3A_2 = arith.constant 0 : index
    %get3A_3 = arith.constant 0 : index
    %get3A_4 = vector.load %arg2[%get3A_2, %get3A_3] : memref<64x256xf32, #tpu.memory_space<vmem>>, vector<64x256xf32>
    %dot_general3A = arith.constant dense<0.000000e+00> : vector<2048x256xf32>
    %dot_general3A_5 = tpu.matmul %get3A_1, %get3A_4, %dot_general3A {dimension_numbers = #tpu.dot_dimension_numbers<[1], [0], [0], [1], [0, 0, 1, 1], [], []>, transpose_lhs_hint = false} : vector<2048x64xf32>, vector<64x256xf32>, vector<2048x256xf32> -> vector<2048x256xf32>
    %get3A_6 = arith.constant 0 : index
    %get3A_7 = arith.constant 0 : index
    %get3A_8 = vector.load %arg3[%get3A_6, %get3A_7] : memref<1x256xf32, #tpu.memory_space<vmem>>, vector<1x256xf32>
    %add3A = vector.broadcast %get3A_8 : vector<1x256xf32> to vector<2048x256xf32>
    %add3A_9 = arith.addf %dot_general3A_5, %add3A : vector<2048x256xf32>
    %max3A = arith.constant 0.000000e+00 : f32
    %max3A_10 = vector.broadcast %max3A : f32 to vector<2048x256xf32>
    %max3A_11 = arith.maximumf %add3A_9, %max3A_10 : vector<2048x256xf32>
    %get3A_12 = arith.constant 0 : index
    %get3A_13 = arith.constant 0 : index
    %get3A_14 = vector.load %arg4[%get3A_12, %get3A_13] : memref<256x1xf32, #tpu.memory_space<vmem>>, vector<256x1xf32>
    %dot_general3A_15 = arith.constant dense<0.000000e+00> : vector<2048x1xf32>
    %dot_general3A_16 = tpu.matmul %max3A_11, %get3A_14, %dot_general3A_15 {dimension_numbers = #tpu.dot_dimension_numbers<[1], [0], [0], [1], [0, 0, 1, 1], [], []>, transpose_lhs_hint = false} : vector<2048x256xf32>, vector<256x1xf32>, vector<2048x1xf32> -> vector<2048x1xf32>
    %get3A_17 = arith.constant 0 : index
    %get3A_18 = arith.constant 0 : index
    %get3A_19 = vector.load %arg5[%get3A_17, %get3A_18] : memref<1x1xf32, #tpu.memory_space<vmem>>, vector<1x1xf32>
    %add3A_20 = vector.broadcast %get3A_19 : vector<1x1xf32> to vector<2048x1xf32>
    %add3A_21 = arith.addf %dot_general3A_16, %add3A_20 : vector<2048x1xf32>
    %logistic3A = arith.negf %add3A_21 : vector<2048x1xf32>
    %logistic3A_22 = math.exp %logistic3A : vector<2048x1xf32>
    %logistic3A_23 = arith.constant 1.000000e+00 : f32
    %logistic3A_24 = vector.broadcast %logistic3A_23 : f32 to vector<2048x1xf32>
    %logistic3A_25 = arith.addf %logistic3A_24, %logistic3A_22 : vector<2048x1xf32>
    %logistic3A_26 = arith.divf %logistic3A_24, %logistic3A_25 : vector<2048x1xf32>
    %swap3A = arith.constant 0 : index
    %swap3A_27 = arith.constant 0 : index
    %swap3A_28 = vector.load %arg6[%swap3A, %swap3A_27] : memref<2048x1xf32, #tpu.memory_space<vmem>>, vector<2048x1xf32>
    tpu.vector_store %arg6[%swap3A, %swap3A_27], %logistic3A_26 {strides = array<i32>} : memref<2048x1xf32, #tpu.memory_space<vmem>>, vector<2048x1xf32>,
    return
  }
  func.func @transform_0(%arg0: i32) -> (i32, i32) {
    %c0_i32 = arith.constant 0 : i32
    %c0_i32_0 = arith.constant 0 : i32
    return %arg0, %c0_i32 : i32, i32
  }
  func.func @transform_1(%arg0: i32) -> (i32, i32) {
    %c0_i32 = arith.constant 0 : i32
    %c0_i32_0 = arith.constant 0 : i32
    %c0_i32_1 = arith.constant 0 : i32
    return %c0_i32, %c0_i32_0 : i32, i32
  }
  func.func @transform_2(%arg0: i32) -> (i32, i32) {
    %c0_i32 = arith.constant 0 : i32
    %c0_i32_0 = arith.constant 0 : i32
    %c0_i32_1 = arith.constant 0 : i32
    return %c0_i32, %c0_i32_0 : i32, i32
  }
  func.func @transform_3(%arg0: i32) -> (i32, i32) {
    %c0_i32 = arith.constant 0 : i32
    %c0_i32_0 = arith.constant 0 : i32
    %c0_i32_1 = arith.constant 0 : i32
    return %c0_i32, %c0_i32_0 : i32, i32
  }
  func.func @transform_4(%arg0: i32) -> (i32, i32) {
    %c0_i32 = arith.constant 0 : i32
    %c0_i32_0 = arith.constant 0 : i32
    %c0_i32_1 = arith.constant 0 : i32
    return %c0_i32, %c0_i32_0 : i32, i32
  }
  func.func @transform_5(%arg0: i32) -> (i32, i32) {
    %c0_i32 = arith.constant 0 : i32
    %c0_i32_0 = arith.constant 0 : i32
    return %arg0, %c0_i32 : i32, i32
  }
}

</mosaic_0001>

<sc_bundles>
// kernel: kernel.4.cloned.1.call-start
scs
__scs_entry_jumppad:
0x0: {  	(pc) =	sbr.rel $0x88, $3  }
0x1: {  	(tag) =	ssettag $0x0;
	lr =	simm.s32 $0x1  }
0x2: {  	[smem:$0x3F99] =	sst lr;
	_ =	strace $0xD0000000  }
0x3: {  	_ = 	snop  }
0x4: {  	_ = 	snop  }
0x5: {  	_ = 	snop  }
0x6: {  	_ = 	snop  }
0x7: {  	_ = 	snop  }
__scs_overlays_trampoline_lowered:
0x8: {  	[smem:$0x3FA8] =	sst s0  }
0x9: {  	[smem:$0x3FA9] =	sst s1  }
0xa: {  	[smem:$0x3FAA] =	sst s2  }
0xb: {  	[smem:$0x3FAB] =	sst s3  }
0xc: {  	[smem:$0x3FAC] =	sst s4  }
0xd: {  	[smem:$0x3FAD] =	sst s5  }
0xe: {  	[smem:$0x3FAE] =	sst s6  }
0xf: {  	[smem:$0x3FAF] =	sst s7  }
0x10: {  	[smem:$0x3FB0] =	sst s8  }
0x11: {  	[smem:$0x3FB1] =	sst s9;
	s0 =	simm.s32 @!p0 $0x0  }
0x12: {  	s1 =	sld [smem:$0x3F97];
	s0 =	simm.s32 @p0 $0x1  }
0x13: {  	[smem:$0x3FB2] =	sst s0;
	s0 =	simm.s32 @!p1 $0x0  }
0x14: {  	s2 =	sld [smem:$0x3F96];
	s0 =	simm.s32 @p1 $0x1  }
0x15: {  	[smem:$0x3FB3] =	sst s0;
	s0 =	simm.s32 @!p2 $0x0  }
0x16: {  	s3 =	sld [smem:$0x3FDB];
	s0 =	simm.s32 @p2 $0x1  }
0x17: {  	s4 =	simm.s32 $0x1BF5;
	[smem:$0x3FB5] =	sst s0  }
0x18: {  	s0 =	sld [smem:$0x3F98];
	_ =	swait.ge [sflag:s4], $0x0  }
0x19: {  	s7 =	sld [smem:$0x3F99]  }
0x1a: {  	s8 =	sadd.s32 $0xFFFFE003, lr  }
0x1b: {  	s9 =	sadd.s32 $0xFFFFFEF7, lr;
	s5 =	simm.s32 $0xFFFFFFFF;
	p2 =	slt.u32 s8, $0xFFFFF086  }
0x1c: {  	p1 =	slt.u32 s9, $0xF7A;
	s5 =	simm.s32 @!p2 $0x0  }
0x1d: {  	s5 =	simm.s32 @p1 $0x1;
	p0 =	seq.s32 s7, s2  }
0x1e: {  	s7 =	smul.u32 @!p0 $0xF7A, s2;
	p2 =	seq.s32 @!p0 s5, $0x0  }
0x1f: {  	s9 =	smul.u32 $0xF7A, s1;
	s8 =	simm.s32 @!p0 $0x1BF5;
	p2 =	por !p2, p0  }
0x20: {  	[sflag:s8] =	ssyncset.s32 @!p0 $0xFFFFF086;
	s6 =	sadd.s32 @!p0 s3, s7;
	s7 =	simm.s32 @!p0 $0x108  }
0x21: {  	s3 =	sadd.s32 s3, s9;
	s6 =	sadd.s32 @!p0 $0x88, s6;
	s7 =	simm.s32 @p2 $0x1082  }
0x22: {  	[simem:s7], [sflag:s8] =	dma.local @!p0 [hbm:s6], $0xF7A  }
0x23: {  	s9 =	sor.u32 $0xD0000000, s2;
	s6 =	simm.s32 $0x108;
	_ =	swait.ge @!p0 [sflag:s8], $0x0  }
0x24: {  	s3 =	sadd.s32 $0x88, s3;
	s6 =	simm.s32 @!p1 $0x1082;
	[sflag:s4] =	ssyncset.s32 $0xFFFFF086  }
0x25: {  	[simem:s6], [sflag:s4] =	dma.local [hbm:s3], $0xF7A  }
0x26: {  	[smem:$0x3F99] =	sst s1;
	(tag) =	ssettag s2;
	_ =	strace s9  }
0x27: {  	s1 =	sld [smem:$0x3FA9]  }
0x28: {  	s2 =	sld [smem:$0x3FAA]  }
0x29: {  	s4 =	sld [smem:$0x3FAC]  }
0x2a: {  	p0 =	seq.s32 s5, $0x0;
	s5 =	sld [smem:$0x3FAD]  }
0x2b: {  	s6 =	sld [smem:$0x3FAE]  }
0x2c: {  	s7 =	sld [smem:$0x3FAF]  }
0x2d: {  	s3 =	simm.s32 $0x108;
	s8 =	sld [smem:$0x3FB0]  }
0x2e: {  	s3 =	simm.s32 @!p0 $0x1082;
	s9 =	sld [smem:$0x3FB1]  }
0x2f: {  	lr =	sadd.s32 s0, s3;
	s0 =	sld [smem:$0x3FA8]  }
0x30: {  	s3 =	sld [smem:$0x3FAB]  }
0x31: {  	[smem:$0x3FB4] =	sst s10  }
0x32: {  	s10 =	sld [smem:$0x3FB2];
	_ =	sdelay $0x3  }
0x33: {  	p0 =	seq.s32 s10, $0x1;
	s10 =	sld [smem:$0x3FB4];
	_ =	sdelay $0x3  }
0x34: {  	[smem:$0x3FB4] =	sst s10  }
0x35: {  	s10 =	sld [smem:$0x3FB3];
	_ =	sdelay $0x3  }
0x36: {  	p1 =	seq.s32 s10, $0x1;
	s10 =	sld [smem:$0x3FB4];
	_ =	sdelay $0x3  }
0x37: {  	[smem:$0x3FB4] =	sst s10  }
0x38: {  	s10 =	sld [smem:$0x3FB5]  }
0x39: {  	_ = 	snop;
	(pc) =	sbr.ind lr, $3  }
0x3a: {  	_ = 	snop  }
0x3b: {  	_ = 	snop  }
0x3c: {  	p2 =	seq.s32 s10, $0x1;
	s10 =	sld [smem:$0x3FB4]  }
0x3d: {  	_ =	shalt  }
0x3e: {  	_ =	shalt  }
0x3f: {  	_ =	shalt  }
0x40: {  	_ =	shalt  }
0x41: {  	_ =	shalt  }
0x42: {  	_ =	shalt  }
0x43: {  	_ =	shalt  }
0x44: {  	_ =	shalt  }
0x45: {  	_ =	shalt  }
0x46: {  	_ =	shalt  }
0x47: {  	_ =	shalt  }
0x48: {  	_ =	shalt  }
0x49: {  	_ =	shalt  }
0x4a: {  	_ =	shalt  }
0x4b: {  	_ =	shalt  }
0x4c: {  	_ =	shalt  }
0x4d: {  	_ =	shalt  }
0x4e: {  	_ =	shalt  }
0x4f: {  	_ =	shalt  }
0x50: {  	_ =	shalt  }
0x51: {  	_ =	shalt  }
0x52: {  	_ =	shalt  }
0x53: {  	_ =	shalt  }
0x54: {  	_ =	shalt  }
0x55: {  	_ =	shalt  }
0x56: {  	_ =	shalt  }
0x57: {  	_ =	shalt  }
0x58: {  	_ =	shalt  }
0x59: {  	_ =	shalt  }
0x5a: {  	_ =	shalt  }
0x5b: {  	_ =	shalt  }
0x5c: {  	_ =	shalt  }
0x5d: {  	_ =	shalt  }
0x5e: {  	_ =	shalt  }
0x5f: {  	_ =	shalt  }
0x60: {  	_ =	shalt  }
0x61: {  	_ =	shalt  }
0x62: {  	_ =	shalt  }
0x63: {  	_ =	shalt  }
0x64: {  	_ =	shalt  }
0x65: {  	_ =	shalt  }
0x66: {  	_ =	shalt  }
0x67: {  	_ =	shalt  }
0x68: {  	_ =	shalt  }
0x69: {  	_ =	shalt  }
0x6a: {  	_ =	shalt  }
0x6b: {  	_ =	shalt  }
0x6c: {  	_ =	shalt  }
0x6d: {  	_ =	shalt  }
0x6e: {  	_ =	shalt  }
0x6f: {  	_ =	shalt  }
0x70: {  	_ =	shalt  }
0x71: {  	_ =	shalt  }
0x72: {  	_ =	shalt  }
0x73: {  	_ =	shalt  }
0x74: {  	_ =	shalt  }
0x75: {  	_ =	shalt  }
0x76: {  	_ =	shalt  }
0x77: {  	_ =	shalt  }
0x78: {  	_ =	shalt  }
0x79: {  	_ =	shalt  }
0x7a: {  	_ =	shalt  }
0x7b: {  	_ =	shalt  }
0x7c: {  	_ =	shalt  }
0x7d: {  	_ =	shalt  }
0x7e: {  	_ =	shalt  }
0x7f: {  	_ =	shalt  }
0x80: {  	_ =	shalt  }
0x81: {  	_ =	shalt  }
0x82: {  	_ =	shalt  }
0x83: {  	_ =	shalt  }
0x84: {  	_ =	shalt  }
0x85: {  	_ =	shalt  }
0x86: {  	_ =	shalt  }
0x87: {  	_ =	shalt  }
.Lfunc_end0:
.L_simem_size_0:
called_computation.2_lowered:
.L_overlay_start_0:
0x88: {  	s2 =	sld [smem:$0x3FD9]  }
0x89: {  	s3 =	sld [smem:$0x3FFE];
	_ =	sdelay $0x1  }
0x8a: {  	s1 =	srdreg.scid  }
0x8b: {  	s0 =	sand.u32 $0x1, s1  }
0x8c: {  	s17 =	sshll.u32 s0, $0xA;
	s2 =	sadd.s32 s3, s2  }
0x8d: {  	s2 =	sadd.s32 s2, s17  }
0x8e: {  	[smem:$0x3FC0] =	sst s2  }
0x8f: {  	_ = 	snop  }
0x90: {  	s2 =	sld [smem:$0x3FC9]  }
0x91: {  	s18 =	sld [smem:$0x3FC8];
	(tm) =	ssettm $0x1  }
0x92: {  	s4 =	sld [smem:$0x3FFB];
	_ =	sdelay $0x3  }
0x93: {  	_ =	strace s4  }
0x94: {  	s4 =	sld [smem:$0x3FFC];
	_ =	sdelay $0x3  }
0x95: {  	_ =	strace s4  }
0x96: {  	s4 =	sld [smem:$0x3FFD];
	_ =	sdelay $0x3  }
0x97: {  	_ =	strace s4  }
0x98: {  	_ =	strace $0x8FFFFFFF  }
0x99: {  	s19 =	sld [smem:$0x3FDB];
	_ =	sdelay $0x1  }
0x9a: {  	s5 =	simm.s32 $_scs_section_size  }
0x9b: {  	s6 =	simm.s32 $_size__tile_overlayer_lowered;
	s7 =	simm.s32 $_tile_overlayer_lowered  }
0x9c: {  	s22 =	simm.s32 $0x1BFF;
	s21 =	sshll.u32 s7, $0x1;
	s4 =	sadd.s32 s5, s19  }
0x9d: {  	s8 =	simm.s32 $0x0;
	s20 =	sshll.u32 s6, $0x1;
	s6 =	sadd.s32 s21, s4  }
0x9e: {  	[timem:s8], [sflag:s22] =	dma.local [hbm:s6], s20  }
0x9f: {  	_ =	swait.ge [sflag:s22], s20  }
0xa0: {  	s5 =	ssub.s32 $0x0, s20;
	[sflag:s22] =	ssyncset.done $0x0  }
0xa1: {  	[sflag:s22] =	ssyncadd.s32 s5;
	_ =	sdelay $0x1  }
0xa2: {  	s23 =	simm.s32 $0x1B8B  }
0xa3: {  	_ =	swait.ge [sflag:s23], $0x1  }
0xa4: {  	[sflag:s23] =	ssyncset.done $0x0  }
0xa5: {  	s25 =	simm.s32 $0x1B8E;
	s24 =	sld [smem:$0x3FFE];
	[sflag:s23] =	ssyncadd.s32 $0xFFFFFFFF  }
0xa6: {  	s26 =	simm.s32 $execute0_lowered;
	[smem:$0x3FD2] =	sst s25  }
0xa7: {  	s6 =	sshll.u32 s26, $0x1;
	_ =	strace $0x8000004C;
	[dreg:$0x1] =	wrdreg $0xFFFFFFFF  }
0xa8: {  	s28 =	simm.s32 $_size_execute0_lowered;
	s4 =	sadd.s32 s4, s6;
	[dreg:$0x0] =	wrdreg $0x0  }
0xa9: {  	s6 =	sshll.u32 s28, $0x1;
	[dreg:$0x2] =	wrdreg s4  }
0xaa: {  	[dreg:$0x3] =	wrdreg s6  }
0xab: {  	[dreg:$0x4] =	wrdreg $0xC0  }
0xac: {  	_ =	task [dreg:s8], $0x5FFFF  }
0xad: {  	[dreg:$0x1] =	wrdreg $0xFFFFFFFF  }
0xae: {  	[dreg:$0x0] =	wrdreg $0x60  }
0xaf: {  	[dreg:$0x2] =	wrdreg s2  }
0xb0: {  	[dreg:$0x3] =	wrdreg s18  }
0xb1: {  	[dreg:$0x4] =	wrdreg s24  }
0xb2: {  	[dreg:$0x5] =	wrdreg $0x9  }
0xb3: {  	_ =	task.clear_ibuf [dreg:s8], $0x6FFFF;
	_ =	strace $0x9000004C  }
0xb4: {  	s29 =	simm.s32 $0x9;
	_ =	strace $0x8000004E  }
0xb5: {  	_ =	swait.ge [sflag:s29], $0x1  }
0xb6: {  	[sflag:s29] =	ssyncadd.s32 $0xFFFFFFFF  }
0xb7: {  	_ =	strace $0x9000004E  }
0xb8: {  	_ =	sfence  }
0xb9: {  	s30 =	sld [smem:$0x0];
	_ =	sdelay $0x2  }
0xba: {  	s31 =	sshll.u32 s1, $0xD;
	s1 =	sshrl.u32 s1, $0x2  }
0xbb: {  	s3 =	sand.u32 $0x4000, s31;
	s1 =	sadd.s32 s1, s30  }
0xbc: {  	s0 =	sor.u32 s3, s0;
	s1 =	sshll.u32 s1, $0x11  }
0xbd: {  	s0 =	sor.u32 s1, s0  }
0xbe: {  	s0 =	sadd.s32 $0x8F2B, s0  }
0xbf: {  	[sflag:s0] =	ssyncadd.remote.s32 $0x1  }
0xc0: {  	_ =	sfence.sel $0xFFFF  }
0xc1: {  	[dreg:$0x0] =	wrdreg $0xFFFFFFFF;
	(pc) =	sbr.abs _section_cstart, $3  }
0xc2: {  	[dreg:$0x1] =	wrdreg $0xFFFFFFFF  }
0xc3: {  	_ =	task.clear_ibuf [dreg:s8], $0x2FFFF;
	_ =	strace $0x9FFFFFFF  }
0xc4: {  	(tm) =	ssettm $0x7FFFFFFF  }
0xc5: {  	_ =	shalt  }
tec
execute0_lowered:
.L_overlay_start_1:
0x0: {  	(tag) =	ssettag $0x1  }
0x1: {  	s1 =	rddreg [dreg:$0x0]  }
0x2: {  	s2 =	rddreg [dreg:$0x1]  }
0x3: {  	s4 =	rddreg [dreg:$0x2]  }
0x4: {  	s0 =	rddreg [dreg:$0x3];
	s3 =	simm.s32 $0x0;
	s5 =	srdreg.scid  }
0x5: {  	s13 =	simm.s32 $0x300;
	s14 =	simm.s32 $0x8300;
	s15 =	simm.s32 $0x1  }
0x6: {  	s16 =	simm.s32 $0x2;
	s17 =	simm.s32 $0x0;
	[smem:$0x7FF] =	sst s3  }
0x7: {  	s9 =	sand.u32 $0x1, s5;
	s5 =	sadd.s32 $0x1E85800, s4;
	s6 =	sadd.s32 $0x1000, s4  }
0x8: {  	s7 =	sadd.s32 $0x7A2200, s4;
	s4 =	stileid.u32;
	_ =	strace $0x8000004D  }
0x9: {  	s8 =	ssub.s32 $0x2, s9;
	s30 =	sshll.u32 s4, $0xA;
	s11 =	sshll.u32 s9, $0x9  }
0xa: {  	s31 =	sshll.u32 s4, $0xE;
	s12 =	sshll.u32 s9, $0xD;
	s10 =	sshrl.u32 s8, $0x1  }
0xb: {  	s10 =	ssub.s32 s8, s10;
	s8 =	sor.u32 s11, s30;
	s11 =	simm.s32 $0x3  }
0xc: {  	s9 =	smax.u32 s10, $0x1;
	s10 =	sor.u32 s12, s31;
	s12 =	simm.s32 $0x100  }
.LBB2_1:
0xd: {  	p1 =	por $0x1, $0x1;
	s18 =	simm.s32 $0x0  }
.LBB2_2:
0xe: {  	s19 =	sor.u32 s8, s18  }
0xf: {  	s19 =	sshrl.u32 s19, $0x3  }
0x10: {  	s21 =	simm.s32 $0x0;
	s20 =	sadd.s32 s1, s19  }
0x11: {  	[tilespmem:s21], [sflag:$0x3] =	stream.linear.gather [hbm4b:s20+s21], $0x100, $0x38;
	[tilespmem:$0x18300] =	vst v63  }
0x12: {  	_ =	swait.ge [sflag:s11], $0x100  }
0x13: {  	[sflag:s11] =	ssyncset.done $0x0  }
0x14: {  	s19 =	sadd.s32 s2, s19;
	[sflag:s11] =	ssyncadd.s32 $0xFFFFFF00  }
0x15: {  	[tilespmem:s12], [sflag:$0x3] =	stream.linear.gather [hbm4b:s19+s21], $0x100, $0x38;
	[tilespmem:$0x18300] =	vst v63  }
0x16: {  	_ =	swait.ge [sflag:s11], $0x100  }
0x17: {  	[sflag:s11] =	ssyncset.done $0x0  }
0x18: {  	s19 =	simm.s32 $0x0;
	[sflag:s11] =	ssyncadd.s32 $0xFFFFFF00  }
0x19: {  	v2 =	vld [tilespmem:s19+$0x0]  }
0x1a: {  	v0 =	vld [tilespmem:s19+$0x100];
	_ =	sdelay $0x3  }
0x1b: {  	p0 =	por p1, p1;
	s20 =	simm.s32 $0x80;
	s21 =	simm.s32 $0x40;
	v1 =	vand.u32 $0x1, v2;
	v2 =	vshra.s32 v2, $0x1  }
.LBB2_3:
0x1c: {  	p1 =	sne.s32 s20, $0x3C0;
	s22 =	sshra.s32 s21, $0x2;
	v3 =	vshll.u32 v0, $0x1;
	[tilespmem:s19+$0x0] =	vst v2;
	v0 =	vshra.s32 v0, $0x1;
	s21 =	smov.u32 s20  }
0x1d: {  	v2 =	vld [tilespmem:s22+$0x0];
	v3 =	vand.u32 $0x2, v3;
	[tilespmem:s19+$0x100] =	vst v0  }
.Ltmp0:
0x1e: {  	v0 =	vld [tilespmem:s22+$0x100];
	v1 =	vor.u32 v1, v3;
	(pc) =	sbr.rel @p1 .LBB2_3-.Ltmp0, $2  }
0x1f: {  	[tilespmem:s19+$0x200] =	vst v1;
	s19 =	smov.u32 s22;
	_ =	sdelay $0x2  }
0x20: {  	s20 =	sadd.s32 $0x40, s20;
	v1 =	vand.u32 $0x1, v2;
	v2 =	vshra.s32 v2, $0x1  }
0x21: {  	s20 =	sshra.s32 s21, $0x2;
	[tilespmem:s19+$0x0] =	vst v2;
	v58 =	vshra.s32 v0, $0x1  }
0x22: {  	v3 =	vld [tilespmem:s20+$0x0];
	[tilespmem:s19+$0x100] =	vst v58  }
0x23: {  	v2 =	vld [tilespmem:s20+$0x100];
	_ =	sdelay $0x1  }
0x24: {  	v59 =	vshll.u32 v0, $0x1  }
0x25: {  	v0 =	vand.u32 $0x2, v59  }
0x26: {  	v0 =	vor.u32 v1, v0  }
0x27: {  	[tilespmem:s19+$0x200] =	vst v0;
	v60 =	vshra.s32 v3, $0x1;
	v61 =	vshll.u32 v2, $0x1  }
0x28: {  	v3 =	vand.u32 $0x1, v3;
	[tilespmem:s20+$0x0] =	vst v60;
	v62 =	vshra.s32 v2, $0x1;
	v1 =	vand.u32 $0x2, v61  }
0x29: {  	[tilespmem:s20+$0x100] =	vst v62;
	v63 =	vor.u32 v3, v1  }
0x2a: {  	s19 =	simm.s32 $0x0;
	[tilespmem:s20+$0x200] =	vst v63  }
0x2b: {  	[tilespmem:s13], [sflag:$0x1] =	stream.indirect.gather [hbm4b:s5+s12], $0x80, s19, s12, $0xb8;
	[tilespmem:$0x18300] =	vst v63  }
0x2c: {  	_ = 	snop  }
0x2d: {  	[tilespmem:s14], [sflag:$0x2] =	stream.indirect.gather [hbm4b:s6+s12], $0x80, s12, s12, $0xb8;
	[tilespmem:$0x18300] =	vst v63  }
0x2e: {  	_ =	swait.ge [sflag:s15], $0x8000  }
0x2f: {  	[sflag:s15] =	ssyncset.done $0x0  }
0x30: {  	[sflag:s15] =	ssyncadd.s32 $0xFFFF8000  }
0x31: {  	_ =	swait.ge [sflag:s16], $0x8000  }
0x32: {  	[sflag:s16] =	ssyncset.done $0x0  }
0x33: {  	[sflag:s16] =	ssyncadd.s32 $0xFFFF8000  }
.LBB2_5:
0x34: {  	s20 =	sshll.u32 s19, $0x4  }
0x35: {  	s20 =	sand.u32 $0x3FFFFFF0, s20  }
0x36: {  	v0 =	vld [tilespmem:s20+$0x200];
	_ =	sdelay $0x4  }
0x37: {  	(v2sf) =	vpush v0, $0x0;
	_ =	sdelay $0xe  }
0x38: {  	s20 =	sshll.u32 s19, $0xB;
	s21 =	spop (v2sf)  }
0x39: {  	s22 =	sor.u32 $0x300, s20;
	s23 =	sor.u32 $0x340, s20;
	s24 =	sand.u32 $0x1, s21  }
0x3a: {  	s25 =	sadd.s32 $0x8300, s20;
	s21 =	sand.u32 $0xFFFFFFFE, s21;
	p1 =	seq.s32 s24, $0x1  }
0x3b: {  	s24 =	sadd.s32 $0x8340, s20;
	p2 =	seq.s32 s21, $0x2;
	s22 =	smov.u32 @p1 s23  }
0x3c: {  	s25 =	smov.u32 @p2 s24;
	v1 =	vld [tilespmem:s22+$0x0]  }
0x3d: {  	v2 =	vld [tilespmem:s25+$0x0];
	_ =	sdelay $0x4  }
0x3e: {  	v1 =	vmul.f32 v2, v1  }
0x3f: {  	s21 =	sor.u32 $0x310, s20;
	s22 =	sor.u32 $0x350, s20  }
0x40: {  	s23 =	sadd.s32 $0x8310, s20;
	s24 =	sadd.s32 $0x8350, s20;
	s21 =	smov.u32 @p1 s22;
	[tilespmem:s20+$0x10300] =	vst v1  }
0x41: {  	s23 =	smov.u32 @p2 s24;
	v1 =	vld [tilespmem:s21+$0x0]  }
0x42: {  	v61 =	vld [tilespmem:s23+$0x0];
	_ =	sdelay $0x4  }
0x43: {  	v1 =	vmul.f32 v61, v1  }
0x44: {  	s22 =	sor.u32 $0x360, s20;
	s21 =	sor.u32 $0x320, s20  }
0x45: {  	(v2sf) =	vpush v0, $0x1;
	s24 =	sadd.s32 $0x8360, s20;
	s23 =	sadd.s32 $0x8320, s20;
	s21 =	smov.u32 @p1 s22;
	[tilespmem:s20+$0x10310] =	vst v1  }
0x46: {  	s23 =	smov.u32 @p2 s24;
	v1 =	vld [tilespmem:s21+$0x0]  }
0x47: {  	v62 =	vld [tilespmem:s23+$0x0];
	_ =	sdelay $0x4  }
0x48: {  	v1 =	vmul.f32 v62, v1  }
0x49: {  	s22 =	sor.u32 $0x370, s20;
	s21 =	sor.u32 $0x330, s20  }
0x4a: {  	s24 =	sadd.s32 $0x8370, s20;
	s23 =	sadd.s32 $0x8330, s20;
	s21 =	smov.u32 @p1 s22;
	[tilespmem:s20+$0x10320] =	vst v1  }
0x4b: {  	s23 =	smov.u32 @p2 s24;
	v1 =	vld [tilespmem:s21+$0x0]  }
0x4c: {  	v63 =	vld [tilespmem:s23+$0x0];
	_ =	sdelay $0x3  }
0x4d: {  	s26 =	spop (v2sf)  }
0x4e: {  	s25 =	sadd.s32 $0x8380, s20;
	s28 =	sand.u32 $0x1, s26;
	s22 =	sor.u32 $0x380, s20;
	v1 =	vmul.f32 v63, v1  }
0x4f: {  	p1 =	seq.s32 s28, $0x1;
	s23 =	sor.u32 $0x3C0, s20;
	s21 =	sand.u32 $0xFFFFFFFE, s26  }
0x50: {  	s24 =	sadd.s32 $0x83C0, s20;
	s22 =	smov.u32 @p1 s23;
	p2 =	seq.s32 s21, $0x2;
	[tilespmem:s20+$0x10330] =	vst v1  }
0x51: {  	s25 =	smov.u32 @p2 s24;
	v1 =	vld [tilespmem:s22+$0x0]  }
0x52: {  	v4 =	vld [tilespmem:s25+$0x0];
	_ =	sdelay $0x4  }
0x53: {  	v1 =	vmul.f32 v4, v1  }
0x54: {  	s21 =	sor.u32 $0x390, s20;
	s22 =	sor.u32 $0x3D0, s20  }
0x55: {  	s23 =	sadd.s32 $0x8390, s20;
	s24 =	sadd.s32 $0x83D0, s20;
	s21 =	smov.u32 @p1 s22;
	[tilespmem:s20+$0x10380] =	vst v1  }
0x56: {  	s23 =	smov.u32 @p2 s24;
	v1 =	vld [tilespmem:s21+$0x0]  }
0x57: {  	v5 =	vld [tilespmem:s23+$0x0];
	_ =	sdelay $0x4  }
0x58: {  	v1 =	vmul.f32 v5, v1  }
0x59: {  	s22 =	sor.u32 $0x3E0, s20;
	s21 =	sor.u32 $0x3A0, s20  }
0x5a: {  	(v2sf) =	vpush v0, $0x2;
	s24 =	sadd.s32 $0x83E0, s20;
	s23 =	sadd.s32 $0x83A0, s20;
	s21 =	smov.u32 @p1 s22;
	[tilespmem:s20+$0x10390] =	vst v1  }
0x5b: {  	s23 =	smov.u32 @p2 s24;
	v1 =	vld [tilespmem:s21+$0x0]  }
0x5c: {  	v6 =	vld [tilespmem:s23+$0x0];
	_ =	sdelay $0x4  }
0x5d: {  	v1 =	vmul.f32 v6, v1  }
0x5e: {  	s22 =	sor.u32 $0x3F0, s20;
	s21 =	sor.u32 $0x3B0, s20  }
0x5f: {  	s24 =	sadd.s32 $0x83F0, s20;
	s23 =	sadd.s32 $0x83B0, s20;
	s21 =	smov.u32 @p1 s22;
	[tilespmem:s20+$0x103A0] =	vst v1  }
0x60: {  	s23 =	smov.u32 @p2 s24;
	v1 =	vld [tilespmem:s21+$0x0]  }
0x61: {  	v7 =	vld [tilespmem:s23+$0x0];
	_ =	sdelay $0x3  }
0x62: {  	s29 =	spop (v2sf)  }
0x63: {  	s30 =	sand.u32 $0x1, s29;
	s25 =	sadd.s32 $0x8400, s20;
	s22 =	sor.u32 $0x400, s20;
	v1 =	vmul.f32 v7, v1  }
0x64: {  	p1 =	seq.s32 s30, $0x1;
	s23 =	sor.u32 $0x440, s20;
	s21 =	sand.u32 $0xFFFFFFFE, s29  }
0x65: {  	s24 =	sadd.s32 $0x8440, s20;
	s22 =	smov.u32 @p1 s23;
	p2 =	seq.s32 s21, $0x2;
	[tilespmem:s20+$0x103B0] =	vst v1  }
0x66: {  	s25 =	smov.u32 @p2 s24;
	v1 =	vld [tilespmem:s22+$0x0]  }
0x67: {  	v8 =	vld [tilespmem:s25+$0x0];
	_ =	sdelay $0x4  }
0x68: {  	v1 =	vmul.f32 v8, v1  }
0x69: {  	s21 =	sor.u32 $0x410, s20;
	s22 =	sor.u32 $0x450, s20  }
0x6a: {  	s23 =	sadd.s32 $0x8410, s20;
	s24 =	sadd.s32 $0x8450, s20;
	s21 =	smov.u32 @p1 s22;
	[tilespmem:s20+$0x10400] =	vst v1  }
0x6b: {  	s23 =	smov.u32 @p2 s24;
	v1 =	vld [tilespmem:s21+$0x0]  }
0x6c: {  	v9 =	vld [tilespmem:s23+$0x0];
	_ =	sdelay $0x4  }
0x6d: {  	v1 =	vmul.f32 v9, v1  }
0x6e: {  	s22 =	sor.u32 $0x460, s20;
	s21 =	sor.u32 $0x420, s20  }
0x6f: {  	(v2sf) =	vpush v0, $0x3;
	s24 =	sadd.s32 $0x8460, s20;
	s23 =	sadd.s32 $0x8420, s20;
	s21 =	smov.u32 @p1 s22;
	[tilespmem:s20+$0x10410] =	vst v1  }
0x70: {  	s23 =	smov.u32 @p2 s24;
	v1 =	vld [tilespmem:s21+$0x0]  }
0x71: {  	v10 =	vld [tilespmem:s23+$0x0];
	_ =	sdelay $0x4  }
0x72: {  	v1 =	vmul.f32 v10, v1  }
0x73: {  	s22 =	sor.u32 $0x470, s20;
	s21 =	sor.u32 $0x430, s20  }
0x74: {  	s24 =	sadd.s32 $0x8470, s20;
	s23 =	sadd.s32 $0x8430, s20;
	s21 =	smov.u32 @p1 s22;
	[tilespmem:s20+$0x10420] =	vst v1  }
0x75: {  	s23 =	smov.u32 @p2 s24;
	v1 =	vld [tilespmem:s21+$0x0]  }
0x76: {  	v11 =	vld [tilespmem:s23+$0x0];
	_ =	sdelay $0x3  }
0x77: {  	s31 =	spop (v2sf)  }
0x78: {  	s26 =	sand.u32 $0x1, s31;
	s25 =	sadd.s32 $0x8480, s20;
	s22 =	sor.u32 $0x480, s20;
	v1 =	vmul.f32 v11, v1  }
0x79: {  	p1 =	seq.s32 s26, $0x1;
	s23 =	sor.u32 $0x4C0, s20;
	s21 =	sand.u32 $0xFFFFFFFE, s31  }
0x7a: {  	s24 =	sadd.s32 $0x84C0, s20;
	s22 =	smov.u32 @p1 s23;
	p2 =	seq.s32 s21, $0x2;
	[tilespmem:s20+$0x10430] =	vst v1  }
0x7b: {  	s25 =	smov.u32 @p2 s24;
	v1 =	vld [tilespmem:s22+$0x0]  }
0x7c: {  	v12 =	vld [tilespmem:s25+$0x0];
	_ =	sdelay $0x4  }
0x7d: {  	v1 =	vmul.f32 v12, v1  }
0x7e: {  	s21 =	sor.u32 $0x490, s20;
	s22 =	sor.u32 $0x4D0, s20  }
0x7f: {  	s23 =	sadd.s32 $0x8490, s20;
	s24 =	sadd.s32 $0x84D0, s20;
	s21 =	smov.u32 @p1 s22;
	[tilespmem:s20+$0x10480] =	vst v1  }
0x80: {  	s23 =	smov.u32 @p2 s24;
	v1 =	vld [tilespmem:s21+$0x0]  }
0x81: {  	v13 =	vld [tilespmem:s23+$0x0];
	_ =	sdelay $0x4  }
0x82: {  	v1 =	vmul.f32 v13, v1  }
0x83: {  	s22 =	sor.u32 $0x4E0, s20;
	s21 =	sor.u32 $0x4A0, s20  }
0x84: {  	(v2sf) =	vpush v0, $0x4;
	s24 =	sadd.s32 $0x84E0, s20;
	s23 =	sadd.s32 $0x84A0, s20;
	s21 =	smov.u32 @p1 s22;
	[tilespmem:s20+$0x10490] =	vst v1  }
0x85: {  	s23 =	smov.u32 @p2 s24;
	v1 =	vld [tilespmem:s21+$0x0]  }
0x86: {  	v14 =	vld [tilespmem:s23+$0x0];
	_ =	sdelay $0x4  }
0x87: {  	v1 =	vmul.f32 v14, v1  }
0x88: {  	s22 =	sor.u32 $0x4F0, s20;
	s21 =	sor.u32 $0x4B0, s20  }
0x89: {  	s24 =	sadd.s32 $0x84F0, s20;
	s23 =	sadd.s32 $0x84B0, s20;
	s21 =	smov.u32 @p1 s22;
	[tilespmem:s20+$0x104A0] =	vst v1  }
0x8a: {  	s23 =	smov.u32 @p2 s24;
	v1 =	vld [tilespmem:s21+$0x0]  }
0x8b: {  	v15 =	vld [tilespmem:s23+$0x0];
	_ =	sdelay $0x3  }
0x8c: {  	s28 =	spop (v2sf)  }
0x8d: {  	s29 =	sand.u32 $0x1, s28;
	s25 =	sadd.s32 $0x8500, s20;
	s22 =	sor.u32 $0x500, s20;
	v1 =	vmul.f32 v15, v1  }
0x8e: {  	p1 =	seq.s32 s29, $0x1;
	s23 =	sor.u32 $0x540, s20;
	s21 =	sand.u32 $0xFFFFFFFE, s28  }
0x8f: {  	s24 =	sadd.s32 $0x8540, s20;
	s22 =	smov.u32 @p1 s23;
	p2 =	seq.s32 s21, $0x2;
	[tilespmem:s20+$0x104B0] =	vst v1  }
0x90: {  	s25 =	smov.u32 @p2 s24;
	v1 =	vld [tilespmem:s22+$0x0]  }
0x91: {  	v16 =	vld [tilespmem:s25+$0x0];
	_ =	sdelay $0x4  }
0x92: {  	v1 =	vmul.f32 v16, v1  }
0x93: {  	s21 =	sor.u32 $0x510, s20;
	s22 =	sor.u32 $0x550, s20  }
0x94: {  	s23 =	sadd.s32 $0x8510, s20;
	s24 =	sadd.s32 $0x8550, s20;
	s21 =	smov.u32 @p1 s22;
	[tilespmem:s20+$0x10500] =	vst v1  }
0x95: {  	s23 =	smov.u32 @p2 s24;
	v1 =	vld [tilespmem:s21+$0x0]  }
0x96: {  	v17 =	vld [tilespmem:s23+$0x0];
	_ =	sdelay $0x4  }
0x97: {  	v1 =	vmul.f32 v17, v1  }
0x98: {  	s22 =	sor.u32 $0x560, s20;
	s21 =	sor.u32 $0x520, s20  }
0x99: {  	(v2sf) =	vpush v0, $0x5;
	s24 =	sadd.s32 $0x8560, s20;
	s23 =	sadd.s32 $0x8520, s20;
	s21 =	smov.u32 @p1 s22;
	[tilespmem:s20+$0x10510] =	vst v1  }
0x9a: {  	s23 =	smov.u32 @p2 s24;
	v1 =	vld [tilespmem:s21+$0x0]  }
0x9b: {  	v18 =	vld [tilespmem:s23+$0x0];
	_ =	sdelay $0x4  }
0x9c: {  	v1 =	vmul.f32 v18, v1  }
0x9d: {  	s22 =	sor.u32 $0x570, s20;
	s21 =	sor.u32 $0x530, s20  }
0x9e: {  	s24 =	sadd.s32 $0x8570, s20;
	s23 =	sadd.s32 $0x8530, s20;
	s21 =	smov.u32 @p1 s22;
	[tilespmem:s20+$0x10520] =	vst v1  }
0x9f: {  	s23 =	smov.u32 @p2 s24;
	v1 =	vld [tilespmem:s21+$0x0]  }
0xa0: {  	v19 =	vld [tilespmem:s23+$0x0];
	_ =	sdelay $0x3  }
0xa1: {  	s30 =	spop (v2sf)  }
0xa2: {  	s31 =	sand.u32 $0x1, s30;
	s25 =	sadd.s32 $0x8580, s20;
	s22 =	sor.u32 $0x580, s20;
	v1 =	vmul.f32 v19, v1  }
0xa3: {  	p1 =	seq.s32 s31, $0x1;
	s23 =	sor.u32 $0x5C0, s20;
	s21 =	sand.u32 $0xFFFFFFFE, s30  }
0xa4: {  	s24 =	sadd.s32 $0x85C0, s20;
	s22 =	smov.u32 @p1 s23;
	p2 =	seq.s32 s21, $0x2;
	[tilespmem:s20+$0x10530] =	vst v1  }
0xa5: {  	s25 =	smov.u32 @p2 s24;
	v1 =	vld [tilespmem:s22+$0x0]  }
0xa6: {  	v20 =	vld [tilespmem:s25+$0x0];
	_ =	sdelay $0x4  }
0xa7: {  	v1 =	vmul.f32 v20, v1  }
0xa8: {  	s21 =	sor.u32 $0x590, s20;
	s22 =	sor.u32 $0x5D0, s20  }
0xa9: {  	s23 =	sadd.s32 $0x8590, s20;
	s24 =	sadd.s32 $0x85D0, s20;
	s21 =	smov.u32 @p1 s22;
	[tilespmem:s20+$0x10580] =	vst v1  }
0xaa: {  	s23 =	smov.u32 @p2 s24;
	v1 =	vld [tilespmem:s21+$0x0]  }
0xab: {  	v21 =	vld [tilespmem:s23+$0x0];
	_ =	sdelay $0x4  }
0xac: {  	v1 =	vmul.f32 v21, v1  }
0xad: {  	s22 =	sor.u32 $0x5E0, s20;
	s21 =	sor.u32 $0x5A0, s20  }
0xae: {  	(v2sf) =	vpush v0, $0x6;
	s24 =	sadd.s32 $0x85E0, s20;
	s23 =	sadd.s32 $0x85A0, s20;
	s21 =	smov.u32 @p1 s22;
	[tilespmem:s20+$0x10590] =	vst v1  }
0xaf: {  	s23 =	smov.u32 @p2 s24;
	v1 =	vld [tilespmem:s21+$0x0]  }
0xb0: {  	v22 =	vld [tilespmem:s23+$0x0];
	_ =	sdelay $0x4  }
0xb1: {  	v1 =	vmul.f32 v22, v1  }
0xb2: {  	s22 =	sor.u32 $0x5F0, s20;
	s21 =	sor.u32 $0x5B0, s20  }
0xb3: {  	s24 =	sadd.s32 $0x85F0, s20;
	s23 =	sadd.s32 $0x85B0, s20;
	s21 =	smov.u32 @p1 s22;
	[tilespmem:s20+$0x105A0] =	vst v1  }
0xb4: {  	s23 =	smov.u32 @p2 s24;
	v1 =	vld [tilespmem:s21+$0x0]  }
0xb5: {  	v23 =	vld [tilespmem:s23+$0x0];
	_ =	sdelay $0x3  }
0xb6: {  	s26 =	spop (v2sf)  }
0xb7: {  	s28 =	sand.u32 $0x1, s26;
	s25 =	sadd.s32 $0x8600, s20;
	s22 =	sor.u32 $0x600, s20;
	v1 =	vmul.f32 v23, v1  }
0xb8: {  	p1 =	seq.s32 s28, $0x1;
	s23 =	sor.u32 $0x640, s20;
	s21 =	sand.u32 $0xFFFFFFFE, s26  }
0xb9: {  	s24 =	sadd.s32 $0x8640, s20;
	s22 =	smov.u32 @p1 s23;
	p2 =	seq.s32 s21, $0x2;
	[tilespmem:s20+$0x105B0] =	vst v1  }
0xba: {  	s25 =	smov.u32 @p2 s24;
	v1 =	vld [tilespmem:s22+$0x0]  }
0xbb: {  	v24 =	vld [tilespmem:s25+$0x0];
	_ =	sdelay $0x4  }
0xbc: {  	v1 =	vmul.f32 v24, v1  }
0xbd: {  	s21 =	sor.u32 $0x610, s20;
	s22 =	sor.u32 $0x650, s20  }
0xbe: {  	s23 =	sadd.s32 $0x8610, s20;
	s24 =	sadd.s32 $0x8650, s20;
	s21 =	smov.u32 @p1 s22;
	[tilespmem:s20+$0x10600] =	vst v1  }
0xbf: {  	s23 =	smov.u32 @p2 s24;
	v1 =	vld [tilespmem:s21+$0x0]  }
0xc0: {  	v25 =	vld [tilespmem:s23+$0x0];
	_ =	sdelay $0x4  }
0xc1: {  	v1 =	vmul.f32 v25, v1  }
0xc2: {  	s22 =	sor.u32 $0x660, s20;
	s21 =	sor.u32 $0x620, s20  }
0xc3: {  	(v2sf) =	vpush v0, $0x7;
	s24 =	sadd.s32 $0x8660, s20;
	s23 =	sadd.s32 $0x8620, s20;
	s21 =	smov.u32 @p1 s22;
	[tilespmem:s20+$0x10610] =	vst v1  }
0xc4: {  	s23 =	smov.u32 @p2 s24;
	v1 =	vld [tilespmem:s21+$0x0]  }
0xc5: {  	v26 =	vld [tilespmem:s23+$0x0];
	_ =	sdelay $0x4  }
0xc6: {  	v1 =	vmul.f32 v26, v1  }
0xc7: {  	s22 =	sor.u32 $0x670, s20;
	s21 =	sor.u32 $0x630, s20  }
0xc8: {  	s24 =	sadd.s32 $0x8670, s20;
	s23 =	sadd.s32 $0x8630, s20;
	s21 =	smov.u32 @p1 s22;
	[tilespmem:s20+$0x10620] =	vst v1  }
0xc9: {  	s23 =	smov.u32 @p2 s24;
	v1 =	vld [tilespmem:s21+$0x0]  }
0xca: {  	v27 =	vld [tilespmem:s23+$0x0];
	_ =	sdelay $0x3  }
0xcb: {  	s29 =	spop (v2sf)  }
0xcc: {  	s30 =	sand.u32 $0x1, s29;
	s25 =	sadd.s32 $0x8680, s20;
	s22 =	sor.u32 $0x680, s20;
	v1 =	vmul.f32 v27, v1  }
0xcd: {  	p1 =	seq.s32 s30, $0x1;
	s23 =	sor.u32 $0x6C0, s20;
	s21 =	sand.u32 $0xFFFFFFFE, s29  }
0xce: {  	s24 =	sadd.s32 $0x86C0, s20;
	s22 =	smov.u32 @p1 s23;
	p2 =	seq.s32 s21, $0x2;
	[tilespmem:s20+$0x10630] =	vst v1  }
0xcf: {  	s25 =	smov.u32 @p2 s24;
	v1 =	vld [tilespmem:s22+$0x0]  }
0xd0: {  	v28 =	vld [tilespmem:s25+$0x0];
	_ =	sdelay $0x4  }
0xd1: {  	v1 =	vmul.f32 v28, v1  }
0xd2: {  	s21 =	sor.u32 $0x690, s20;
	s22 =	sor.u32 $0x6D0, s20  }
0xd3: {  	s23 =	sadd.s32 $0x8690, s20;
	s24 =	sadd.s32 $0x86D0, s20;
	s21 =	smov.u32 @p1 s22;
	[tilespmem:s20+$0x10680] =	vst v1  }
0xd4: {  	s23 =	smov.u32 @p2 s24;
	v1 =	vld [tilespmem:s21+$0x0]  }
0xd5: {  	v29 =	vld [tilespmem:s23+$0x0];
	_ =	sdelay $0x4  }
0xd6: {  	v1 =	vmul.f32 v29, v1  }
0xd7: {  	s22 =	sor.u32 $0x6E0, s20;
	s21 =	sor.u32 $0x6A0, s20  }
0xd8: {  	(v2sf) =	vpush v0, $0x8;
	s24 =	sadd.s32 $0x86E0, s20;
	s23 =	sadd.s32 $0x86A0, s20;
	s21 =	smov.u32 @p1 s22;
	[tilespmem:s20+$0x10690] =	vst v1  }
0xd9: {  	s23 =	smov.u32 @p2 s24;
	v1 =	vld [tilespmem:s21+$0x0]  }
0xda: {  	v30 =	vld [tilespmem:s23+$0x0];
	_ =	sdelay $0x4  }
0xdb: {  	v1 =	vmul.f32 v30, v1  }
0xdc: {  	s22 =	sor.u32 $0x6F0, s20;
	s21 =	sor.u32 $0x6B0, s20  }
0xdd: {  	s24 =	sadd.s32 $0x86F0, s20;
	s23 =	sadd.s32 $0x86B0, s20;
	s21 =	smov.u32 @p1 s22;
	[tilespmem:s20+$0x106A0] =	vst v1  }
0xde: {  	s23 =	smov.u32 @p2 s24;
	v1 =	vld [tilespmem:s21+$0x0]  }
0xdf: {  	v31 =	vld [tilespmem:s23+$0x0];
	_ =	sdelay $0x3  }
0xe0: {  	s31 =	spop (v2sf)  }
0xe1: {  	s26 =	sand.u32 $0x1, s31;
	s25 =	sadd.s32 $0x8700, s20;
	s22 =	sor.u32 $0x700, s20;
	v1 =	vmul.f32 v31, v1  }
0xe2: {  	p1 =	seq.s32 s26, $0x1;
	s23 =	sor.u32 $0x740, s20;
	s21 =	sand.u32 $0xFFFFFFFE, s31  }
0xe3: {  	s24 =	sadd.s32 $0x8740, s20;
	s22 =	smov.u32 @p1 s23;
	p2 =	seq.s32 s21, $0x2;
	[tilespmem:s20+$0x106B0] =	vst v1  }
0xe4: {  	s25 =	smov.u32 @p2 s24;
	v1 =	vld [tilespmem:s22+$0x0]  }
0xe5: {  	v32 =	vld [tilespmem:s25+$0x0];
	_ =	sdelay $0x4  }
0xe6: {  	v1 =	vmul.f32 v32, v1  }
0xe7: {  	s21 =	sor.u32 $0x710, s20;
	s22 =	sor.u32 $0x750, s20  }
0xe8: {  	s23 =	sadd.s32 $0x8710, s20;
	s24 =	sadd.s32 $0x8750, s20;
	s21 =	smov.u32 @p1 s22;
	[tilespmem:s20+$0x10700] =	vst v1  }
0xe9: {  	s23 =	smov.u32 @p2 s24;
	v1 =	vld [tilespmem:s21+$0x0]  }
0xea: {  	v33 =	vld [tilespmem:s23+$0x0];
	_ =	sdelay $0x4  }
0xeb: {  	v1 =	vmul.f32 v33, v1  }
0xec: {  	s22 =	sor.u32 $0x760, s20;
	s21 =	sor.u32 $0x720, s20  }
0xed: {  	(v2sf) =	vpush v0, $0x9;
	s24 =	sadd.s32 $0x8760, s20;
	s23 =	sadd.s32 $0x8720, s20;
	s21 =	smov.u32 @p1 s22;
	[tilespmem:s20+$0x10710] =	vst v1  }
0xee: {  	s23 =	smov.u32 @p2 s24;
	v1 =	vld [tilespmem:s21+$0x0]  }
0xef: {  	v34 =	vld [tilespmem:s23+$0x0];
	_ =	sdelay $0x4  }
0xf0: {  	v1 =	vmul.f32 v34, v1  }
0xf1: {  	s22 =	sor.u32 $0x770, s20;
	s21 =	sor.u32 $0x730, s20  }
0xf2: {  	s24 =	sadd.s32 $0x8770, s20;
	s23 =	sadd.s32 $0x8730, s20;
	s21 =	smov.u32 @p1 s22;
	[tilespmem:s20+$0x10720] =	vst v1  }
0xf3: {  	s23 =	smov.u32 @p2 s24;
	v1 =	vld [tilespmem:s21+$0x0]  }
0xf4: {  	v35 =	vld [tilespmem:s23+$0x0];
	_ =	sdelay $0x3  }
0xf5: {  	s28 =	spop (v2sf)  }
0xf6: {  	s29 =	sand.u32 $0x1, s28;
	s25 =	sadd.s32 $0x8780, s20;
	s22 =	sor.u32 $0x780, s20;
	v1 =	vmul.f32 v35, v1  }
0xf7: {  	p1 =	seq.s32 s29, $0x1;
	s23 =	sor.u32 $0x7C0, s20;
	s21 =	sand.u32 $0xFFFFFFFE, s28  }
0xf8: {  	s24 =	sadd.s32 $0x87C0, s20;
	s22 =	smov.u32 @p1 s23;
	p2 =	seq.s32 s21, $0x2;
	[tilespmem:s20+$0x10730] =	vst v1  }
0xf9: {  	s25 =	smov.u32 @p2 s24;
	v1 =	vld [tilespmem:s22+$0x0]  }
0xfa: {  	v36 =	vld [tilespmem:s25+$0x0];
	_ =	sdelay $0x4  }
0xfb: {  	v1 =	vmul.f32 v36, v1  }
0xfc: {  	s21 =	sor.u32 $0x790, s20;
	s22 =	sor.u32 $0x7D0, s20  }
0xfd: {  	s23 =	sadd.s32 $0x8790, s20;
	s24 =	sadd.s32 $0x87D0, s20;
	s21 =	smov.u32 @p1 s22;
	[tilespmem:s20+$0x10780] =	vst v1  }
0xfe: {  	s23 =	smov.u32 @p2 s24;
	v1 =	vld [tilespmem:s21+$0x0]  }
0xff: {  	v37 =	vld [tilespmem:s23+$0x0];
	_ =	sdelay $0x4  }
0x100: {  	v1 =	vmul.f32 v37, v1  }
0x101: {  	s22 =	sor.u32 $0x7E0, s20;
	s21 =	sor.u32 $0x7A0, s20  }
0x102: {  	(v2sf) =	vpush v0, $0xA;
	s24 =	sadd.s32 $0x87E0, s20;
	s23 =	sadd.s32 $0x87A0, s20;
	s21 =	smov.u32 @p1 s22;
	[tilespmem:s20+$0x10790] =	vst v1  }
0x103: {  	s23 =	smov.u32 @p2 s24;
	v1 =	vld [tilespmem:s21+$0x0]  }
0x104: {  	v38 =	vld [tilespmem:s23+$0x0];
	_ =	sdelay $0x4  }
0x105: {  	v1 =	vmul.f32 v38, v1  }
0x106: {  	s22 =	sor.u32 $0x7F0, s20;
	s21 =	sor.u32 $0x7B0, s20  }
0x107: {  	s24 =	sadd.s32 $0x87F0, s20;
	s23 =	sadd.s32 $0x87B0, s20;
	s21 =	smov.u32 @p1 s22;
	[tilespmem:s20+$0x107A0] =	vst v1  }
0x108: {  	s23 =	smov.u32 @p2 s24;
	v1 =	vld [tilespmem:s21+$0x0]  }
0x109: {  	v39 =	vld [tilespmem:s23+$0x0];
	_ =	sdelay $0x3  }
0x10a: {  	s30 =	spop (v2sf)  }
0x10b: {  	s31 =	sand.u32 $0x1, s30;
	s25 =	sadd.s32 $0x8800, s20;
	s22 =	sadd.s32 $0x800, s20;
	v1 =	vmul.f32 v39, v1  }
0x10c: {  	p1 =	seq.s32 s31, $0x1;
	s23 =	sadd.s32 $0x840, s20;
	s21 =	sand.u32 $0xFFFFFFFE, s30  }
0x10d: {  	s24 =	sadd.s32 $0x8840, s20;
	s22 =	smov.u32 @p1 s23;
	p2 =	seq.s32 s21, $0x2;
	[tilespmem:s20+$0x107B0] =	vst v1  }
0x10e: {  	s25 =	smov.u32 @p2 s24;
	v1 =	vld [tilespmem:s22+$0x0]  }
0x10f: {  	v40 =	vld [tilespmem:s25+$0x0];
	_ =	sdelay $0x4  }
0x110: {  	v1 =	vmul.f32 v40, v1  }
0x111: {  	s21 =	sadd.s32 $0x810, s20;
	s22 =	sadd.s32 $0x850, s20  }
0x112: {  	s23 =	sadd.s32 $0x8810, s20;
	s24 =	sadd.s32 $0x8850, s20;
	s21 =	smov.u32 @p1 s22;
	[tilespmem:s20+$0x10800] =	vst v1  }
0x113: {  	s23 =	smov.u32 @p2 s24;
	v1 =	vld [tilespmem:s21+$0x0]  }
0x114: {  	v41 =	vld [tilespmem:s23+$0x0];
	_ =	sdelay $0x4  }
0x115: {  	v1 =	vmul.f32 v41, v1  }
0x116: {  	s22 =	sadd.s32 $0x860, s20;
	s21 =	sadd.s32 $0x820, s20  }
0x117: {  	(v2sf) =	vpush v0, $0xB;
	s24 =	sadd.s32 $0x8860, s20;
	s23 =	sadd.s32 $0x8820, s20;
	s21 =	smov.u32 @p1 s22;
	[tilespmem:s20+$0x10810] =	vst v1  }
0x118: {  	s23 =	smov.u32 @p2 s24;
	v1 =	vld [tilespmem:s21+$0x0]  }
0x119: {  	v42 =	vld [tilespmem:s23+$0x0];
	_ =	sdelay $0x4  }
0x11a: {  	v1 =	vmul.f32 v42, v1  }
0x11b: {  	s22 =	sadd.s32 $0x870, s20;
	s21 =	sadd.s32 $0x830, s20  }
0x11c: {  	s24 =	sadd.s32 $0x8870, s20;
	s23 =	sadd.s32 $0x8830, s20;
	s21 =	smov.u32 @p1 s22;
	[tilespmem:s20+$0x10820] =	vst v1  }
0x11d: {  	s23 =	smov.u32 @p2 s24;
	v1 =	vld [tilespmem:s21+$0x0]  }
0x11e: {  	v43 =	vld [tilespmem:s23+$0x0];
	_ =	sdelay $0x3  }
0x11f: {  	s26 =	spop (v2sf)  }
0x120: {  	s28 =	sand.u32 $0x1, s26;
	s25 =	sadd.s32 $0x8880, s20;
	s22 =	sadd.s32 $0x880, s20;
	v1 =	vmul.f32 v43, v1  }
0x121: {  	p1 =	seq.s32 s28, $0x1;
	s23 =	sadd.s32 $0x8C0, s20;
	s21 =	sand.u32 $0xFFFFFFFE, s26  }
0x122: {  	s24 =	sadd.s32 $0x88C0, s20;
	s22 =	smov.u32 @p1 s23;
	p2 =	seq.s32 s21, $0x2;
	[tilespmem:s20+$0x10830] =	vst v1  }
0x123: {  	s25 =	smov.u32 @p2 s24;
	v1 =	vld [tilespmem:s22+$0x0]  }
0x124: {  	v44 =	vld [tilespmem:s25+$0x0];
	_ =	sdelay $0x4  }
0x125: {  	v1 =	vmul.f32 v44, v1  }
0x126: {  	s21 =	sadd.s32 $0x890, s20;
	s22 =	sadd.s32 $0x8D0, s20  }
0x127: {  	s23 =	sadd.s32 $0x8890, s20;
	s24 =	sadd.s32 $0x88D0, s20;
	s21 =	smov.u32 @p1 s22;
	[tilespmem:s20+$0x10880] =	vst v1  }
0x128: {  	s23 =	smov.u32 @p2 s24;
	v1 =	vld [tilespmem:s21+$0x0]  }
0x129: {  	v45 =	vld [tilespmem:s23+$0x0];
	_ =	sdelay $0x4  }
0x12a: {  	v1 =	vmul.f32 v45, v1  }
0x12b: {  	s22 =	sadd.s32 $0x8E0, s20;
	s21 =	sadd.s32 $0x8A0, s20  }
0x12c: {  	(v2sf) =	vpush v0, $0xC;
	s24 =	sadd.s32 $0x88E0, s20;
	s23 =	sadd.s32 $0x88A0, s20;
	s21 =	smov.u32 @p1 s22;
	[tilespmem:s20+$0x10890] =	vst v1  }
0x12d: {  	s23 =	smov.u32 @p2 s24;
	v1 =	vld [tilespmem:s21+$0x0]  }
0x12e: {  	v46 =	vld [tilespmem:s23+$0x0];
	_ =	sdelay $0x4  }
0x12f: {  	v1 =	vmul.f32 v46, v1  }
0x130: {  	s22 =	sadd.s32 $0x8F0, s20;
	s21 =	sadd.s32 $0x8B0, s20  }
0x131: {  	s24 =	sadd.s32 $0x88F0, s20;
	s23 =	sadd.s32 $0x88B0, s20;
	s21 =	smov.u32 @p1 s22;
	[tilespmem:s20+$0x108A0] =	vst v1  }
0x132: {  	s23 =	smov.u32 @p2 s24;
	v1 =	vld [tilespmem:s21+$0x0]  }
0x133: {  	v47 =	vld [tilespmem:s23+$0x0];
	_ =	sdelay $0x3  }
0x134: {  	s29 =	spop (v2sf)  }
0x135: {  	s30 =	sand.u32 $0x1, s29;
	s25 =	sadd.s32 $0x8900, s20;
	s22 =	sadd.s32 $0x900, s20;
	v1 =	vmul.f32 v47, v1  }
0x136: {  	p1 =	seq.s32 s30, $0x1;
	s23 =	sadd.s32 $0x940, s20;
	s21 =	sand.u32 $0xFFFFFFFE, s29  }
0x137: {  	s24 =	sadd.s32 $0x8940, s20;
	s22 =	smov.u32 @p1 s23;
	p2 =	seq.s32 s21, $0x2;
	[tilespmem:s20+$0x108B0] =	vst v1  }
0x138: {  	s25 =	smov.u32 @p2 s24;
	v1 =	vld [tilespmem:s22+$0x0]  }
0x139: {  	v48 =	vld [tilespmem:s25+$0x0];
	_ =	sdelay $0x4  }
0x13a: {  	v1 =	vmul.f32 v48, v1  }
0x13b: {  	s21 =	sadd.s32 $0x910, s20;
	s22 =	sadd.s32 $0x950, s20  }
0x13c: {  	s23 =	sadd.s32 $0x8910, s20;
	s24 =	sadd.s32 $0x8950, s20;
	s21 =	smov.u32 @p1 s22;
	[tilespmem:s20+$0x10900] =	vst v1  }
0x13d: {  	s23 =	smov.u32 @p2 s24;
	v1 =	vld [tilespmem:s21+$0x0]  }
0x13e: {  	v49 =	vld [tilespmem:s23+$0x0];
	_ =	sdelay $0x4  }
0x13f: {  	v1 =	vmul.f32 v49, v1  }
0x140: {  	s22 =	sadd.s32 $0x960, s20;
	s21 =	sadd.s32 $0x920, s20  }
0x141: {  	(v2sf) =	vpush v0, $0xD;
	s24 =	sadd.s32 $0x8960, s20;
	s23 =	sadd.s32 $0x8920, s20;
	s21 =	smov.u32 @p1 s22;
	[tilespmem:s20+$0x10910] =	vst v1  }
0x142: {  	s23 =	smov.u32 @p2 s24;
	v1 =	vld [tilespmem:s21+$0x0]  }
0x143: {  	v50 =	vld [tilespmem:s23+$0x0];
	_ =	sdelay $0x4  }
0x144: {  	v1 =	vmul.f32 v50, v1  }
0x145: {  	s22 =	sadd.s32 $0x970, s20;
	s21 =	sadd.s32 $0x930, s20  }
0x146: {  	s24 =	sadd.s32 $0x8970, s20;
	s23 =	sadd.s32 $0x8930, s20;
	s21 =	smov.u32 @p1 s22;
	[tilespmem:s20+$0x10920] =	vst v1  }
0x147: {  	s23 =	smov.u32 @p2 s24;
	v1 =	vld [tilespmem:s21+$0x0]  }
0x148: {  	v51 =	vld [tilespmem:s23+$0x0];
	_ =	sdelay $0x3  }
0x149: {  	s31 =	spop (v2sf)  }
0x14a: {  	s26 =	sand.u32 $0x1, s31;
	s25 =	sadd.s32 $0x8980, s20;
	s22 =	sadd.s32 $0x980, s20;
	v1 =	vmul.f32 v51, v1  }
0x14b: {  	p1 =	seq.s32 s26, $0x1;
	s23 =	sadd.s32 $0x9C0, s20;
	s21 =	sand.u32 $0xFFFFFFFE, s31  }
0x14c: {  	s24 =	sadd.s32 $0x89C0, s20;
	s22 =	smov.u32 @p1 s23;
	p2 =	seq.s32 s21, $0x2;
	[tilespmem:s20+$0x10930] =	vst v1  }
0x14d: {  	s25 =	smov.u32 @p2 s24;
	v1 =	vld [tilespmem:s22+$0x0]  }
0x14e: {  	v52 =	vld [tilespmem:s25+$0x0];
	_ =	sdelay $0x4  }
0x14f: {  	v1 =	vmul.f32 v52, v1  }
0x150: {  	s21 =	sadd.s32 $0x990, s20;
	s22 =	sadd.s32 $0x9D0, s20  }
0x151: {  	s23 =	sadd.s32 $0x8990, s20;
	s24 =	sadd.s32 $0x89D0, s20;
	s21 =	smov.u32 @p1 s22;
	[tilespmem:s20+$0x10980] =	vst v1  }
0x152: {  	s23 =	smov.u32 @p2 s24;
	v1 =	vld [tilespmem:s21+$0x0]  }
0x153: {  	v53 =	vld [tilespmem:s23+$0x0];
	_ =	sdelay $0x4  }
0x154: {  	v1 =	vmul.f32 v53, v1  }
0x155: {  	s22 =	sadd.s32 $0x9E0, s20;
	s21 =	sadd.s32 $0x9A0, s20  }
0x156: {  	(v2sf) =	vpush v0, $0xE;
	s24 =	sadd.s32 $0x89E0, s20;
	s23 =	sadd.s32 $0x89A0, s20;
	s21 =	smov.u32 @p1 s22;
	[tilespmem:s20+$0x10990] =	vst v1  }
0x157: {  	s23 =	smov.u32 @p2 s24;
	v1 =	vld [tilespmem:s21+$0x0]  }
0x158: {  	v54 =	vld [tilespmem:s23+$0x0];
	_ =	sdelay $0x4  }
0x159: {  	v1 =	vmul.f32 v54, v1  }
0x15a: {  	s22 =	sadd.s32 $0x9F0, s20;
	s21 =	sadd.s32 $0x9B0, s20  }
0x15b: {  	s24 =	sadd.s32 $0x89F0, s20;
	s23 =	sadd.s32 $0x89B0, s20;
	s21 =	smov.u32 @p1 s22;
	[tilespmem:s20+$0x109A0] =	vst v1  }
0x15c: {  	s23 =	smov.u32 @p2 s24;
	v1 =	vld [tilespmem:s21+$0x0]  }
0x15d: {  	v55 =	vld [tilespmem:s23+$0x0];
	_ =	sdelay $0x3  }
0x15e: {  	s28 =	spop (v2sf)  }
0x15f: {  	s29 =	sand.u32 $0x1, s28;
	s25 =	sadd.s32 $0x8A00, s20;
	s22 =	sadd.s32 $0xA00, s20;
	v1 =	vmul.f32 v55, v1  }
0x160: {  	p1 =	seq.s32 s29, $0x1;
	s23 =	sadd.s32 $0xA40, s20;
	s21 =	sand.u32 $0xFFFFFFFE, s28  }
0x161: {  	s24 =	sadd.s32 $0x8A40, s20;
	s22 =	smov.u32 @p1 s23;
	p2 =	seq.s32 s21, $0x2;
	[tilespmem:s20+$0x109B0] =	vst v1  }
0x162: {  	s25 =	smov.u32 @p2 s24;
	v1 =	vld [tilespmem:s22+$0x0]  }
0x163: {  	v56 =	vld [tilespmem:s25+$0x0];
	_ =	sdelay $0x4  }
0x164: {  	v1 =	vmul.f32 v56, v1  }
0x165: {  	s21 =	sadd.s32 $0xA10, s20;
	s22 =	sadd.s32 $0xA50, s20  }
0x166: {  	s23 =	sadd.s32 $0x8A10, s20;
	s24 =	sadd.s32 $0x8A50, s20;
	s21 =	smov.u32 @p1 s22;
	[tilespmem:s20+$0x10A00] =	vst v1  }
0x167: {  	s23 =	smov.u32 @p2 s24;
	v1 =	vld [tilespmem:s21+$0x0]  }
0x168: {  	v57 =	vld [tilespmem:s23+$0x0];
	_ =	sdelay $0x4  }
0x169: {  	v1 =	vmul.f32 v57, v1  }
0x16a: {  	s22 =	sadd.s32 $0xA60, s20;
	s21 =	sadd.s32 $0xA20, s20  }
0x16b: {  	(v2sf) =	vpush v0, $0xF;
	s24 =	sadd.s32 $0x8A60, s20;
	s23 =	sadd.s32 $0x8A20, s20;
	s21 =	smov.u32 @p1 s22;
	[tilespmem:s20+$0x10A10] =	vst v1  }
0x16c: {  	s23 =	smov.u32 @p2 s24;
	v58 =	vld [tilespmem:s21+$0x0]  }
0x16d: {  	v1 =	vld [tilespmem:s23+$0x0];
	_ =	sdelay $0x4  }
0x16e: {  	v0 =	vmul.f32 v1, v58  }
0x16f: {  	s22 =	sadd.s32 $0xA70, s20;
	s21 =	sadd.s32 $0xA30, s20  }
0x170: {  	s24 =	sadd.s32 $0x8A70, s20;
	s23 =	sadd.s32 $0x8A30, s20;
	s21 =	smov.u32 @p1 s22;
	[tilespmem:s20+$0x10A20] =	vst v0  }
0x171: {  	s23 =	smov.u32 @p2 s24;
	v0 =	vld [tilespmem:s21+$0x0]  }
0x172: {  	v59 =	vld [tilespmem:s23+$0x0];
	_ =	sdelay $0x3  }
0x173: {  	s30 =	spop (v2sf)  }
0x174: {  	s31 =	sand.u32 $0x1, s30;
	s25 =	sadd.s32 $0x8A80, s20;
	s22 =	sadd.s32 $0xA80, s20;
	v0 =	vmul.f32 v59, v0  }
0x175: {  	p1 =	seq.s32 s31, $0x1;
	s23 =	sadd.s32 $0xAC0, s20;
	s21 =	sand.u32 $0xFFFFFFFE, s30  }
0x176: {  	s24 =	sadd.s32 $0x8AC0, s20;
	s22 =	smov.u32 @p1 s23;
	p2 =	seq.s32 s21, $0x2;
	[tilespmem:s20+$0x10A30] =	vst v0  }
0x177: {  	s25 =	smov.u32 @p2 s24;
	v0 =	vld [tilespmem:s22+$0x0]  }
0x178: {  	v60 =	vld [tilespmem:s25+$0x0];
	_ =	sdelay $0x4  }
0x179: {  	v0 =	vmul.f32 v60, v0  }
0x17a: {  	s21 =	sadd.s32 $0xA90, s20;
	s22 =	sadd.s32 $0xAD0, s20  }
0x17b: {  	s23 =	sadd.s32 $0x8A90, s20;
	s24 =	sadd.s32 $0x8AD0, s20;
	s21 =	smov.u32 @p1 s22;
	[tilespmem:s20+$0x10A80] =	vst v0  }
0x17c: {  	s23 =	smov.u32 @p2 s24;
	v0 =	vld [tilespmem:s21+$0x0]  }
0x17d: {  	v61 =	vld [tilespmem:s23+$0x0];
	_ =	sdelay $0x4  }
0x17e: {  	v0 =	vmul.f32 v61, v0  }
0x17f: {  	s22 =	sadd.s32 $0xAE0, s20;
	s21 =	sadd.s32 $0xAA0, s20  }
0x180: {  	s24 =	sadd.s32 $0x8AE0, s20;
	s23 =	sadd.s32 $0x8AA0, s20;
	s21 =	smov.u32 @p1 s22;
	[tilespmem:s20+$0x10A90] =	vst v0  }
0x181: {  	s23 =	smov.u32 @p2 s24;
	v0 =	vld [tilespmem:s21+$0x0]  }
0x182: {  	v62 =	vld [tilespmem:s23+$0x0];
	_ =	sdelay $0x4  }
0x183: {  	v0 =	vmul.f32 v62, v0  }
0x184: {  	s22 =	sadd.s32 $0xAF0, s20;
	s21 =	sadd.s32 $0xAB0, s20  }
0x185: {  	s24 =	sadd.s32 $0x8AF0, s20;
	s23 =	sadd.s32 $0x8AB0, s20;
	s21 =	smov.u32 @p1 s22;
	[tilespmem:s20+$0x10AA0] =	vst v0  }
0x186: {  	s23 =	smov.u32 @p2 s24;
	v0 =	vld [tilespmem:s21+$0x0]  }
0x187: {  	v63 =	vld [tilespmem:s23+$0x0];
	_ =	sdelay $0x1  }
0x188: {  	p1 =	sne.s32 s19, $0xF  }
.Ltmp1:
0x189: {  	_ = 	snop;
	(pc) =	sbr.rel @p1 .LBB2_5-.Ltmp1, $3  }
0x18a: {  	_ = 	snop  }
0x18b: {  	v0 =	vmul.f32 v63, v0;
	_ =	sdelay $0x1  }
0x18c: {  	s19 =	sadd.s32 $0x1, s19;
	[tilespmem:s20+$0x10AB0] =	vst v0  }
0x18d: {  	s18 =	sshll.u32 s18, $0x4  }
0x18e: {  	s19 =	simm.s32 $0x0;
	s18 =	sadd.s32 s18, s10  }
0x18f: {  	s19 =	sand.u32 $0x70, s19;
	s20 =	sadd.s32 $0x0, s18  }
0x190: {  	s21 =	sadd.s32 s7, s19;
	s20 =	sand.u32 $0xFFFFF80, s20  }
0x191: {  	s19 =	simm.s32 $0x10300;
	s20 =	sadd.s32 s20, s21  }
0x192: {  	[hbm4b:s20+s3] =	stream.linear.scatter [tilespmem:s19], [sflag:$0x1], $0x80, $0x38;
	[tilespmem:$0x18300] =	vst v63  }
0x193: {  	s20 =	simm.s32 $0x10  }
.LBB2_7:
0x194: {  	p1 =	sne.s32 s20, $0xFF0  }
.Ltmp2:
0x195: {  	s21 =	sadd.s32 s20, s18;
	(pc) =	sbr.rel @p1 .LBB2_7-.Ltmp2, $4  }
0x196: {  	s22 =	sand.u32 $0x70, s20;
	s20 =	sadd.s32 $0x10, s20  }
0x197: {  	s21 =	sand.u32 $0xFFFFF80, s21;
	s22 =	sadd.s32 s7, s22  }
0x198: {  	s19 =	sadd.s32 $0x80, s19;
	s21 =	sadd.s32 s21, s22  }
0x199: {  	[hbm4b:s21+s3] =	stream.linear.scatter [tilespmem:s19], [sflag:$0x1], $0x80, $0x38;
	[tilespmem:$0x18300] =	vst v63  }
.Ltmp3:
0x19a: {  	(pc) =	sbr.rel @p0 .LBB2_2-.Ltmp3, $4  }
0x19b: {  	_ = 	snop  }
0x19c: {  	_ =	swait.ge [sflag:s15], $0x8000  }
0x19d: {  	[sflag:s15] =	ssyncset.done $0x0  }
0x19e: {  	s18 =	simm.s32 $0x100;
	p1 =	por $0x0, $0x0;
	[sflag:s15] =	ssyncadd.s32 $0xFFFF8000  }
0x19f: {  	s17 =	sadd.s32 $0x1, s17  }
0x1a0: {  	p0 =	sne.s32 s17, s9  }
.Ltmp4:
0x1a1: {  	_ = 	snop;
	(pc) =	sbr.rel @p0 .LBB2_1-.Ltmp4, $1  }
0x1a2: {  	_ =	sdelay $0x3  }
0x1a3: {  	_ =	sfence.sel $0x180000  }
0x1a4: {  	[bflag:$0x0] =	sbarrier.arrive $0xFFFF  }
0x1a5: {  	p0 =	sne.s32 s4, $0x0;
	_ =	strace $0x9000004D  }
0x1a6: {  	s0 =	sadd.s32 @!p0 $0x100000, s0;
	[bflag:$0x2] =	sbarrier.arrive $0xFFFF  }
0x1a7: {  	[sflag:s0] =	ssyncadd.tile.s32 @!p0 $0x1;
	_ =	shalt  }
.Lfunc_end2:
_tile_overlayer_lowered:
.L_overlay_start_2:
0x1a8: {  	(tag) =	ssettag $0x2  }
0x1a9: {  	s0 =	rddreg [dreg:$0x0];
	s2 =	stileid.u32  }
0x1aa: {  	s1 =	rddreg [dreg:$0x1];
	p0 =	sne.s32 s2, $0x0  }
0x1ab: {  	s3 =	rddreg [dreg:$0x2];
	[bflag:$0x3] =	sbarrier.arrive $0xFFFF;
	s2 =	simm.s32 @!p0 $0x1C03  }
0x1ac: {  	[timem:s3], [sflag:s2] =	dma.local @!p0 [hbm:s0], s1  }
0x1ad: {  	s0 =	simm.s32 @!p0 $0x3  }
0x1ae: {  	_ =	swait.ge @!p0 [sflag:s0], s1  }
0x1af: {  	s1 =	ssub.s32 @!p0 $0x0, s1;
	[sflag:s0] =	ssyncset.done @!p0 $0x0  }
0x1b0: {  	[sflag:s0] =	ssyncadd.s32 @!p0 s1  }
0x1b1: {  	[bflag:$0x3] =	sbarrier.arrive $0xFFFF  }
0x1b2: {  	_ =	shalt  }

// kernel: sparse-core-data-format-call.1.cloned.1.call-start
scs
called_computation.1_lowered:
.L_overlay_start_0:
0x0: {  	s2 =	sld [smem:$0x3FD9]  }
0x1: {  	s3 =	sld [smem:$0x3FFE];
	_ =	sdelay $0x1  }
0x2: {  	s1 =	srdreg.scid  }
0x3: {  	s0 =	sand.u32 $0x1, s1  }
0x4: {  	s18 =	sshll.u32 s0, $0xA;
	s2 =	sadd.s32 s3, s2  }
0x5: {  	s2 =	sadd.s32 s2, s18  }
0x6: {  	[smem:$0x3FC0] =	sst s2  }
0x7: {  	_ = 	snop  }
0x8: {  	s2 =	sld [smem:$0x3FC7];
	(tm) =	ssettm $0x1  }
0x9: {  	s19 =	sld [smem:$0x3FFB];
	_ =	sdelay $0x3  }
0xa: {  	_ =	strace s19  }
0xb: {  	s3 =	sld [smem:$0x3FFC];
	_ =	sdelay $0x3  }
0xc: {  	_ =	strace s3  }
0xd: {  	s3 =	sld [smem:$0x3FFD];
	_ =	sdelay $0x3  }
0xe: {  	_ =	strace s3  }
0xf: {  	_ =	strace $0x8FFFFFFF  }
0x10: {  	s20 =	sld [smem:$0x3FDB];
	_ =	sdelay $0x1  }
0x11: {  	s4 =	simm.s32 $_scs_section_size  }
0x12: {  	s5 =	simm.s32 $_size__tile_overlayer_lowered;
	s6 =	simm.s32 $_tile_overlayer_lowered  }
0x13: {  	s23 =	simm.s32 $0x1BFF;
	s22 =	sshll.u32 s6, $0x1;
	s3 =	sadd.s32 s4, s20  }
0x14: {  	s7 =	simm.s32 $0x0;
	s21 =	sshll.u32 s5, $0x1;
	s5 =	sadd.s32 s22, s3  }
0x15: {  	[timem:s7], [sflag:s23] =	dma.local [hbm:s5], s21  }
0x16: {  	_ =	swait.ge [sflag:s23], s21  }
0x17: {  	s4 =	ssub.s32 $0x0, s21;
	[sflag:s23] =	ssyncset.done $0x0  }
0x18: {  	[sflag:s23] =	ssyncadd.s32 s4;
	_ =	sdelay $0x1  }
0x19: {  	s24 =	simm.s32 $0x1B8B  }
0x1a: {  	_ =	swait.ge [sflag:s24], $0x1  }
0x1b: {  	[sflag:s24] =	ssyncset.done $0x0  }
0x1c: {  	s26 =	simm.s32 $0x1B8E;
	s25 =	sld [smem:$0x3FFE];
	[sflag:s24] =	ssyncadd.s32 $0xFFFFFFFF  }
0x1d: {  	s27 =	simm.s32 $execute0_lowered;
	[smem:$0x3FD2] =	sst s26  }
0x1e: {  	s5 =	sshll.u32 s27, $0x1;
	_ =	strace $0x80000046;
	[dreg:$0x1] =	wrdreg $0xFFFFFFFF  }
0x1f: {  	s28 =	simm.s32 $_size_execute0_lowered;
	s3 =	sadd.s32 s3, s5;
	[dreg:$0x0] =	wrdreg $0x0  }
0x20: {  	s5 =	sshll.u32 s28, $0x1;
	[dreg:$0x2] =	wrdreg s3  }
0x21: {  	[dreg:$0x3] =	wrdreg s5  }
0x22: {  	[dreg:$0x4] =	wrdreg $0xC0  }
0x23: {  	_ =	task [dreg:s7], $0x5FFFF  }
0x24: {  	[dreg:$0x1] =	wrdreg $0xFFFFFFFF  }
0x25: {  	[dreg:$0x0] =	wrdreg $0x60  }
0x26: {  	[dreg:$0x2] =	wrdreg s2  }
0x27: {  	[dreg:$0x3] =	wrdreg s25  }
0x28: {  	[dreg:$0x4] =	wrdreg $0xA  }
0x29: {  	_ =	task.clear_ibuf [dreg:s7], $0x5FFFF;
	_ =	strace $0x90000046  }
0x2a: {  	s29 =	simm.s32 $0xA;
	_ =	strace $0x80000048  }
0x2b: {  	_ =	swait.ge [sflag:s29], $0x1  }
0x2c: {  	[sflag:s29] =	ssyncadd.s32 $0xFFFFFFFF  }
0x2d: {  	_ =	strace $0x90000048  }
0x2e: {  	_ =	sfence  }
0x2f: {  	s30 =	sld [smem:$0x0];
	_ =	sdelay $0x2  }
0x30: {  	s31 =	sshll.u32 s1, $0xD;
	s1 =	sshrl.u32 s1, $0x2  }
0x31: {  	s3 =	sand.u32 $0x4000, s31;
	s1 =	sadd.s32 s1, s30  }
0x32: {  	s0 =	sor.u32 s3, s0;
	s1 =	sshll.u32 s1, $0x11  }
0x33: {  	s0 =	sor.u32 s1, s0  }
0x34: {  	s0 =	sadd.s32 $0x8F2B, s0  }
0x35: {  	[sflag:s0] =	ssyncadd.remote.s32 $0x1  }
0x36: {  	_ =	sfence.sel $0xFFFF  }
0x37: {  	[dreg:$0x0] =	wrdreg $0xFFFFFFFF;
	(pc) =	sbr.abs _section_cstart, $3  }
0x38: {  	[dreg:$0x1] =	wrdreg $0xFFFFFFFF  }
0x39: {  	_ =	task.clear_ibuf [dreg:s7], $0x2FFFF;
	_ =	strace $0x9FFFFFFF  }
0x3a: {  	(tm) =	ssettm $0x7FFFFFFF  }
0x3b: {  	_ =	shalt  }
tec
execute0_lowered:
.L_overlay_start_1:
0x0: {  	(tag) =	ssettag $0x1  }
0x1: {  	s0 =	srdreg.scid;
	s2 =	rddreg [dreg:$0x0]  }
0x2: {  	s5 =	rddreg [dreg:$0x1];
	s1 =	stileid.u32  }
0x3: {  	s4 =	simm.s32 $0x1;
	s6 =	simm.s32 $0x2;
	s15 =	simm.s32 $0x0  }
0x4: {  	p0 =	por $0x0, $0x0;
	s8 =	simm.s32 $0x80;
	s0 =	sshll.u32 s0, $0x4  }
0x5: {  	s14 =	simm.s32 $0x0;
	s9 =	simm.s32 $0x0;
	s3 =	sand.u32 $0x10, s0  }
.Ltmp0:
0x6: {  	s10 =	simm.s32 $0x0;
	s3 =	sor.u32 s1, s3;
	(pc) =	sbr.rel .LBB1_1-.Ltmp0, $4  }
0x7: {  	s0 =	rddreg [dreg:$0x2];
	_ =	strace $0x80000047;
	s3 =	sshll.u32 s3, $0x7  }
0x8: {  	s12 =	simm.s32 $0x0;
	[sflag:s4] =	ssyncpa.u1 $0x0;
	s7 =	ssub.s32 $0xF4200, s3  }
0x9: {  	s13 =	simm.s32 $0x0;
	[sflag:s6] =	ssyncpa.u1 $0x0;
	s6 =	sshrl.u32 s7, $0xC  }
0xa: {  	s5 =	sadd.s32 $0x1000, s5;
	s11 =	smov.u32 s3;
	s7 =	sadd.s32 $0x2, s6  }
.LBB1_5:
0xb: {  	p1 =	slt.u32 s13, $0x2  }
0xc: {  	s17 =	smov.u32 s15;
	p2 =	sgt.s32 @!p1 s15, $0xF41C0;
	s16 =	sshra.s32 @!p1 s15, $0x1F  }
0xd: {  	p3 =	sgt.s32 @!p1 s14, $0x40;
	s18 =	sshra.s32 @!p1 s14, $0x1F;
	p2 =	por !p2, p1  }
0xe: {  	s15 =	sand.u32 @!p1 s16, s15;
	p3 =	por !p3, p1;
	s16 =	smov.u32 s14  }
0xf: {  	s14 =	sand.u32 @!p1 s18, s14;
	s17 =	simm.s32 @p2 $0xF41C0;
	s16 =	simm.s32 @p3 $0x40  }
0x10: {  	s15 =	ssub.s32 @!p1 s17, s15;
	s14 =	ssub.s32 @!p1 s16, s14  }
0x11: {  	s18 =	smov.u32 s12;
	s16 =	sadd.s32 @!p1 $0xFFF0BE40, s15;
	s17 =	sadd.s32 @!p1 $0xFFFFFFC0, s14  }
0x12: {  	s15 =	ssub.s32 @!p1 $0xF4240, s15;
	p2 =	sgt.s32 @!p1 s16, $0x7F;
	p3 =	sgt.s32 @!p1 s17, $0x3F  }
0x13: {  	s14 =	ssub.s32 @!p1 $0x80, s14;
	p2 =	por !p2, p1;
	p3 =	por !p3, p1  }
0x14: {  	s16 =	sadd.s32 $0x1000, s11;
	s15 =	simm.s32 @!p2 $0x0;
	s14 =	simm.s32 @!p3 $0x0  }
0x15: {  	p2 =	sgt.s32 s16, $0xF423F;
	s14 =	smul.u32 @!p1 s14, s15;
	s15 =	sadd.s32 $0x40, s12  }
0x16: {  	s18 =	smov.u32 @p2 s15  }
0x17: {  	s16 =	smov.u32 @p2 s3;
	p2 =	sgt.s32 s18, $0x3F  }
0x18: {  	s18 =	simm.s32 @p2 $0x0;
	p2 =	sne.s32 s13, s7  }
.Ltmp1:
0x19: {  	p0 =	por !p0, !p0;
	s17 =	simm.s32 @!p1 $0x2;
	(pc) =	sbr.rel @!p2 .LBB1_6-.Ltmp1, $4  }
0x1a: {  	s15 =	smov.u32 s9;
	s9 =	smov.u32 s11;
	s14 =	sand.u32 @!p1 $0x3FFFFFFF, s14  }
0x1b: {  	s11 =	smov.u32 s16;
	_ =	swait.ge @!p1 [sflag:s17], s14;
	s19 =	ssub.s32 @!p1 $0x0, s14  }
0x1c: {  	s14 =	smov.u32 s10;
	s13 =	sadd.s32 $0x1, s13;
	[sflag:s17] =	ssyncset.done @!p1 $0x0  }
0x1d: {  	s10 =	smov.u32 s12;
	s12 =	smov.u32 s18;
	[sflag:s17] =	ssyncadd.s32 @!p1 s19  }
.LBB1_1:
0x1e: {  	p1 =	sgt.u32 s13, s6  }
0x1f: {  	s16 =	sshrl.u32 @!p1 s12, $0x3  }
0x20: {  	s17 =	sshll.u32 @!p1 s11, $0x3;
	s16 =	smul.u32 @!p1 $0x7A1400, s16  }
0x21: {  	s18 =	sshll.u32 @!p1 s12, $0x7;
	s17 =	sand.u32 @!p1 $0xFFFFFC00, s17  }
0x22: {  	s16 =	sadd.s32 @!p1 s16, s17;
	s17 =	sand.u32 @!p1 $0x380, s18  }
0x23: {  	s18 =	sand.u32 @!p1 $0x7F, s11;
	s16 =	sor.u32 @!p1 s17, s16  }
0x24: {  	s17 =	sor.u32 @!p1 s18, s16  }
0x25: {  	s18 =	smulhi.u32 @!p1 $0x218D6287, s17;
	_ =	sdelay $0x1  }
0x26: {  	s16 =	smulhi.u32 @!p1 $0x218D6287, s16;
	s18 =	sshrl.u32 @!p1 s18, $0x11  }
0x27: {  	s18 =	smul.u32 @!p1 $0xF4280, s18  }
0x28: {  	s19 =	sxor.u32 @!p1 $0xFFFFFFFF, s13;
	s16 =	sshrl.u32 @!p1 s16, $0x11  }
0x29: {  	s19 =	sshll.u32 @!p1 s19, $0xD;
	s16 =	sand.u32 @!p1 $0x3F, s16;
	s17 =	ssub.s32 @!p1 s17, s18  }
0x2a: {  	s16 =	smul.u32 @!p1 $0x1E850, s16;
	s18 =	sshrl.u32 @!p1 s17, $0x3;
	s17 =	sand.u32 @!p1 $0x7, s17  }
0x2b: {  	s19 =	sand.u32 @!p1 $0x2000, s19;
	s18 =	sadd.s32 @!p1 s2, s18;
	s17 =	sshll.u32 @!p1 s17, $0x12  }
0x2c: {  	s16 =	sadd.s32 @!p1 s16, s18;
	s17 =	sor.u32 @!p1 $0x400, s17;
	s18 =	simm.s32 @!p1 $0x7A1400  }
0x2d: {  	[tilespmem:s19], [sflag:$0x1] =	stream.strided.gather @!p1 [hbm4b:s16+s17], $0x2000, s18, s17, $0x38;
	[tilespmem:$0x8100] =	vst v63  }
0x2e: {  	p1 =	seq.s32 s13, $0x0  }
0x2f: {  	p2 =	sge.u32 @!p1 s13, s7  }
0x30: {  	p1 =	por p1, p2  }
.Ltmp2:
0x31: {  	_ = 	snop;
	(pc) =	sbr.rel @p1 .LBB1_5-.Ltmp2, $1  }
0x32: {  	_ =	sdelay $0x3  }
0x33: {  	s16 =	simm.s32 $0x1  }
0x34: {  	_ =	swait.ge [sflag:s4], $0x2000;
	s16 =	simm.s32 @!p0 $0x0  }
0x35: {  	[sflag:s4] =	ssyncset.done $0x0;
	s17 =	sshll.u32 s16, $0xD  }
0x36: {  	[sflag:s4] =	ssyncadd.s32 $0xFFFFE000;
	s17 =	sor.u32 $0x40, s17  }
0x37: {  	s16 =	smul.u32 $0x8200, s16;
	v0 =	vld [tilespmem:s17+$0x30]  }
0x38: {  	v1 =	vld [tilespmem:s17+$0xFFFFFFD0]  }
0x39: {  	s16 =	sshrl.u32 s16, $0x2;
	v5 =	vld [tilespmem:s17+$0xFFFFFFE0]  }
0x3a: {  	v6 =	vld [tilespmem:s17+$0xFFFFFFF0];
	s19 =	sor.u32 $0x4000, s16  }
0x3b: {  	s31 =	sand.u32 $0x1, s13;
	v4 =	vld [tilespmem:s17+$0x0];
	s18 =	sadd.s32 $0x0, s19  }
0x3c: {  	v3 =	vld [tilespmem:s17+$0x10];
	s16 =	smul.u32 $0x8200, s31;
	[tilespmem:s18+$0x1C70 ss:$0x41] =	vst.msk $0xffff, v0  }
0x3d: {  	v2 =	vld [tilespmem:s17+$0x20];
	[tilespmem:s18+$0x410 ss:$0x41] =	vst.msk $0xffff, v1  }
0x3e: {  	s16 =	sshrl.u32 s16, $0x2;
	v1 =	vld [tilespmem:s17+$0xFFFFFFC0];
	[tilespmem:s18+$0x820 ss:$0x41] =	vst.msk $0xffff, v5;
	s17 =	sadd.s32 $0x80, s17  }
0x3f: {  	s20 =	simm.s32 $0x4;
	s21 =	simm.s32 $0x8;
	s16 =	sor.u32 $0x4000, s16;
	[tilespmem:s18+$0xC30 ss:$0x41] =	vst.msk $0xffff, v6;
	v0 =	vld [tilespmem:s17+$0x30]  }
.LBB1_3:
0x40: {  	p1 =	sne.s32 s21, $0xFC;
	v5 =	vld [tilespmem:s17+$0xFFFFFFD0];
	[tilespmem:s18+$0x1040 ss:$0x41] =	vst.msk $0xffff, v4  }
0x41: {  	v6 =	vld [tilespmem:s17+$0xFFFFFFE0];
	[tilespmem:s18+$0x1450 ss:$0x41] =	vst.msk $0xffff, v3  }
0x42: {  	s22 =	sshra.s32 s20, $0x2;
	s20 =	smov.u32 s21;
	v7 =	vld [tilespmem:s17+$0xFFFFFFF0];
	[tilespmem:s18+$0x1860 ss:$0x41] =	vst.msk $0xffff, v2  }
.Ltmp3:
0x43: {  	v4 =	vld [tilespmem:s17+$0x0];
	[tilespmem:s18+$0x0 ss:$0x41] =	vst.msk $0xffff, v1;
	s18 =	sadd.s32 s22, s19;
	(pc) =	sbr.rel @p1 .LBB1_3-.Ltmp3, $4  }
0x44: {  	v3 =	vld [tilespmem:s17+$0x10];
	[tilespmem:s18+$0x1C70 ss:$0x41] =	vst.msk $0xffff, v0  }
0x45: {  	[tilespmem:s18+$0x410 ss:$0x41] =	vst.msk $0xffff, v5;
	v2 =	vld [tilespmem:s17+$0x20]  }
0x46: {  	v1 =	vld [tilespmem:s17+$0xFFFFFFC0];
	[tilespmem:s18+$0x820 ss:$0x41] =	vst.msk $0xffff, v6;
	s17 =	sadd.s32 $0x80, s17  }
0x47: {  	s21 =	sadd.s32 $0x4, s21;
	v0 =	vld [tilespmem:s17+$0x30];
	[tilespmem:s18+$0xC30 ss:$0x41] =	vst.msk $0xffff, v7  }
0x48: {  	s21 =	sshll.u32 s9, $0x7;
	s22 =	sshll.u32 s10, $0x3;
	s20 =	sshra.s32 s20, $0x2  }
0x49: {  	p1 =	sgt.s32 s9, $0xF41C0;
	s30 =	sshra.s32 s9, $0x1F;
	s25 =	sshra.s32 s10, $0x1F  }
0x4a: {  	v5 =	vld [tilespmem:s17+$0xFFFFFFD0];
	s28 =	sshrl.u32 s10, $0x3;
	s23 =	sand.u32 $0xFFFFFC00, s21;
	s22 =	sand.u32 $0xFFFFFC00, s22  }
0x4b: {  	[tilespmem:s18+$0x1040 ss:$0x41] =	vst.msk $0xffff, v4;
	v58 =	vld [tilespmem:s17+$0xFFFFFFE0];
	s21 =	sand.u32 $0x380, s21;
	s19 =	sadd.s32 s20, s19;
	s22 =	sadd.s32 s22, s23  }
0x4c: {  	v59 =	vld [tilespmem:s17+$0xFFFFFFF0];
	[tilespmem:s18+$0x1450 ss:$0x41] =	vst.msk $0xffff, v3;
	s29 =	sor.u32 s21, s22;
	s21 =	smov.u32 s9;
	s22 =	sand.u32 s30, s9  }
0x4d: {  	v60 =	vld [tilespmem:s17+$0x0];
	[tilespmem:s18+$0x1860 ss:$0x41] =	vst.msk $0xffff, v2;
	s30 =	sand.u32 $0x7, s10;
	s20 =	sshrl.u32 s29, $0x7;
	s21 =	simm.s32 @!p1 $0xF41C0  }
0x4e: {  	v61 =	vld [tilespmem:s17+$0x10];
	[tilespmem:s18+$0x0 ss:$0x41] =	vst.msk $0xffff, v1;
	p1 =	sgt.s32 s10, $0x40;
	s24 =	ssub.s32 s21, s22;
	s21 =	smov.u32 s10  }
0x4f: {  	v62 =	vld [tilespmem:s17+$0x20];
	[tilespmem:s19+$0x1C70 ss:$0x41] =	vst.msk $0xffff, v0;
	s31 =	smulhi.u32 $0x218DEF5, s20;
	s22 =	sand.u32 s25, s10;
	s21 =	simm.s32 @!p1 $0x40  }
0x50: {  	v63 =	vld [tilespmem:s17+$0xFFFFFFC0];
	[tilespmem:s19+$0x410 ss:$0x41] =	vst.msk $0xffff, v5;
	s26 =	sadd.s32 $0xFFF0BE40, s24;
	s17 =	ssub.s32 $0xF4240, s24;
	s21 =	ssub.s32 s21, s22  }
0x51: {  	[tilespmem:s19+$0x820 ss:$0x41] =	vst.msk $0xffff, v58;
	s23 =	sshrl.u32 s31, $0xD;
	p1 =	sgt.s32 s26, $0x7F;
	s27 =	sadd.s32 $0xFFFFFFC0, s21  }
0x52: {  	[tilespmem:s19+$0xC30 ss:$0x41] =	vst.msk $0xffff, v59;
	s23 =	smul.u32 $0xF4240, s23;
	s18 =	ssub.s32 $0x80, s21;
	p2 =	sgt.s32 s27, $0x3F  }
.Ltmp4:
0x53: {  	[tilespmem:s19+$0x1040 ss:$0x41] =	vst.msk $0xffff, v60;
	s17 =	simm.s32 @p1 $0x0;
	s18 =	simm.s32 @p2 $0x0;
	(pc) =	sbr.rel .LBB1_5-.Ltmp4, $4  }
0x54: {  	s29 =	sand.u32 $0xF, s28;
	[tilespmem:s19+$0x1450 ss:$0x41] =	vst.msk $0xffff, v61;
	s20 =	ssub.s32 s20, s23;
	s17 =	smul.u32 s18, s17  }
0x55: {  	[tilespmem:s19+$0x1860 ss:$0x41] =	vst.msk $0xffff, v62;
	s21 =	sshll.u32 s30, $0x12;
	s20 =	sshll.u32 s20, $0x4;
	s18 =	sadd.s32 s5, s29  }
0x56: {  	[tilespmem:s19+$0x0 ss:$0x41] =	vst.msk $0xffff, v63;
	s31 =	sor.u32 $0x40, s21;
	s18 =	sadd.s32 s20, s18;
	s17 =	sand.u32 $0x3FFFFFFF, s17  }
0x57: {  	[hbm4b:s18+s31] =	stream.strided.scatter [tilespmem:s16], [sflag:$0x2], s17, s8, s31, $0x18;
	[tilespmem:$0x8100] =	vst v63  }
.LBB1_6:
0x58: {  	_ =	sfence.sel $0x180000  }
0x59: {  	s2 =	simm.s32 $0x1;
	[bflag:$0x0] =	sbarrier.arrive $0xFFFF  }
0x5a: {  	s31 =	simm.s32 $0x2;
	[sflag:s2] =	ssyncpa.u1 $0x1  }
0x5b: {  	[sflag:s31] =	ssyncpa.u1 $0x1  }
0x5c: {  	p0 =	sne.s32 s1, $0x0;
	_ =	strace $0x90000047  }
0x5d: {  	s0 =	sadd.s32 @!p0 $0x100000, s0;
	[bflag:$0x2] =	sbarrier.arrive $0xFFFF  }
0x5e: {  	[sflag:s0] =	ssyncadd.tile.s32 @!p0 $0x1;
	_ =	shalt  }
.Lfunc_end1:
_tile_overlayer_lowered:
.L_overlay_start_2:
0x5f: {  	(tag) =	ssettag $0x2  }
0x60: {  	s0 =	rddreg [dreg:$0x0];
	s2 =	stileid.u32  }
0x61: {  	s1 =	rddreg [dreg:$0x1];
	p0 =	sne.s32 s2, $0x0  }
0x62: {  	s3 =	rddreg [dreg:$0x2];
	[bflag:$0x3] =	sbarrier.arrive $0xFFFF;
	s2 =	simm.s32 @!p0 $0x1C01  }
0x63: {  	[timem:s3], [sflag:s2] =	dma.local @!p0 [hbm:s0], s1  }
0x64: {  	s0 =	simm.s32 @!p0 $0x1  }
0x65: {  	_ =	swait.ge @!p0 [sflag:s0], s1  }
0x66: {  	s1 =	ssub.s32 @!p0 $0x0, s1;
	[sflag:s0] =	ssyncset.done @!p0 $0x0  }
0x67: {  	[sflag:s0] =	ssyncadd.s32 @!p0 s1  }
0x68: {  	[bflag:$0x3] =	sbarrier.arrive $0xFFFF  }
0x69: {  	_ =	shalt  }

// kernel: sparse-core-data-format-call.cloned.1.call-start
scs
called_computation_lowered:
.L_overlay_start_0:
0x0: {  	s2 =	sld [smem:$0x3FD9]  }
0x1: {  	s3 =	sld [smem:$0x3FFE];
	_ =	sdelay $0x1  }
0x2: {  	s1 =	srdreg.scid  }
0x3: {  	s0 =	sand.u32 $0x1, s1  }
0x4: {  	s18 =	sshll.u32 s0, $0xA;
	s2 =	sadd.s32 s3, s2  }
0x5: {  	s2 =	sadd.s32 s2, s18  }
0x6: {  	[smem:$0x3FC0] =	sst s2  }
0x7: {  	_ = 	snop  }
0x8: {  	s19 =	sld [smem:$0x3FC6];
	(tm) =	ssettm $0x1  }
0x9: {  	s20 =	sld [smem:$0x3FFB];
	_ =	sdelay $0x3  }
0xa: {  	_ =	strace s20  }
0xb: {  	s2 =	sld [smem:$0x3FFC];
	_ =	sdelay $0x3  }
0xc: {  	_ =	strace s2  }
0xd: {  	s2 =	sld [smem:$0x3FFD];
	_ =	sdelay $0x3  }
0xe: {  	_ =	strace s2  }
0xf: {  	_ =	strace $0x8FFFFFFF  }
0x10: {  	s21 =	sld [smem:$0x3FDB];
	_ =	sdelay $0x1  }
0x11: {  	s4 =	simm.s32 $_scs_section_size  }
0x12: {  	s5 =	simm.s32 $_size__tile_overlayer_lowered;
	s6 =	simm.s32 $_tile_overlayer_lowered  }
0x13: {  	s7 =	simm.s32 $0x1BFF;
	s22 =	sshll.u32 s6, $0x1;
	s4 =	sadd.s32 s4, s21  }
0x14: {  	s23 =	simm.s32 $0x0;
	s5 =	sshll.u32 s5, $0x1;
	s6 =	sadd.s32 s22, s4  }
0x15: {  	[timem:s23], [sflag:s7] =	dma.local [hbm:s6], s5  }
0x16: {  	_ =	swait.ge [sflag:s7], s5  }
0x17: {  	s5 =	ssub.s32 $0x0, s5;
	[sflag:s7] =	ssyncset.done $0x0  }
0x18: {  	[sflag:s7] =	ssyncadd.s32 s5;
	_ =	sdelay $0x1  }
0x19: {  	s24 =	simm.s32 $0x1B8B  }
0x1a: {  	_ =	swait.ge [sflag:s24], $0x1  }
0x1b: {  	[sflag:s24] =	ssyncset.done $0x0  }
0x1c: {  	[sflag:s24] =	ssyncadd.s32 $0xFFFFFFFF  }
0x1d: {  	s5 =	sld [smem:$0x0]  }
0x1e: {  	s6 =	sand.u32 $0xFFFFFFFE, s1  }
0x1f: {  	p0 =	sne.s32 s1, s6  }
0x20: {  	s6 =	sshll.u32 @p0 s6, $0xE  }
0x21: {  	s6 =	sadd.s32 @p0 $0x11B8D, s6;
	s7 =	sshll.u32 @p0 s5, $0x11  }
0x22: {  	s6 =	sor.u32 @p0 s7, s6  }
0x23: {  	[sflag:s6] =	ssyncadd.remote.s32 @p0 $0x1;
	_ =	sdelay $0x1  }
0x24: {  	s6 =	simm.s32 @p0 $0x1B8D  }
0x25: {  	_ =	swait.eq @p0 [sflag:s6], $0x1  }
0x26: {  	[sflag:s6] =	ssyncadd.s32 @p0 $0xFFFFFFFF  }
0x27: {  	s7 =	sshll.u32 @!p0 s1, $0xE  }
0x28: {  	s7 =	sor.u32 @!p0 $0x4000, s7;
	s6 =	simm.s32 @!p0 $0x1B8D  }
0x29: {  	s5 =	sshll.u32 @!p0 s5, $0x11;
	s7 =	sadd.s32 @!p0 $0x11B8D, s7;
	_ =	swait.eq @!p0 [sflag:s6], $0x1  }
0x2a: {  	s5 =	sor.u32 @!p0 s5, s7;
	[sflag:s6] =	ssyncadd.s32 @!p0 $0xFFFFFFFF  }
0x2b: {  	s26 =	simm.s32 $0x1B8E;
	s25 =	sld [smem:$0x3FFE];
	[sflag:s5] =	ssyncadd.remote.s32 @!p0 $0x1  }
0x2c: {  	s27 =	simm.s32 $execute0_lowered;
	[smem:$0x3FD2] =	sst s26  }
0x2d: {  	s6 =	sshll.u32 s27, $0x1;
	_ =	strace $0x80000049;
	[dreg:$0x1] =	wrdreg $0xFFFFFFFF  }
0x2e: {  	s28 =	simm.s32 $_size_execute0_lowered;
	s4 =	sadd.s32 s4, s6;
	[dreg:$0x0] =	wrdreg $0x0  }
0x2f: {  	s6 =	sshll.u32 s28, $0x1;
	[dreg:$0x2] =	wrdreg s4  }
0x30: {  	[dreg:$0x3] =	wrdreg s6  }
0x31: {  	[dreg:$0x4] =	wrdreg $0xC0  }
0x32: {  	_ =	task [dreg:s23], $0x5FFFF  }
0x33: {  	[dreg:$0x1] =	wrdreg $0xFFFFFFFF  }
0x34: {  	[dreg:$0x0] =	wrdreg $0x60  }
0x35: {  	[dreg:$0x2] =	wrdreg s19  }
0x36: {  	[dreg:$0x3] =	wrdreg s25  }
0x37: {  	[dreg:$0x4] =	wrdreg $0x9  }
0x38: {  	_ =	task.clear_ibuf [dreg:s23], $0x5FFFF;
	_ =	strace $0x90000049  }
0x39: {  	s29 =	simm.s32 $0x9;
	_ =	strace $0x8000004B  }
0x3a: {  	_ =	swait.ge [sflag:s29], $0x1  }
0x3b: {  	[sflag:s29] =	ssyncadd.s32 $0xFFFFFFFF  }
0x3c: {  	_ =	strace $0x9000004B  }
0x3d: {  	_ =	sfence  }
0x3e: {  	s30 =	sld [smem:$0x0];
	_ =	sdelay $0x2  }
0x3f: {  	s31 =	sshll.u32 s1, $0xD;
	s1 =	sshrl.u32 s1, $0x2  }
0x40: {  	s4 =	sand.u32 $0x4000, s31;
	s1 =	sadd.s32 s1, s30  }
0x41: {  	s0 =	sor.u32 s4, s0;
	s1 =	sshll.u32 s1, $0x11  }
0x42: {  	s0 =	sor.u32 s1, s0  }
0x43: {  	s0 =	sadd.s32 $0x8F2B, s0  }
0x44: {  	[sflag:s0] =	ssyncadd.remote.s32 $0x1  }
0x45: {  	_ =	sfence.sel $0xFFFF  }
0x46: {  	[dreg:$0x0] =	wrdreg $0xFFFFFFFF;
	(pc) =	sbr.abs _section_cstart, $3  }
0x47: {  	[dreg:$0x1] =	wrdreg $0xFFFFFFFF  }
0x48: {  	_ =	task.clear_ibuf [dreg:s23], $0x2FFFF;
	_ =	strace $0x9FFFFFFF  }
0x49: {  	(tm) =	ssettm $0x7FFFFFFF  }
tec
execute0_lowered:
.L_overlay_start_1:
0x0: {  	(tag) =	ssettag $0x1  }
0x1: {  	s0 =	srdreg.scid;
	s2 =	rddreg [dreg:$0x0]  }
0x2: {  	s5 =	rddreg [dreg:$0x1];
	s1 =	stileid.u32  }
0x3: {  	s4 =	simm.s32 $0x1;
	s6 =	simm.s32 $0x2;
	s15 =	simm.s32 $0x0  }
0x4: {  	p0 =	por $0x0, $0x0;
	s8 =	simm.s32 $0x80;
	s0 =	sshll.u32 s0, $0x4  }
0x5: {  	s14 =	simm.s32 $0x0;
	s9 =	simm.s32 $0x0;
	s3 =	sand.u32 $0x10, s0  }
.Ltmp0:
0x6: {  	s10 =	simm.s32 $0x0;
	s3 =	sor.u32 s1, s3;
	(pc) =	sbr.rel .LBB1_1-.Ltmp0, $4  }
0x7: {  	s0 =	rddreg [dreg:$0x2];
	_ =	strace $0x8000004A;
	s3 =	sshll.u32 s3, $0x7  }
0x8: {  	s12 =	simm.s32 $0x0;
	[sflag:s4] =	ssyncpa.u1 $0x0;
	s7 =	ssub.s32 $0xF4200, s3  }
0x9: {  	s13 =	simm.s32 $0x0;
	[sflag:s6] =	ssyncpa.u1 $0x0;
	s6 =	sshrl.u32 s7, $0xC  }
0xa: {  	s5 =	sadd.s32 $0xF43400, s5;
	s11 =	smov.u32 s3;
	s7 =	sadd.s32 $0x2, s6  }
.LBB1_5:
0xb: {  	p1 =	slt.u32 s13, $0x2  }
0xc: {  	s17 =	smov.u32 s15;
	p2 =	sgt.s32 @!p1 s15, $0xF41C0;
	s16 =	sshra.s32 @!p1 s15, $0x1F  }
0xd: {  	p3 =	sgt.s32 @!p1 s14, $0x40;
	s18 =	sshra.s32 @!p1 s14, $0x1F;
	p2 =	por !p2, p1  }
0xe: {  	s15 =	sand.u32 @!p1 s16, s15;
	p3 =	por !p3, p1;
	s16 =	smov.u32 s14  }
0xf: {  	s14 =	sand.u32 @!p1 s18, s14;
	s17 =	simm.s32 @p2 $0xF41C0;
	s16 =	simm.s32 @p3 $0x40  }
0x10: {  	s15 =	ssub.s32 @!p1 s17, s15;
	s14 =	ssub.s32 @!p1 s16, s14  }
0x11: {  	s18 =	smov.u32 s12;
	s16 =	sadd.s32 @!p1 $0xFFF0BE40, s15;
	s17 =	sadd.s32 @!p1 $0xFFFFFFC0, s14  }
0x12: {  	s15 =	ssub.s32 @!p1 $0xF4240, s15;
	p2 =	sgt.s32 @!p1 s16, $0x7F;
	p3 =	sgt.s32 @!p1 s17, $0x3F  }
0x13: {  	s14 =	ssub.s32 @!p1 $0x80, s14;
	p2 =	por !p2, p1;
	p3 =	por !p3, p1  }
0x14: {  	s16 =	sadd.s32 $0x1000, s11;
	s15 =	simm.s32 @!p2 $0x0;
	s14 =	simm.s32 @!p3 $0x0  }
0x15: {  	p2 =	sgt.s32 s16, $0xF423F;
	s14 =	smul.u32 @!p1 s14, s15;
	s15 =	sadd.s32 $0x40, s12  }
0x16: {  	s18 =	smov.u32 @p2 s15  }
0x17: {  	s16 =	smov.u32 @p2 s3;
	p2 =	sgt.s32 s18, $0x3F  }
0x18: {  	s18 =	simm.s32 @p2 $0x0;
	p2 =	sne.s32 s13, s7  }
.Ltmp1:
0x19: {  	p0 =	por !p0, !p0;
	s17 =	simm.s32 @!p1 $0x2;
	(pc) =	sbr.rel @!p2 .LBB1_6-.Ltmp1, $4  }
0x1a: {  	s15 =	smov.u32 s9;
	s9 =	smov.u32 s11;
	s14 =	sand.u32 @!p1 $0x3FFFFFFF, s14  }
0x1b: {  	s11 =	smov.u32 s16;
	_ =	swait.ge @!p1 [sflag:s17], s14;
	s19 =	ssub.s32 @!p1 $0x0, s14  }
0x1c: {  	s14 =	smov.u32 s10;
	s13 =	sadd.s32 $0x1, s13;
	[sflag:s17] =	ssyncset.done @!p1 $0x0  }
0x1d: {  	s10 =	smov.u32 s12;
	s12 =	smov.u32 s18;
	[sflag:s17] =	ssyncadd.s32 @!p1 s19  }
.LBB1_1:
0x1e: {  	p1 =	sgt.u32 s13, s6  }
0x1f: {  	s16 =	sshrl.u32 @!p1 s12, $0x3  }
0x20: {  	s17 =	sshll.u32 @!p1 s11, $0x3;
	s16 =	smul.u32 @!p1 $0x7A1400, s16  }
0x21: {  	s18 =	sshll.u32 @!p1 s12, $0x7;
	s17 =	sand.u32 @!p1 $0xFFFFFC00, s17  }
0x22: {  	s16 =	sadd.s32 @!p1 s16, s17;
	s17 =	sand.u32 @!p1 $0x380, s18  }
0x23: {  	s18 =	sand.u32 @!p1 $0x7F, s11;
	s16 =	sor.u32 @!p1 s17, s16  }
0x24: {  	s17 =	sor.u32 @!p1 s18, s16  }
0x25: {  	s18 =	smulhi.u32 @!p1 $0x218D6287, s17;
	_ =	sdelay $0x1  }
0x26: {  	s16 =	smulhi.u32 @!p1 $0x218D6287, s16;
	s18 =	sshrl.u32 @!p1 s18, $0x11  }
0x27: {  	s18 =	smul.u32 @!p1 $0xF4280, s18  }
0x28: {  	s19 =	sxor.u32 @!p1 $0xFFFFFFFF, s13;
	s16 =	sshrl.u32 @!p1 s16, $0x11  }
0x29: {  	s19 =	sshll.u32 @!p1 s19, $0xD;
	s16 =	sand.u32 @!p1 $0x3F, s16;
	s17 =	ssub.s32 @!p1 s17, s18  }
0x2a: {  	s16 =	smul.u32 @!p1 $0x1E850, s16;
	s18 =	sshrl.u32 @!p1 s17, $0x3;
	s17 =	sand.u32 @!p1 $0x7, s17  }
0x2b: {  	s19 =	sand.u32 @!p1 $0x2000, s19;
	s18 =	sadd.s32 @!p1 s2, s18;
	s17 =	sshll.u32 @!p1 s17, $0x12  }
0x2c: {  	s16 =	sadd.s32 @!p1 s16, s18;
	s17 =	sor.u32 @!p1 $0x400, s17;
	s18 =	simm.s32 @!p1 $0x7A1400  }
0x2d: {  	[tilespmem:s19], [sflag:$0x1] =	stream.strided.gather @!p1 [hbm4b:s16+s17], $0x2000, s18, s17, $0x38;
	[tilespmem:$0x8100] =	vst v63  }
0x2e: {  	p1 =	seq.s32 s13, $0x0  }
0x2f: {  	p2 =	sge.u32 @!p1 s13, s7  }
0x30: {  	p1 =	por p1, p2  }
.Ltmp2:
0x31: {  	_ = 	snop;
	(pc) =	sbr.rel @p1 .LBB1_5-.Ltmp2, $1  }
0x32: {  	_ =	sdelay $0x3  }
0x33: {  	s16 =	simm.s32 $0x1  }
0x34: {  	_ =	swait.ge [sflag:s4], $0x2000;
	s16 =	simm.s32 @!p0 $0x0  }
0x35: {  	[sflag:s4] =	ssyncset.done $0x0;
	s17 =	sshll.u32 s16, $0xD  }
0x36: {  	[sflag:s4] =	ssyncadd.s32 $0xFFFFE000;
	s17 =	sor.u32 $0x40, s17  }
0x37: {  	s16 =	smul.u32 $0x8200, s16;
	v0 =	vld [tilespmem:s17+$0x30]  }
0x38: {  	v1 =	vld [tilespmem:s17+$0xFFFFFFD0]  }
0x39: {  	s16 =	sshrl.u32 s16, $0x2;
	v5 =	vld [tilespmem:s17+$0xFFFFFFE0]  }
0x3a: {  	v6 =	vld [tilespmem:s17+$0xFFFFFFF0];
	s19 =	sor.u32 $0x4000, s16  }
0x3b: {  	s31 =	sand.u32 $0x1, s13;
	v4 =	vld [tilespmem:s17+$0x0];
	s18 =	sadd.s32 $0x0, s19  }
0x3c: {  	v3 =	vld [tilespmem:s17+$0x10];
	s16 =	smul.u32 $0x8200, s31;
	[tilespmem:s18+$0x1C70 ss:$0x41] =	vst.msk $0xffff, v0  }
0x3d: {  	v2 =	vld [tilespmem:s17+$0x20];
	[tilespmem:s18+$0x410 ss:$0x41] =	vst.msk $0xffff, v1  }
0x3e: {  	s16 =	sshrl.u32 s16, $0x2;
	v1 =	vld [tilespmem:s17+$0xFFFFFFC0];
	[tilespmem:s18+$0x820 ss:$0x41] =	vst.msk $0xffff, v5;
	s17 =	sadd.s32 $0x80, s17  }
0x3f: {  	s20 =	simm.s32 $0x4;
	s21 =	simm.s32 $0x8;
	s16 =	sor.u32 $0x4000, s16;
	[tilespmem:s18+$0xC30 ss:$0x41] =	vst.msk $0xffff, v6;
	v0 =	vld [tilespmem:s17+$0x30]  }
.LBB1_3:
0x40: {  	p1 =	sne.s32 s21, $0xFC;
	v5 =	vld [tilespmem:s17+$0xFFFFFFD0];
	[tilespmem:s18+$0x1040 ss:$0x41] =	vst.msk $0xffff, v4  }
0x41: {  	v6 =	vld [tilespmem:s17+$0xFFFFFFE0];
	[tilespmem:s18+$0x1450 ss:$0x41] =	vst.msk $0xffff, v3  }
0x42: {  	s22 =	sshra.s32 s20, $0x2;
	s20 =	smov.u32 s21;
	v7 =	vld [tilespmem:s17+$0xFFFFFFF0];
	[tilespmem:s18+$0x1860 ss:$0x41] =	vst.msk $0xffff, v2  }
.Ltmp3:
0x43: {  	v4 =	vld [tilespmem:s17+$0x0];
	[tilespmem:s18+$0x0 ss:$0x41] =	vst.msk $0xffff, v1;
	s18 =	sadd.s32 s22, s19;
	(pc) =	sbr.rel @p1 .LBB1_3-.Ltmp3, $4  }
0x44: {  	v3 =	vld [tilespmem:s17+$0x10];
	[tilespmem:s18+$0x1C70 ss:$0x41] =	vst.msk $0xffff, v0  }
0x45: {  	[tilespmem:s18+$0x410 ss:$0x41] =	vst.msk $0xffff, v5;
	v2 =	vld [tilespmem:s17+$0x20]  }
0x46: {  	v1 =	vld [tilespmem:s17+$0xFFFFFFC0];
	[tilespmem:s18+$0x820 ss:$0x41] =	vst.msk $0xffff, v6;
	s17 =	sadd.s32 $0x80, s17  }
0x47: {  	s21 =	sadd.s32 $0x4, s21;
	v0 =	vld [tilespmem:s17+$0x30];
	[tilespmem:s18+$0xC30 ss:$0x41] =	vst.msk $0xffff, v7  }
0x48: {  	s21 =	sshll.u32 s9, $0x7;
	s22 =	sshll.u32 s10, $0x3;
	s20 =	sshra.s32 s20, $0x2  }
0x49: {  	p1 =	sgt.s32 s9, $0xF41C0;
	s30 =	sshra.s32 s9, $0x1F;
	s25 =	sshra.s32 s10, $0x1F  }
0x4a: {  	v5 =	vld [tilespmem:s17+$0xFFFFFFD0];
	s28 =	sshrl.u32 s10, $0x3;
	s23 =	sand.u32 $0xFFFFFC00, s21;
	s22 =	sand.u32 $0xFFFFFC00, s22  }
0x4b: {  	[tilespmem:s18+$0x1040 ss:$0x41] =	vst.msk $0xffff, v4;
	v58 =	vld [tilespmem:s17+$0xFFFFFFE0];
	s21 =	sand.u32 $0x380, s21;
	s19 =	sadd.s32 s20, s19;
	s22 =	sadd.s32 s22, s23  }
0x4c: {  	v59 =	vld [tilespmem:s17+$0xFFFFFFF0];
	[tilespmem:s18+$0x1450 ss:$0x41] =	vst.msk $0xffff, v3;
	s29 =	sor.u32 s21, s22;
	s21 =	smov.u32 s9;
	s22 =	sand.u32 s30, s9  }
0x4d: {  	v60 =	vld [tilespmem:s17+$0x0];
	[tilespmem:s18+$0x1860 ss:$0x41] =	vst.msk $0xffff, v2;
	s30 =	sand.u32 $0x7, s10;
	s20 =	sshrl.u32 s29, $0x7;
	s21 =	simm.s32 @!p1 $0xF41C0  }
0x4e: {  	v61 =	vld [tilespmem:s17+$0x10];
	[tilespmem:s18+$0x0 ss:$0x41] =	vst.msk $0xffff, v1;
	p1 =	sgt.s32 s10, $0x40;
	s24 =	ssub.s32 s21, s22;
	s21 =	smov.u32 s10  }
0x4f: {  	v62 =	vld [tilespmem:s17+$0x20];
	[tilespmem:s19+$0x1C70 ss:$0x41] =	vst.msk $0xffff, v0;
	s31 =	smulhi.u32 $0x218DEF5, s20;
	s22 =	sand.u32 s25, s10;
	s21 =	simm.s32 @!p1 $0x40  }
0x50: {  	v63 =	vld [tilespmem:s17+$0xFFFFFFC0];
	[tilespmem:s19+$0x410 ss:$0x41] =	vst.msk $0xffff, v5;
	s26 =	sadd.s32 $0xFFF0BE40, s24;
	s17 =	ssub.s32 $0xF4240, s24;
	s21 =	ssub.s32 s21, s22  }
0x51: {  	[tilespmem:s19+$0x820 ss:$0x41] =	vst.msk $0xffff, v58;
	s23 =	sshrl.u32 s31, $0xD;
	p1 =	sgt.s32 s26, $0x7F;
	s27 =	sadd.s32 $0xFFFFFFC0, s21  }
0x52: {  	[tilespmem:s19+$0xC30 ss:$0x41] =	vst.msk $0xffff, v59;
	s23 =	smul.u32 $0xF4240, s23;
	s18 =	ssub.s32 $0x80, s21;
	p2 =	sgt.s32 s27, $0x3F  }
.Ltmp4:
0x53: {  	[tilespmem:s19+$0x1040 ss:$0x41] =	vst.msk $0xffff, v60;
	s17 =	simm.s32 @p1 $0x0;
	s18 =	simm.s32 @p2 $0x0;
	(pc) =	sbr.rel .LBB1_5-.Ltmp4, $4  }
0x54: {  	s29 =	sand.u32 $0xF, s28;
	[tilespmem:s19+$0x1450 ss:$0x41] =	vst.msk $0xffff, v61;
	s20 =	ssub.s32 s20, s23;
	s17 =	smul.u32 s18, s17  }
0x55: {  	[tilespmem:s19+$0x1860 ss:$0x41] =	vst.msk $0xffff, v62;
	s21 =	sshll.u32 s30, $0x12;
	s20 =	sshll.u32 s20, $0x4;
	s18 =	sadd.s32 s5, s29  }
0x56: {  	[tilespmem:s19+$0x0 ss:$0x41] =	vst.msk $0xffff, v63;
	s31 =	sor.u32 $0x40, s21;
	s18 =	sadd.s32 s20, s18;
	s17 =	sand.u32 $0x3FFFFFFF, s17  }
0x57: {  	[hbm4b:s18+s31] =	stream.strided.scatter [tilespmem:s16], [sflag:$0x2], s17, s8, s31, $0x18;
	[tilespmem:$0x8100] =	vst v63  }
.LBB1_6:
0x58: {  	_ =	sfence.sel $0x180000  }
0x59: {  	s2 =	simm.s32 $0x1;
	[bflag:$0x0] =	sbarrier.arrive $0xFFFF  }
0x5a: {  	s31 =	simm.s32 $0x2;
	[sflag:s2] =	ssyncpa.u1 $0x1  }
0x5b: {  	[sflag:s31] =	ssyncpa.u1 $0x1  }
0x5c: {  	p0 =	sne.s32 s1, $0x0;
	_ =	strace $0x9000004A  }
0x5d: {  	s0 =	sadd.s32 @!p0 $0x100000, s0;
	[bflag:$0x2] =	sbarrier.arrive $0xFFFF  }
0x5e: {  	[sflag:s0] =	ssyncadd.tile.s32 @!p0 $0x1;
	_ =	shalt  }
.Lfunc_end1:
_tile_overlayer_lowered:
.L_overlay_start_2:
0x5f: {  	(tag) =	ssettag $0x2  }
0x60: {  	s0 =	rddreg [dreg:$0x0];
	s2 =	stileid.u32  }
0x61: {  	s1 =	rddreg [dreg:$0x1];
	p0 =	sne.s32 s2, $0x0  }
0x62: {  	s3 =	rddreg [dreg:$0x2];
	[bflag:$0x3] =	sbarrier.arrive $0xFFFF;
	s2 =	simm.s32 @!p0 $0x1C01  }
0x63: {  	[timem:s3], [sflag:s2] =	dma.local @!p0 [hbm:s0], s1  }
0x64: {  	s0 =	simm.s32 @!p0 $0x1  }
0x65: {  	_ =	swait.ge @!p0 [sflag:s0], s1  }
0x66: {  	s1 =	ssub.s32 @!p0 $0x0, s1;
	[sflag:s0] =	ssyncset.done @!p0 $0x0  }
0x67: {  	[sflag:s0] =	ssyncadd.s32 @!p0 s1  }
0x68: {  	[bflag:$0x3] =	sbarrier.arrive $0xFFFF  }
0x69: {  	_ =	shalt  }

</sc_bundles>
